<compile_context>
chip_gen: v7x
topology: tpu7x:2x2x1
jax: 0.10.2.dev20260603
libtpu: 0.0.44.dev20260713+nightly
codegen_flags: <defaults>
</compile_context>

<pallas_src>
import jax
import jax.numpy as jnp
from jax import lax
from jax.experimental import pallas as pl
from jax.experimental.pallas import tpu as pltpu
from jax.experimental.pallas import tpu_sc as plsc

N = 10000
E = 320000
D = 128
EPS = 1e-5

NC = 2
NS = 16
NW = NC * NS
EPW = E // NW
CH = 96
EPWP = 10080
NCHUNK = EPWP // CH
NPAIR = (NCHUNK - 1) // 2
NPAD = 10240
RPT = NPAD // NS


def _mesh():
    return plsc.VectorSubcoreMesh(core_axis_name="c", subcore_axis_name="s",
                                  num_cores=NC, num_subcores=NS)



def _sc_degree_body(dst_hbm, out_hbm, idx_d, obuf, hist, *sems):
    c = lax.axis_index("c")
    s = lax.axis_index("s")
    wid = s * NC + c

    def fill(val):
        def go(i, carry):
            for q in range(D // 16):
                obuf[i, pl.ds(q * 16, 16)] = jnp.full((16,), val, jnp.float32)
            return carry
        lax.fori_loop(0, CH, go, 0)

    fill(0.0)
    for q in range(RPT // 80):
        pltpu.sync_copy(obuf.at[pl.ds(0, 80)],
                        hist.at[pl.ds(s * RPT + q * 80, 80)])
    fill(1.0)
    pltpu.sync_copy(dst_hbm.at[wid], idx_d)
    plsc.subcore_barrier()

    def group(t, carry):
        for b in range(len(sems)):
            j = t * len(sems) + b
            pltpu.async_copy(obuf, hist.at[idx_d.at[j]], sems[b], add=True)
        for b in range(len(sems)):
            j = t * len(sems) + b
            pltpu.make_async_copy(obuf, hist.at[idx_d.at[j]],
                                  sems[b]).wait()
        return carry

    lax.fori_loop(0, NCHUNK // 5, group, 0)
    plsc.subcore_barrier()
    pltpu.sync_copy(hist.at[pl.ds(s * RPT, RPT)],
                    out_hbm.at[c, pl.ds(s * RPT, RPT)])


def _sc_degree(dst3):
    f = pl.kernel(
        _sc_degree_body,
        out_type=jax.ShapeDtypeStruct((NC, NPAD, D), jnp.float32),
        mesh=_mesh(),
        scratch_types=[
            pltpu.VMEM((NCHUNK, CH), jnp.int32),
            pltpu.VMEM((CH, D), jnp.float32),
            pltpu.VMEM_SHARED((NPAD, D), jnp.float32),
        ] + [pltpu.SemaphoreType.DMA] * 5,
    )
    return f(dst3)


def _sc_aggregate_body(hp_hbm, src_hbm, dst_hbm, out_hbm,
                       idx_s, idx_d, rows_a, rows_b, agg,
                       gsa, gsb, ssa, ssb):
    c = lax.axis_index("c")
    s = lax.axis_index("s")
    wid = s * NC + c

    def zrow(i, carry):
        for q in range(D // 16):
            rows_a[i, pl.ds(q * 16, 16)] = jnp.zeros((16,), jnp.float32)
        return carry

    lax.fori_loop(0, CH, zrow, 0)
    for q in range(RPT // 80):
        pltpu.sync_copy(rows_a.at[pl.ds(0, 80)],
                        agg.at[pl.ds(s * RPT + q * 80, 80)])
    off = pl.multiple_of(wid * EPWP, 8)
    pltpu.sync_copy(src_hbm.at[pl.ds(off, EPWP)], idx_s)
    pltpu.sync_copy(dst_hbm.at[wid], idx_d)
    plsc.subcore_barrier()

    def g_start(j, buf, sem):
        pltpu.async_copy(hp_hbm.at[idx_s.at[pl.ds(j * CH, CH)]], buf, sem)

    def g_wait(j, buf, sem):
        pltpu.make_async_copy(hp_hbm.at[idx_s.at[pl.ds(j * CH, CH)]],
                              buf, sem).wait()

    def s_start(j, buf, sem):
        pltpu.async_copy(buf, agg.at[idx_d.at[j]], sem, add=True)

    def s_wait(j, buf, sem):
        pltpu.make_async_copy(buf, agg.at[idx_d.at[j]], sem).wait()

    g_start(0, rows_a, gsa)

    def pair(t, carry):
        j0 = 2 * t
        g_wait(j0, rows_a, gsa)
        s_start(j0, rows_a, ssa)

        @pl.when(t > 0)
        def _():
            s_wait(j0 - 1, rows_b, ssb)

        g_start(j0 + 1, rows_b, gsb)
        g_wait(j0 + 1, rows_b, gsb)
        s_start(j0 + 1, rows_b, ssb)
        s_wait(j0, rows_a, ssa)
        g_start(j0 + 2, rows_a, gsa)
        return carry

    lax.fori_loop(0, NPAIR, pair, 0)
    last = NCHUNK - 1
    g_wait(last, rows_a, gsa)
    s_start(last, rows_a, ssa)
    s_wait(last - 1, rows_b, ssb)
    s_wait(last, rows_a, ssa)
    plsc.subcore_barrier()
    pltpu.sync_copy(agg.at[pl.ds(s * RPT, RPT)],
                    out_hbm.at[c, pl.ds(s * RPT, RPT)])


def _sc_aggregate(hp, src3, dst3):
    f = pl.kernel(
        _sc_aggregate_body,
        out_type=jax.ShapeDtypeStruct((NC, NPAD, D), jnp.float32),
        mesh=_mesh(),
        scratch_types=[
            pltpu.VMEM((EPWP,), jnp.int32),
            pltpu.VMEM((NCHUNK, CH), jnp.int32),
            pltpu.VMEM((CH, D), jnp.float32),
            pltpu.VMEM((CH, D), jnp.float32),
            pltpu.VMEM_SHARED((NPAD, D), jnp.float32),
        ] + [pltpu.SemaphoreType.DMA] * 4,
    )
    return f(hp, src3, dst3)



_BR = 1024
_GRID = NPAD // _BR


def _tc_mm_body(x_ref, w_ref, out_ref):
    out_ref[...] = jnp.dot(x_ref[...], w_ref[...],
                           preferred_element_type=jnp.float32)


def _tc_pre_body(h_ref, d0_ref, d1_ref, out_ref, dis_ref):
    deg = d0_ref[...] + d1_ref[...] + 1.0
    dis = lax.rsqrt(deg)
    out_ref[...] = h_ref[...] * dis
    dis_ref[...] = dis


def _layer_post(p0, p1, hp, dis, b, g, be):
    z = (p0 + p1 + hp) * dis + b
    t = jnp.tanh(z)
    mu = jnp.mean(t, axis=-1, keepdims=True)
    var = jnp.mean((t - mu) ** 2, axis=-1, keepdims=True)
    return (t - mu) / jnp.sqrt(var + EPS) * g + be


def _tc_mid_body(p0_ref, p1_ref, hp_ref, dis_ref,
                 b_ref, g_ref, be_ref, w_ref, out_ref):
    dis = dis_ref[...]
    y = _layer_post(p0_ref[...], p1_ref[...], hp_ref[...], dis,
                    b_ref[...], g_ref[...], be_ref[...])
    out_ref[...] = jnp.dot(y, w_ref[...],
                           preferred_element_type=jnp.float32) * dis


def _tc_final_body(p0_ref, p1_ref, hp_ref, dis_ref,
                   b_ref, g_ref, be_ref, out_ref):
    out_ref[...] = _layer_post(p0_ref[...], p1_ref[...], hp_ref[...],
                               dis_ref[...],
                               b_ref[...], g_ref[...], be_ref[...])


_ROWS = pl.BlockSpec((_BR, D), lambda i: (i, 0))
_FULLW = pl.BlockSpec((D, D), lambda i: (0, 0))
_VEC = pl.BlockSpec((1, D), lambda i: (0, 0))
_OUT = jax.ShapeDtypeStruct((NPAD, D), jnp.float32)


def _tc_mm(x, W):
    return pl.pallas_call(
        _tc_mm_body,
        grid=(_GRID,),
        in_specs=[_ROWS, _FULLW],
        out_specs=_ROWS,
        out_shape=_OUT,
    )(x, W)


def _tc_pre(h, d0, d1):
    return pl.pallas_call(
        _tc_pre_body,
        grid=(_GRID,),
        in_specs=[_ROWS, _ROWS, _ROWS],
        out_specs=[_ROWS, _ROWS],
        out_shape=[_OUT, _OUT],
    )(h, d0, d1)


def _tc_mid(p0, p1, hp, dis, b, g, be, W):
    return pl.pallas_call(
        _tc_mid_body,
        grid=(_GRID,),
        in_specs=[_ROWS, _ROWS, _ROWS, _ROWS, _VEC, _VEC, _VEC, _FULLW],
        out_specs=_ROWS,
        out_shape=_OUT,
    )(p0, p1, hp, dis, b, g, be, W)


def _tc_final(p0, p1, hp, dis, b, g, be):
    return pl.pallas_call(
        _tc_final_body,
        grid=(_GRID,),
        in_specs=[_ROWS, _ROWS, _ROWS, _ROWS, _VEC, _VEC, _VEC],
        out_specs=_ROWS,
        out_shape=_OUT,
    )(p0, p1, hp, dis, b, g, be)



def kernel(x, edge_index, W1, b1, g1, be1, W2, b2, g2, be2):
    pad_idx = N + (jnp.arange(NW, dtype=jnp.int32)[:, None] * 8
                   + jnp.arange(EPWP - EPW, dtype=jnp.int32)[None, :]) % (NPAD - N)
    def padw(a):
        return jnp.concatenate([a.reshape(NW, EPW), pad_idx], axis=1)
    src3 = padw(edge_index[0]).reshape(-1)
    dst3 = padw(edge_index[1]).reshape(NW, NCHUNK, CH)
    xp = jnp.pad(x, ((0, NPAD - N), (0, 0)))
    b1, g1, be1 = b1.reshape(1, D), g1.reshape(1, D), be1.reshape(1, D)
    b2, g2, be2 = b2.reshape(1, D), g2.reshape(1, D), be2.reshape(1, D)

    degp = _sc_degree(dst3)
    h1 = _tc_mm(xp, W1)

    h1p, dis = _tc_pre(h1, degp[0], degp[1])
    p = _sc_aggregate(h1p, src3, dst3)
    h2p = _tc_mid(p[0], p[1], h1p, dis, b1, g1, be1, W2)
    p2 = _sc_aggregate(h2p, src3, dst3)
    y = _tc_final(p2[0], p2[1], h2p, dis, b2, g2, be2)
    return y[:N]

# --- scband reference (transcript-rebuilt; emitter-appended) ---
"""Pipeline reference for scband-flexible-gnn-24867860644044 (READ-ONLY COPY).

The authoritative reference and input builder live on the scoring server;
editing this copy changes nothing except your own understanding.
"""

import jax, jax.numpy as jnp
import numpy as np

N = 10000
E = 320000
D = 128
EPS = 1e-5


def gcn_conv(x, src, dst, W, b):
    # PyG-style GCNConv: add self loops, symmetric normalization, scatter-add aggregation
    h = x @ W
    loop = jnp.arange(N, dtype=src.dtype)
    s = jnp.concatenate([src, loop])
    d = jnp.concatenate([dst, loop])
    deg = jnp.zeros((N,), dtype=x.dtype).at[d].add(1.0)
    deg_inv_sqrt = jnp.where(deg > 0, 1.0 / jnp.sqrt(deg), 0.0)
    norm = deg_inv_sqrt[s] * deg_inv_sqrt[d]
    msg = h[s] * norm[:, None]
    out = jnp.zeros((N, h.shape[1]), dtype=x.dtype).at[d].add(msg)
    return out + b


def layer_norm(x, g, be):
    mu = jnp.mean(x, axis=-1, keepdims=True)
    var = jnp.mean((x - mu) ** 2, axis=-1, keepdims=True)
    return (x - mu) / jnp.sqrt(var + EPS) * g + be


def setup_inputs(seed: int = 0):
    key = jax.random.key(seed)
    ks = jax.random.split(key, 4)
    x = jax.random.normal(ks[0], (N, D), dtype=jnp.float32)
    edge_index = jax.random.randint(ks[1], (2, E), 0, N, dtype=jnp.int32)
    s = 1.0 / np.sqrt(D)
    W1 = jax.random.normal(ks[2], (D, D), dtype=jnp.float32) * s
    b1 = jnp.zeros((D,), dtype=jnp.float32)
    g1 = jnp.ones((D,), dtype=jnp.float32)
    be1 = jnp.zeros((D,), dtype=jnp.float32)
    W2 = jax.random.normal(ks[3], (D, D), dtype=jnp.float32) * s
    b2 = jnp.zeros((D,), dtype=jnp.float32)
    g2 = jnp.ones((D,), dtype=jnp.float32)
    be2 = jnp.zeros((D,), dtype=jnp.float32)
    return {"x": x, "edge_index": edge_index, "W1": W1, "b1": b1, "g1": g1, "be1": be1, "W2": W2, "b2": b2, "g2": g2, "be2": be2}


def reference(x, edge_index, W1, b1, g1, be1, W2, b2, g2, be2):
    # eval mode: dropout (p=0.1) is identity
    src, dst = edge_index[0], edge_index[1]
    h = gcn_conv(x, src, dst, W1, b1)
    h = jnp.tanh(h)
    h = layer_norm(h, g1, be1)
    h = gcn_conv(h, src, dst, W2, b2)
    h = jnp.tanh(h)
    h = layer_norm(h, g2, be2)
    return h

if __name__ == "__main__":
    import jax
    _d = setup_inputs()
    print(jax.jit(kernel)(*tuple(_d.values())))

</pallas_src>

<mosaic_0001>
#map = affine_map<(d0, d1) -> (0, 0)>
#map1 = affine_map<(d0, d1) -> (0)>
#map2 = affine_map<(d0, d1) -> (0, 0, 0)>
module attributes {stable_mosaic.version = 14 : i64} {
  func.func @_sc_aggregate_body(%arg0: i32, %arg1: i32, %arg2: memref<10240x128xf32, #tpu.memory_space<hbm>>, %arg3: memref<322560xi32, #tpu.memory_space<hbm>>, %arg4: memref<32x105x96xi32, #tpu.memory_space<hbm>>, %arg5: memref<2x10240x128xf32, #tpu.memory_space<hbm>>, %arg6: memref<10080xi32, #tpu.memory_space<vmem>>, %arg7: memref<105x96xi32, #tpu.memory_space<vmem>>, %arg8: memref<96x128xf32, #tpu.memory_space<vmem>>, %arg9: memref<96x128xf32, #tpu.memory_space<vmem>>, %arg10: memref<10240x128xf32, #tpu.memory_space<vmem_shared>>, %arg11: memref<!tpu.dma_semaphore, #tpu.memory_space<semaphore_mem>>, %arg12: memref<!tpu.dma_semaphore, #tpu.memory_space<semaphore_mem>>, %arg13: memref<!tpu.dma_semaphore, #tpu.memory_space<semaphore_mem>>, %arg14: memref<!tpu.dma_semaphore, #tpu.memory_space<semaphore_mem>>) attributes {dimension_semantics = [#tpu.dimension_semantics<core_parallel>, #tpu.dimension_semantics<subcore_parallel>], iteration_bounds = array<i64: 2, 16>, scalar_prefetch = 0 : i64, scratch_operands = 9 : i64, tpu.core_type = #tpu.core_type<sc_vector_subcore>, window_params = [{transform_indices = #map}, {transform_indices = #map1}, {transform_indices = #map2}, {transform_indices = #map2}]} {
    %mul3A = arith.constant 2 : i32
    %mul3A_0 = arith.muli %arg1, %mul3A : i32
    %add3A = arith.addi %mul3A_0, %arg0 : i32
    %scan3A = arith.constant 0 : i32
    %scan3A_1 = arith.constant 0 : i32
    %scan3A_2 = arith.constant 96 : i32
    %scan3A_3 = arith.addi %scan3A_1, %scan3A_2 : i32
    %scan3A_4 = arith.constant 1 : i32
    scf.for %scan3A_80 = %scan3A_1 to %scan3A_3 step %scan3A_4  : i32 {
      %broadcast_in_dim3A = arith.constant 0.000000e+00 : f32
      %broadcast_in_dim3A_81 = vector.broadcast %broadcast_in_dim3A : f32 to vector<16xf32>
      %swap3A = arith.index_cast %scan3A_80 : i32 to index
      %swap3A_82 = arith.constant 0 : index
      %swap3A_83 = tpu.vector_load %arg8[%swap3A, %swap3A_82] {strides = array<i32>} : memref<96x128xf32, #tpu.memory_space<vmem>>, vector<1x16xf32>,
      %swap3A_84 = vector.shape_cast %swap3A_83 : vector<1x16xf32> to vector<16xf32>
      %swap3A_85 = vector.shape_cast %broadcast_in_dim3A_81 : vector<16xf32> to vector<1x16xf32>
      tpu.vector_store %arg8[%swap3A, %swap3A_82], %swap3A_85 {strides = array<i32>} : memref<96x128xf32, #tpu.memory_space<vmem>>, vector<1x16xf32>,
      %broadcast_in_dim3A_86 = arith.constant 0.000000e+00 : f32
      %broadcast_in_dim3A_87 = vector.broadcast %broadcast_in_dim3A_86 : f32 to vector<16xf32>
      %swap3A_88 = arith.index_cast %scan3A_80 : i32 to index
      %swap3A_89 = arith.constant 16 : index
      %swap3A_90 = tpu.vector_load %arg8[%swap3A_88, %swap3A_89] {strides = array<i32>} : memref<96x128xf32, #tpu.memory_space<vmem>>, vector<1x16xf32>,
      %swap3A_91 = vector.shape_cast %swap3A_90 : vector<1x16xf32> to vector<16xf32>
      %swap3A_92 = vector.shape_cast %broadcast_in_dim3A_87 : vector<16xf32> to vector<1x16xf32>
      tpu.vector_store %arg8[%swap3A_88, %swap3A_89], %swap3A_92 {strides = array<i32>} : memref<96x128xf32, #tpu.memory_space<vmem>>, vector<1x16xf32>,
      %broadcast_in_dim3A_93 = arith.constant 0.000000e+00 : f32
      %broadcast_in_dim3A_94 = vector.broadcast %broadcast_in_dim3A_93 : f32 to vector<16xf32>
      %swap3A_95 = arith.index_cast %scan3A_80 : i32 to index
      %swap3A_96 = arith.constant 32 : index
      %swap3A_97 = tpu.vector_load %arg8[%swap3A_95, %swap3A_96] {strides = array<i32>} : memref<96x128xf32, #tpu.memory_space<vmem>>, vector<1x16xf32>,
      %swap3A_98 = vector.shape_cast %swap3A_97 : vector<1x16xf32> to vector<16xf32>
      %swap3A_99 = vector.shape_cast %broadcast_in_dim3A_94 : vector<16xf32> to vector<1x16xf32>
      tpu.vector_store %arg8[%swap3A_95, %swap3A_96], %swap3A_99 {strides = array<i32>} : memref<96x128xf32, #tpu.memory_space<vmem>>, vector<1x16xf32>,
      %broadcast_in_dim3A_100 = arith.constant 0.000000e+00 : f32
      %broadcast_in_dim3A_101 = vector.broadcast %broadcast_in_dim3A_100 : f32 to vector<16xf32>
      %swap3A_102 = arith.index_cast %scan3A_80 : i32 to index
      %swap3A_103 = arith.constant 48 : index
      %swap3A_104 = tpu.vector_load %arg8[%swap3A_102, %swap3A_103] {strides = array<i32>} : memref<96x128xf32, #tpu.memory_space<vmem>>, vector<1x16xf32>,
      %swap3A_105 = vector.shape_cast %swap3A_104 : vector<1x16xf32> to vector<16xf32>
      %swap3A_106 = vector.shape_cast %broadcast_in_dim3A_101 : vector<16xf32> to vector<1x16xf32>
      tpu.vector_store %arg8[%swap3A_102, %swap3A_103], %swap3A_106 {strides = array<i32>} : memref<96x128xf32, #tpu.memory_space<vmem>>, vector<1x16xf32>,
      %broadcast_in_dim3A_107 = arith.constant 0.000000e+00 : f32
      %broadcast_in_dim3A_108 = vector.broadcast %broadcast_in_dim3A_107 : f32 to vector<16xf32>
      %swap3A_109 = arith.index_cast %scan3A_80 : i32 to index
      %swap3A_110 = arith.constant 64 : index
      %swap3A_111 = tpu.vector_load %arg8[%swap3A_109, %swap3A_110] {strides = array<i32>} : memref<96x128xf32, #tpu.memory_space<vmem>>, vector<1x16xf32>,
      %swap3A_112 = vector.shape_cast %swap3A_111 : vector<1x16xf32> to vector<16xf32>
      %swap3A_113 = vector.shape_cast %broadcast_in_dim3A_108 : vector<16xf32> to vector<1x16xf32>
      tpu.vector_store %arg8[%swap3A_109, %swap3A_110], %swap3A_113 {strides = array<i32>} : memref<96x128xf32, #tpu.memory_space<vmem>>, vector<1x16xf32>,
      %broadcast_in_dim3A_114 = arith.constant 0.000000e+00 : f32
      %broadcast_in_dim3A_115 = vector.broadcast %broadcast_in_dim3A_114 : f32 to vector<16xf32>
      %swap3A_116 = arith.index_cast %scan3A_80 : i32 to index
      %swap3A_117 = arith.constant 80 : index
      %swap3A_118 = tpu.vector_load %arg8[%swap3A_116, %swap3A_117] {strides = array<i32>} : memref<96x128xf32, #tpu.memory_space<vmem>>, vector<1x16xf32>,
      %swap3A_119 = vector.shape_cast %swap3A_118 : vector<1x16xf32> to vector<16xf32>
      %swap3A_120 = vector.shape_cast %broadcast_in_dim3A_115 : vector<16xf32> to vector<1x16xf32>
      tpu.vector_store %arg8[%swap3A_116, %swap3A_117], %swap3A_120 {strides = array<i32>} : memref<96x128xf32, #tpu.memory_space<vmem>>, vector<1x16xf32>,
      %broadcast_in_dim3A_121 = arith.constant 0.000000e+00 : f32
      %broadcast_in_dim3A_122 = vector.broadcast %broadcast_in_dim3A_121 : f32 to vector<16xf32>
      %swap3A_123 = arith.index_cast %scan3A_80 : i32 to index
      %swap3A_124 = arith.constant 96 : index
      %swap3A_125 = tpu.vector_load %arg8[%swap3A_123, %swap3A_124] {strides = array<i32>} : memref<96x128xf32, #tpu.memory_space<vmem>>, vector<1x16xf32>,
      %swap3A_126 = vector.shape_cast %swap3A_125 : vector<1x16xf32> to vector<16xf32>
      %swap3A_127 = vector.shape_cast %broadcast_in_dim3A_122 : vector<16xf32> to vector<1x16xf32>
      tpu.vector_store %arg8[%swap3A_123, %swap3A_124], %swap3A_127 {strides = array<i32>} : memref<96x128xf32, #tpu.memory_space<vmem>>, vector<1x16xf32>,
      %broadcast_in_dim3A_128 = arith.constant 0.000000e+00 : f32
      %broadcast_in_dim3A_129 = vector.broadcast %broadcast_in_dim3A_128 : f32 to vector<16xf32>
      %swap3A_130 = arith.index_cast %scan3A_80 : i32 to index
      %swap3A_131 = arith.constant 112 : index
      %swap3A_132 = tpu.vector_load %arg8[%swap3A_130, %swap3A_131] {strides = array<i32>} : memref<96x128xf32, #tpu.memory_space<vmem>>, vector<1x16xf32>,
      %swap3A_133 = vector.shape_cast %swap3A_132 : vector<1x16xf32> to vector<16xf32>
      %swap3A_134 = vector.shape_cast %broadcast_in_dim3A_129 : vector<16xf32> to vector<1x16xf32>
      tpu.vector_store %arg8[%swap3A_130, %swap3A_131], %swap3A_134 {strides = array<i32>} : memref<96x128xf32, #tpu.memory_space<vmem>>, vector<1x16xf32>,
    }
    %scan3A_5 = arith.constant 96 : i32
    %mul3A_6 = arith.constant 640 : i32
    %mul3A_7 = arith.muli %arg1, %mul3A_6 : i32
    %add3A_8 = arith.constant 0 : i32
    %add3A_9 = arith.addi %mul3A_7, %add3A_8 : i32
    "tpu.region"() ({
      %run_scoped3A = tpu.sem_alloc : memref<!tpu.dma_semaphore, #tpu.memory_space<semaphore_mem>>
      %dma_start3A_80 = arith.constant 0 : i32
      %dma_start3A_81 = arith.constant 0 : i32
      %dma_start3A_82 = tpu.memref_slice %arg8[%dma_start3A_80, %dma_start3A_81] : memref<96x128xf32, #tpu.memory_space<vmem>> -> memref<80x128xf32, #tpu.memory_space<vmem>>
      %dma_start3A_83 = arith.constant 0 : i32
      %dma_start3A_84 = tpu.memref_slice %arg10[%add3A_9, %dma_start3A_83] : memref<10240x128xf32, #tpu.memory_space<vmem_shared>> -> memref<80x128xf32, #tpu.memory_space<vmem_shared>>
      %dma_start3A_85 = arith.constant 0 : i32
      %dma_start3A_86 = tpu.memref_slice %arg10[%add3A_9, %dma_start3A_85] : memref<10240x128xf32, #tpu.memory_space<vmem_shared>> -> memref<80x128xf32, #tpu.memory_space<vmem_shared>>
      %dma_start3A_87 = arith.constant 0 : i32
      %dma_start3A_88 = arith.constant 0 : i32
      %dma_start3A_89 = tpu.memref_slice %arg8[%dma_start3A_87, %dma_start3A_88] : memref<96x128xf32, #tpu.memory_space<vmem>> -> memref<80x128xf32, #tpu.memory_space<vmem>>
      tpu.enqueue_dma source(%dma_start3A_89 : memref<80x128xf32, #tpu.memory_space<vmem>>) target(%dma_start3A_86 : memref<80x128xf32, #tpu.memory_space<vmem_shared>>) target_semaphore(%run_scoped3A : memref<!tpu.dma_semaphore, #tpu.memory_space<semaphore_mem>>)
      %dma_wait3A_90 = arith.constant 0 : i32
      %dma_wait3A_91 = arith.constant 0 : i32
      %dma_wait3A_92 = tpu.memref_slice %arg8[%dma_wait3A_90, %dma_wait3A_91] : memref<96x128xf32, #tpu.memory_space<vmem>> -> memref<80x128xf32, #tpu.memory_space<vmem>>
      %dma_wait3A_93 = arith.constant 0 : i32
      %dma_wait3A_94 = tpu.memref_slice %arg10[%add3A_9, %dma_wait3A_93] : memref<10240x128xf32, #tpu.memory_space<vmem_shared>> -> memref<80x128xf32, #tpu.memory_space<vmem_shared>>
      %dma_wait3A_95 = arith.constant 0 : i32
      %dma_wait3A_96 = tpu.memref_slice %arg10[%add3A_9, %dma_wait3A_95] : memref<10240x128xf32, #tpu.memory_space<vmem_shared>> -> memref<80x128xf32, #tpu.memory_space<vmem_shared>>
      %dma_wait3A_97 = arith.constant 0 : i32
      %dma_wait3A_98 = arith.constant 0 : i32
      %dma_wait3A_99 = tpu.memref_slice %arg8[%dma_wait3A_97, %dma_wait3A_98] : memref<96x128xf32, #tpu.memory_space<vmem>> -> memref<80x128xf32, #tpu.memory_space<vmem>>
      tpu.wait_dma2 semaphore(%run_scoped3A : memref<!tpu.dma_semaphore, #tpu.memory_space<semaphore_mem>>) src(%dma_wait3A_99 : memref<80x128xf32, #tpu.memory_space<vmem>>) dst(%dma_wait3A_96 : memref<80x128xf32, #tpu.memory_space<vmem_shared>>)
      tpu.yield
    }) : () -> ()
    %mul3A_10 = arith.constant 640 : i32
    %mul3A_11 = arith.muli %arg1, %mul3A_10 : i32
    %add3A_12 = arith.constant 80 : i32
    %add3A_13 = arith.addi %mul3A_11, %add3A_12 : i32
    "tpu.region"() ({
      %run_scoped3A = tpu.sem_alloc : memref<!tpu.dma_semaphore, #tpu.memory_space<semaphore_mem>>
      %dma_start3A_80 = arith.constant 0 : i32
      %dma_start3A_81 = arith.constant 0 : i32
      %dma_start3A_82 = tpu.memref_slice %arg8[%dma_start3A_80, %dma_start3A_81] : memref<96x128xf32, #tpu.memory_space<vmem>> -> memref<80x128xf32, #tpu.memory_space<vmem>>
      %dma_start3A_83 = arith.constant 0 : i32
      %dma_start3A_84 = tpu.memref_slice %arg10[%add3A_13, %dma_start3A_83] : memref<10240x128xf32, #tpu.memory_space<vmem_shared>> -> memref<80x128xf32, #tpu.memory_space<vmem_shared>>
      %dma_start3A_85 = arith.constant 0 : i32
      %dma_start3A_86 = tpu.memref_slice %arg10[%add3A_13, %dma_start3A_85] : memref<10240x128xf32, #tpu.memory_space<vmem_shared>> -> memref<80x128xf32, #tpu.memory_space<vmem_shared>>
      %dma_start3A_87 = arith.constant 0 : i32
      %dma_start3A_88 = arith.constant 0 : i32
      %dma_start3A_89 = tpu.memref_slice %arg8[%dma_start3A_87, %dma_start3A_88] : memref<96x128xf32, #tpu.memory_space<vmem>> -> memref<80x128xf32, #tpu.memory_space<vmem>>
      tpu.enqueue_dma source(%dma_start3A_89 : memref<80x128xf32, #tpu.memory_space<vmem>>) target(%dma_start3A_86 : memref<80x128xf32, #tpu.memory_space<vmem_shared>>) target_semaphore(%run_scoped3A : memref<!tpu.dma_semaphore, #tpu.memory_space<semaphore_mem>>)
      %dma_wait3A_90 = arith.constant 0 : i32
      %dma_wait3A_91 = arith.constant 0 : i32
      %dma_wait3A_92 = tpu.memref_slice %arg8[%dma_wait3A_90, %dma_wait3A_91] : memref<96x128xf32, #tpu.memory_space<vmem>> -> memref<80x128xf32, #tpu.memory_space<vmem>>
      %dma_wait3A_93 = arith.constant 0 : i32
      %dma_wait3A_94 = tpu.memref_slice %arg10[%add3A_13, %dma_wait3A_93] : memref<10240x128xf32, #tpu.memory_space<vmem_shared>> -> memref<80x128xf32, #tpu.memory_space<vmem_shared>>
      %dma_wait3A_95 = arith.constant 0 : i32
      %dma_wait3A_96 = tpu.memref_slice %arg10[%add3A_13, %dma_wait3A_95] : memref<10240x128xf32, #tpu.memory_space<vmem_shared>> -> memref<80x128xf32, #tpu.memory_space<vmem_shared>>
      %dma_wait3A_97 = arith.constant 0 : i32
      %dma_wait3A_98 = arith.constant 0 : i32
      %dma_wait3A_99 = tpu.memref_slice %arg8[%dma_wait3A_97, %dma_wait3A_98] : memref<96x128xf32, #tpu.memory_space<vmem>> -> memref<80x128xf32, #tpu.memory_space<vmem>>
      tpu.wait_dma2 semaphore(%run_scoped3A : memref<!tpu.dma_semaphore, #tpu.memory_space<semaphore_mem>>) src(%dma_wait3A_99 : memref<80x128xf32, #tpu.memory_space<vmem>>) dst(%dma_wait3A_96 : memref<80x128xf32, #tpu.memory_space<vmem_shared>>)
      tpu.yield
    }) : () -> ()
    %mul3A_14 = arith.constant 640 : i32
    %mul3A_15 = arith.muli %arg1, %mul3A_14 : i32
    %add3A_16 = arith.constant 160 : i32
    %add3A_17 = arith.addi %mul3A_15, %add3A_16 : i32
    "tpu.region"() ({
      %run_scoped3A = tpu.sem_alloc : memref<!tpu.dma_semaphore, #tpu.memory_space<semaphore_mem>>
      %dma_start3A_80 = arith.constant 0 : i32
      %dma_start3A_81 = arith.constant 0 : i32
      %dma_start3A_82 = tpu.memref_slice %arg8[%dma_start3A_80, %dma_start3A_81] : memref<96x128xf32, #tpu.memory_space<vmem>> -> memref<80x128xf32, #tpu.memory_space<vmem>>
      %dma_start3A_83 = arith.constant 0 : i32
      %dma_start3A_84 = tpu.memref_slice %arg10[%add3A_17, %dma_start3A_83] : memref<10240x128xf32, #tpu.memory_space<vmem_shared>> -> memref<80x128xf32, #tpu.memory_space<vmem_shared>>
      %dma_start3A_85 = arith.constant 0 : i32
      %dma_start3A_86 = tpu.memref_slice %arg10[%add3A_17, %dma_start3A_85] : memref<10240x128xf32, #tpu.memory_space<vmem_shared>> -> memref<80x128xf32, #tpu.memory_space<vmem_shared>>
      %dma_start3A_87 = arith.constant 0 : i32
      %dma_start3A_88 = arith.constant 0 : i32
      %dma_start3A_89 = tpu.memref_slice %arg8[%dma_start3A_87, %dma_start3A_88] : memref<96x128xf32, #tpu.memory_space<vmem>> -> memref<80x128xf32, #tpu.memory_space<vmem>>
      tpu.enqueue_dma source(%dma_start3A_89 : memref<80x128xf32, #tpu.memory_space<vmem>>) target(%dma_start3A_86 : memref<80x128xf32, #tpu.memory_space<vmem_shared>>) target_semaphore(%run_scoped3A : memref<!tpu.dma_semaphore, #tpu.memory_space<semaphore_mem>>)
      %dma_wait3A_90 = arith.constant 0 : i32
      %dma_wait3A_91 = arith.constant 0 : i32
      %dma_wait3A_92 = tpu.memref_slice %arg8[%dma_wait3A_90, %dma_wait3A_91] : memref<96x128xf32, #tpu.memory_space<vmem>> -> memref<80x128xf32, #tpu.memory_space<vmem>>
      %dma_wait3A_93 = arith.constant 0 : i32
      %dma_wait3A_94 = tpu.memref_slice %arg10[%add3A_17, %dma_wait3A_93] : memref<10240x128xf32, #tpu.memory_space<vmem_shared>> -> memref<80x128xf32, #tpu.memory_space<vmem_shared>>
      %dma_wait3A_95 = arith.constant 0 : i32
      %dma_wait3A_96 = tpu.memref_slice %arg10[%add3A_17, %dma_wait3A_95] : memref<10240x128xf32, #tpu.memory_space<vmem_shared>> -> memref<80x128xf32, #tpu.memory_space<vmem_shared>>
      %dma_wait3A_97 = arith.constant 0 : i32
      %dma_wait3A_98 = arith.constant 0 : i32
      %dma_wait3A_99 = tpu.memref_slice %arg8[%dma_wait3A_97, %dma_wait3A_98] : memref<96x128xf32, #tpu.memory_space<vmem>> -> memref<80x128xf32, #tpu.memory_space<vmem>>
      tpu.wait_dma2 semaphore(%run_scoped3A : memref<!tpu.dma_semaphore, #tpu.memory_space<semaphore_mem>>) src(%dma_wait3A_99 : memref<80x128xf32, #tpu.memory_space<vmem>>) dst(%dma_wait3A_96 : memref<80x128xf32, #tpu.memory_space<vmem_shared>>)
      tpu.yield
    }) : () -> ()
    %mul3A_18 = arith.constant 640 : i32
    %mul3A_19 = arith.muli %arg1, %mul3A_18 : i32
    %add3A_20 = arith.constant 240 : i32
    %add3A_21 = arith.addi %mul3A_19, %add3A_20 : i32
    "tpu.region"() ({
      %run_scoped3A = tpu.sem_alloc : memref<!tpu.dma_semaphore, #tpu.memory_space<semaphore_mem>>
      %dma_start3A_80 = arith.constant 0 : i32
      %dma_start3A_81 = arith.constant 0 : i32
      %dma_start3A_82 = tpu.memref_slice %arg8[%dma_start3A_80, %dma_start3A_81] : memref<96x128xf32, #tpu.memory_space<vmem>> -> memref<80x128xf32, #tpu.memory_space<vmem>>
      %dma_start3A_83 = arith.constant 0 : i32
      %dma_start3A_84 = tpu.memref_slice %arg10[%add3A_21, %dma_start3A_83] : memref<10240x128xf32, #tpu.memory_space<vmem_shared>> -> memref<80x128xf32, #tpu.memory_space<vmem_shared>>
      %dma_start3A_85 = arith.constant 0 : i32
      %dma_start3A_86 = tpu.memref_slice %arg10[%add3A_21, %dma_start3A_85] : memref<10240x128xf32, #tpu.memory_space<vmem_shared>> -> memref<80x128xf32, #tpu.memory_space<vmem_shared>>
      %dma_start3A_87 = arith.constant 0 : i32
      %dma_start3A_88 = arith.constant 0 : i32
      %dma_start3A_89 = tpu.memref_slice %arg8[%dma_start3A_87, %dma_start3A_88] : memref<96x128xf32, #tpu.memory_space<vmem>> -> memref<80x128xf32, #tpu.memory_space<vmem>>
      tpu.enqueue_dma source(%dma_start3A_89 : memref<80x128xf32, #tpu.memory_space<vmem>>) target(%dma_start3A_86 : memref<80x128xf32, #tpu.memory_space<vmem_shared>>) target_semaphore(%run_scoped3A : memref<!tpu.dma_semaphore, #tpu.memory_space<semaphore_mem>>)
      %dma_wait3A_90 = arith.constant 0 : i32
      %dma_wait3A_91 = arith.constant 0 : i32
      %dma_wait3A_92 = tpu.memref_slice %arg8[%dma_wait3A_90, %dma_wait3A_91] : memref<96x128xf32, #tpu.memory_space<vmem>> -> memref<80x128xf32, #tpu.memory_space<vmem>>
      %dma_wait3A_93 = arith.constant 0 : i32
      %dma_wait3A_94 = tpu.memref_slice %arg10[%add3A_21, %dma_wait3A_93] : memref<10240x128xf32, #tpu.memory_space<vmem_shared>> -> memref<80x128xf32, #tpu.memory_space<vmem_shared>>
      %dma_wait3A_95 = arith.constant 0 : i32
      %dma_wait3A_96 = tpu.memref_slice %arg10[%add3A_21, %dma_wait3A_95] : memref<10240x128xf32, #tpu.memory_space<vmem_shared>> -> memref<80x128xf32, #tpu.memory_space<vmem_shared>>
      %dma_wait3A_97 = arith.constant 0 : i32
      %dma_wait3A_98 = arith.constant 0 : i32
      %dma_wait3A_99 = tpu.memref_slice %arg8[%dma_wait3A_97, %dma_wait3A_98] : memref<96x128xf32, #tpu.memory_space<vmem>> -> memref<80x128xf32, #tpu.memory_space<vmem>>
      tpu.wait_dma2 semaphore(%run_scoped3A : memref<!tpu.dma_semaphore, #tpu.memory_space<semaphore_mem>>) src(%dma_wait3A_99 : memref<80x128xf32, #tpu.memory_space<vmem>>) dst(%dma_wait3A_96 : memref<80x128xf32, #tpu.memory_space<vmem_shared>>)
      tpu.yield
    }) : () -> ()
    %mul3A_22 = arith.constant 640 : i32
    %mul3A_23 = arith.muli %arg1, %mul3A_22 : i32
    %add3A_24 = arith.constant 320 : i32
    %add3A_25 = arith.addi %mul3A_23, %add3A_24 : i32
    "tpu.region"() ({
      %run_scoped3A = tpu.sem_alloc : memref<!tpu.dma_semaphore, #tpu.memory_space<semaphore_mem>>
      %dma_start3A_80 = arith.constant 0 : i32
      %dma_start3A_81 = arith.constant 0 : i32
      %dma_start3A_82 = tpu.memref_slice %arg8[%dma_start3A_80, %dma_start3A_81] : memref<96x128xf32, #tpu.memory_space<vmem>> -> memref<80x128xf32, #tpu.memory_space<vmem>>
      %dma_start3A_83 = arith.constant 0 : i32
      %dma_start3A_84 = tpu.memref_slice %arg10[%add3A_25, %dma_start3A_83] : memref<10240x128xf32, #tpu.memory_space<vmem_shared>> -> memref<80x128xf32, #tpu.memory_space<vmem_shared>>
      %dma_start3A_85 = arith.constant 0 : i32
      %dma_start3A_86 = tpu.memref_slice %arg10[%add3A_25, %dma_start3A_85] : memref<10240x128xf32, #tpu.memory_space<vmem_shared>> -> memref<80x128xf32, #tpu.memory_space<vmem_shared>>
      %dma_start3A_87 = arith.constant 0 : i32
      %dma_start3A_88 = arith.constant 0 : i32
      %dma_start3A_89 = tpu.memref_slice %arg8[%dma_start3A_87, %dma_start3A_88] : memref<96x128xf32, #tpu.memory_space<vmem>> -> memref<80x128xf32, #tpu.memory_space<vmem>>
      tpu.enqueue_dma source(%dma_start3A_89 : memref<80x128xf32, #tpu.memory_space<vmem>>) target(%dma_start3A_86 : memref<80x128xf32, #tpu.memory_space<vmem_shared>>) target_semaphore(%run_scoped3A : memref<!tpu.dma_semaphore, #tpu.memory_space<semaphore_mem>>)
      %dma_wait3A_90 = arith.constant 0 : i32
      %dma_wait3A_91 = arith.constant 0 : i32
      %dma_wait3A_92 = tpu.memref_slice %arg8[%dma_wait3A_90, %dma_wait3A_91] : memref<96x128xf32, #tpu.memory_space<vmem>> -> memref<80x128xf32, #tpu.memory_space<vmem>>
      %dma_wait3A_93 = arith.constant 0 : i32
      %dma_wait3A_94 = tpu.memref_slice %arg10[%add3A_25, %dma_wait3A_93] : memref<10240x128xf32, #tpu.memory_space<vmem_shared>> -> memref<80x128xf32, #tpu.memory_space<vmem_shared>>
      %dma_wait3A_95 = arith.constant 0 : i32
      %dma_wait3A_96 = tpu.memref_slice %arg10[%add3A_25, %dma_wait3A_95] : memref<10240x128xf32, #tpu.memory_space<vmem_shared>> -> memref<80x128xf32, #tpu.memory_space<vmem_shared>>
      %dma_wait3A_97 = arith.constant 0 : i32
      %dma_wait3A_98 = arith.constant 0 : i32
      %dma_wait3A_99 = tpu.memref_slice %arg8[%dma_wait3A_97, %dma_wait3A_98] : memref<96x128xf32, #tpu.memory_space<vmem>> -> memref<80x128xf32, #tpu.memory_space<vmem>>
      tpu.wait_dma2 semaphore(%run_scoped3A : memref<!tpu.dma_semaphore, #tpu.memory_space<semaphore_mem>>) src(%dma_wait3A_99 : memref<80x128xf32, #tpu.memory_space<vmem>>) dst(%dma_wait3A_96 : memref<80x128xf32, #tpu.memory_space<vmem_shared>>)
      tpu.yield
    }) : () -> ()
    %mul3A_26 = arith.constant 640 : i32
    %mul3A_27 = arith.muli %arg1, %mul3A_26 : i32
    %add3A_28 = arith.constant 400 : i32
    %add3A_29 = arith.addi %mul3A_27, %add3A_28 : i32
    "tpu.region"() ({
      %run_scoped3A = tpu.sem_alloc : memref<!tpu.dma_semaphore, #tpu.memory_space<semaphore_mem>>
      %dma_start3A_80 = arith.constant 0 : i32
      %dma_start3A_81 = arith.constant 0 : i32
      %dma_start3A_82 = tpu.memref_slice %arg8[%dma_start3A_80, %dma_start3A_81] : memref<96x128xf32, #tpu.memory_space<vmem>> -> memref<80x128xf32, #tpu.memory_space<vmem>>
      %dma_start3A_83 = arith.constant 0 : i32
      %dma_start3A_84 = tpu.memref_slice %arg10[%add3A_29, %dma_start3A_83] : memref<10240x128xf32, #tpu.memory_space<vmem_shared>> -> memref<80x128xf32, #tpu.memory_space<vmem_shared>>
      %dma_start3A_85 = arith.constant 0 : i32
      %dma_start3A_86 = tpu.memref_slice %arg10[%add3A_29, %dma_start3A_85] : memref<10240x128xf32, #tpu.memory_space<vmem_shared>> -> memref<80x128xf32, #tpu.memory_space<vmem_shared>>
      %dma_start3A_87 = arith.constant 0 : i32
      %dma_start3A_88 = arith.constant 0 : i32
      %dma_start3A_89 = tpu.memref_slice %arg8[%dma_start3A_87, %dma_start3A_88] : memref<96x128xf32, #tpu.memory_space<vmem>> -> memref<80x128xf32, #tpu.memory_space<vmem>>
      tpu.enqueue_dma source(%dma_start3A_89 : memref<80x128xf32, #tpu.memory_space<vmem>>) target(%dma_start3A_86 : memref<80x128xf32, #tpu.memory_space<vmem_shared>>) target_semaphore(%run_scoped3A : memref<!tpu.dma_semaphore, #tpu.memory_space<semaphore_mem>>)
      %dma_wait3A_90 = arith.constant 0 : i32
      %dma_wait3A_91 = arith.constant 0 : i32
      %dma_wait3A_92 = tpu.memref_slice %arg8[%dma_wait3A_90, %dma_wait3A_91] : memref<96x128xf32, #tpu.memory_space<vmem>> -> memref<80x128xf32, #tpu.memory_space<vmem>>
      %dma_wait3A_93 = arith.constant 0 : i32
      %dma_wait3A_94 = tpu.memref_slice %arg10[%add3A_29, %dma_wait3A_93] : memref<10240x128xf32, #tpu.memory_space<vmem_shared>> -> memref<80x128xf32, #tpu.memory_space<vmem_shared>>
      %dma_wait3A_95 = arith.constant 0 : i32
      %dma_wait3A_96 = tpu.memref_slice %arg10[%add3A_29, %dma_wait3A_95] : memref<10240x128xf32, #tpu.memory_space<vmem_shared>> -> memref<80x128xf32, #tpu.memory_space<vmem_shared>>
      %dma_wait3A_97 = arith.constant 0 : i32
      %dma_wait3A_98 = arith.constant 0 : i32
      %dma_wait3A_99 = tpu.memref_slice %arg8[%dma_wait3A_97, %dma_wait3A_98] : memref<96x128xf32, #tpu.memory_space<vmem>> -> memref<80x128xf32, #tpu.memory_space<vmem>>
      tpu.wait_dma2 semaphore(%run_scoped3A : memref<!tpu.dma_semaphore, #tpu.memory_space<semaphore_mem>>) src(%dma_wait3A_99 : memref<80x128xf32, #tpu.memory_space<vmem>>) dst(%dma_wait3A_96 : memref<80x128xf32, #tpu.memory_space<vmem_shared>>)
      tpu.yield
    }) : () -> ()
    %mul3A_30 = arith.constant 640 : i32
    %mul3A_31 = arith.muli %arg1, %mul3A_30 : i32
    %add3A_32 = arith.constant 480 : i32
    %add3A_33 = arith.addi %mul3A_31, %add3A_32 : i32
    "tpu.region"() ({
      %run_scoped3A = tpu.sem_alloc : memref<!tpu.dma_semaphore, #tpu.memory_space<semaphore_mem>>
      %dma_start3A_80 = arith.constant 0 : i32
      %dma_start3A_81 = arith.constant 0 : i32
      %dma_start3A_82 = tpu.memref_slice %arg8[%dma_start3A_80, %dma_start3A_81] : memref<96x128xf32, #tpu.memory_space<vmem>> -> memref<80x128xf32, #tpu.memory_space<vmem>>
      %dma_start3A_83 = arith.constant 0 : i32
      %dma_start3A_84 = tpu.memref_slice %arg10[%add3A_33, %dma_start3A_83] : memref<10240x128xf32, #tpu.memory_space<vmem_shared>> -> memref<80x128xf32, #tpu.memory_space<vmem_shared>>
      %dma_start3A_85 = arith.constant 0 : i32
      %dma_start3A_86 = tpu.memref_slice %arg10[%add3A_33, %dma_start3A_85] : memref<10240x128xf32, #tpu.memory_space<vmem_shared>> -> memref<80x128xf32, #tpu.memory_space<vmem_shared>>
      %dma_start3A_87 = arith.constant 0 : i32
      %dma_start3A_88 = arith.constant 0 : i32
      %dma_start3A_89 = tpu.memref_slice %arg8[%dma_start3A_87, %dma_start3A_88] : memref<96x128xf32, #tpu.memory_space<vmem>> -> memref<80x128xf32, #tpu.memory_space<vmem>>
      tpu.enqueue_dma source(%dma_start3A_89 : memref<80x128xf32, #tpu.memory_space<vmem>>) target(%dma_start3A_86 : memref<80x128xf32, #tpu.memory_space<vmem_shared>>) target_semaphore(%run_scoped3A : memref<!tpu.dma_semaphore, #tpu.memory_space<semaphore_mem>>)
      %dma_wait3A_90 = arith.constant 0 : i32
      %dma_wait3A_91 = arith.constant 0 : i32
      %dma_wait3A_92 = tpu.memref_slice %arg8[%dma_wait3A_90, %dma_wait3A_91] : memref<96x128xf32, #tpu.memory_space<vmem>> -> memref<80x128xf32, #tpu.memory_space<vmem>>
      %dma_wait3A_93 = arith.constant 0 : i32
      %dma_wait3A_94 = tpu.memref_slice %arg10[%add3A_33, %dma_wait3A_93] : memref<10240x128xf32, #tpu.memory_space<vmem_shared>> -> memref<80x128xf32, #tpu.memory_space<vmem_shared>>
      %dma_wait3A_95 = arith.constant 0 : i32
      %dma_wait3A_96 = tpu.memref_slice %arg10[%add3A_33, %dma_wait3A_95] : memref<10240x128xf32, #tpu.memory_space<vmem_shared>> -> memref<80x128xf32, #tpu.memory_space<vmem_shared>>
      %dma_wait3A_97 = arith.constant 0 : i32
      %dma_wait3A_98 = arith.constant 0 : i32
      %dma_wait3A_99 = tpu.memref_slice %arg8[%dma_wait3A_97, %dma_wait3A_98] : memref<96x128xf32, #tpu.memory_space<vmem>> -> memref<80x128xf32, #tpu.memory_space<vmem>>
      tpu.wait_dma2 semaphore(%run_scoped3A : memref<!tpu.dma_semaphore, #tpu.memory_space<semaphore_mem>>) src(%dma_wait3A_99 : memref<80x128xf32, #tpu.memory_space<vmem>>) dst(%dma_wait3A_96 : memref<80x128xf32, #tpu.memory_space<vmem_shared>>)
      tpu.yield
    }) : () -> ()
    %mul3A_34 = arith.constant 640 : i32
    %mul3A_35 = arith.muli %arg1, %mul3A_34 : i32
    %add3A_36 = arith.constant 560 : i32
    %add3A_37 = arith.addi %mul3A_35, %add3A_36 : i32
    "tpu.region"() ({
      %run_scoped3A = tpu.sem_alloc : memref<!tpu.dma_semaphore, #tpu.memory_space<semaphore_mem>>
      %dma_start3A_80 = arith.constant 0 : i32
      %dma_start3A_81 = arith.constant 0 : i32
      %dma_start3A_82 = tpu.memref_slice %arg8[%dma_start3A_80, %dma_start3A_81] : memref<96x128xf32, #tpu.memory_space<vmem>> -> memref<80x128xf32, #tpu.memory_space<vmem>>
      %dma_start3A_83 = arith.constant 0 : i32
      %dma_start3A_84 = tpu.memref_slice %arg10[%add3A_37, %dma_start3A_83] : memref<10240x128xf32, #tpu.memory_space<vmem_shared>> -> memref<80x128xf32, #tpu.memory_space<vmem_shared>>
      %dma_start3A_85 = arith.constant 0 : i32
      %dma_start3A_86 = tpu.memref_slice %arg10[%add3A_37, %dma_start3A_85] : memref<10240x128xf32, #tpu.memory_space<vmem_shared>> -> memref<80x128xf32, #tpu.memory_space<vmem_shared>>
      %dma_start3A_87 = arith.constant 0 : i32
      %dma_start3A_88 = arith.constant 0 : i32
      %dma_start3A_89 = tpu.memref_slice %arg8[%dma_start3A_87, %dma_start3A_88] : memref<96x128xf32, #tpu.memory_space<vmem>> -> memref<80x128xf32, #tpu.memory_space<vmem>>
      tpu.enqueue_dma source(%dma_start3A_89 : memref<80x128xf32, #tpu.memory_space<vmem>>) target(%dma_start3A_86 : memref<80x128xf32, #tpu.memory_space<vmem_shared>>) target_semaphore(%run_scoped3A : memref<!tpu.dma_semaphore, #tpu.memory_space<semaphore_mem>>)
      %dma_wait3A_90 = arith.constant 0 : i32
      %dma_wait3A_91 = arith.constant 0 : i32
      %dma_wait3A_92 = tpu.memref_slice %arg8[%dma_wait3A_90, %dma_wait3A_91] : memref<96x128xf32, #tpu.memory_space<vmem>> -> memref<80x128xf32, #tpu.memory_space<vmem>>
      %dma_wait3A_93 = arith.constant 0 : i32
      %dma_wait3A_94 = tpu.memref_slice %arg10[%add3A_37, %dma_wait3A_93] : memref<10240x128xf32, #tpu.memory_space<vmem_shared>> -> memref<80x128xf32, #tpu.memory_space<vmem_shared>>
      %dma_wait3A_95 = arith.constant 0 : i32
      %dma_wait3A_96 = tpu.memref_slice %arg10[%add3A_37, %dma_wait3A_95] : memref<10240x128xf32, #tpu.memory_space<vmem_shared>> -> memref<80x128xf32, #tpu.memory_space<vmem_shared>>
      %dma_wait3A_97 = arith.constant 0 : i32
      %dma_wait3A_98 = arith.constant 0 : i32
      %dma_wait3A_99 = tpu.memref_slice %arg8[%dma_wait3A_97, %dma_wait3A_98] : memref<96x128xf32, #tpu.memory_space<vmem>> -> memref<80x128xf32, #tpu.memory_space<vmem>>
      tpu.wait_dma2 semaphore(%run_scoped3A : memref<!tpu.dma_semaphore, #tpu.memory_space<semaphore_mem>>) src(%dma_wait3A_99 : memref<80x128xf32, #tpu.memory_space<vmem>>) dst(%dma_wait3A_96 : memref<80x128xf32, #tpu.memory_space<vmem_shared>>)
      tpu.yield
    }) : () -> ()
    %mul3A_38 = arith.constant 10080 : i32
    %mul3A_39 = arith.muli %add3A, %mul3A_38 : i32
    %multiple_of3A = tpu.assume_multiple %mul3A_39, 8 : i32
    "tpu.region"() ({
      %run_scoped3A = tpu.sem_alloc : memref<!tpu.dma_semaphore, #tpu.memory_space<semaphore_mem>>
      %dma_start3A_80 = tpu.memref_slice %arg3[%multiple_of3A] : memref<322560xi32, #tpu.memory_space<hbm>> -> memref<10080xi32, #tpu.memory_space<hbm>>
      %dma_start3A_81 = tpu.memref_slice %arg3[%multiple_of3A] : memref<322560xi32, #tpu.memory_space<hbm>> -> memref<10080xi32, #tpu.memory_space<hbm>>
      tpu.enqueue_dma source(%dma_start3A_81 : memref<10080xi32, #tpu.memory_space<hbm>>) target(%arg6 : memref<10080xi32, #tpu.memory_space<vmem>>) target_semaphore(%run_scoped3A : memref<!tpu.dma_semaphore, #tpu.memory_space<semaphore_mem>>)
      %dma_wait3A_82 = tpu.memref_slice %arg3[%multiple_of3A] : memref<322560xi32, #tpu.memory_space<hbm>> -> memref<10080xi32, #tpu.memory_space<hbm>>
      %dma_wait3A_83 = tpu.memref_slice %arg3[%multiple_of3A] : memref<322560xi32, #tpu.memory_space<hbm>> -> memref<10080xi32, #tpu.memory_space<hbm>>
      tpu.wait_dma2 semaphore(%run_scoped3A : memref<!tpu.dma_semaphore, #tpu.memory_space<semaphore_mem>>) src(%dma_wait3A_83 : memref<10080xi32, #tpu.memory_space<hbm>>) dst(%arg6 : memref<10080xi32, #tpu.memory_space<vmem>>)
      tpu.yield
    }) : () -> ()
    "tpu.region"() ({
      %run_scoped3A = tpu.sem_alloc : memref<!tpu.dma_semaphore, #tpu.memory_space<semaphore_mem>>
      %dma_start3A_80 = arith.constant 0 : i32
      %dma_start3A_81 = arith.constant 0 : i32
      %dma_start3A_82 = tpu.memref_slice %arg4[%add3A, %dma_start3A_80, %dma_start3A_81] : memref<32x105x96xi32, #tpu.memory_space<hbm>> -> memref<1x105x96xi32, #tpu.memory_space<hbm>>
      %dma_start3A_83 = tpu.memref_squeeze %dma_start3A_82 : memref<1x105x96xi32, #tpu.memory_space<hbm>> -> memref<105x96xi32, #tpu.memory_space<hbm>>
      %dma_start3A_84 = arith.constant 0 : i32
      %dma_start3A_85 = arith.constant 0 : i32
      %dma_start3A_86 = tpu.memref_slice %arg4[%add3A, %dma_start3A_84, %dma_start3A_85] : memref<32x105x96xi32, #tpu.memory_space<hbm>> -> memref<1x105x96xi32, #tpu.memory_space<hbm>>
      %dma_start3A_87 = tpu.memref_squeeze %dma_start3A_86 : memref<1x105x96xi32, #tpu.memory_space<hbm>> -> memref<105x96xi32, #tpu.memory_space<hbm>>
      tpu.enqueue_dma source(%dma_start3A_87 : memref<105x96xi32, #tpu.memory_space<hbm>>) target(%arg7 : memref<105x96xi32, #tpu.memory_space<vmem>>) target_semaphore(%run_scoped3A : memref<!tpu.dma_semaphore, #tpu.memory_space<semaphore_mem>>)
      %dma_wait3A_88 = arith.constant 0 : i32
      %dma_wait3A_89 = arith.constant 0 : i32
      %dma_wait3A_90 = tpu.memref_slice %arg4[%add3A, %dma_wait3A_88, %dma_wait3A_89] : memref<32x105x96xi32, #tpu.memory_space<hbm>> -> memref<1x105x96xi32, #tpu.memory_space<hbm>>
      %dma_wait3A_91 = tpu.memref_squeeze %dma_wait3A_90 : memref<1x105x96xi32, #tpu.memory_space<hbm>> -> memref<105x96xi32, #tpu.memory_space<hbm>>
      %dma_wait3A_92 = arith.constant 0 : i32
      %dma_wait3A_93 = arith.constant 0 : i32
      %dma_wait3A_94 = tpu.memref_slice %arg4[%add3A, %dma_wait3A_92, %dma_wait3A_93] : memref<32x105x96xi32, #tpu.memory_space<hbm>> -> memref<1x105x96xi32, #tpu.memory_space<hbm>>
      %dma_wait3A_95 = tpu.memref_squeeze %dma_wait3A_94 : memref<1x105x96xi32, #tpu.memory_space<hbm>> -> memref<105x96xi32, #tpu.memory_space<hbm>>
      tpu.wait_dma2 semaphore(%run_scoped3A : memref<!tpu.dma_semaphore, #tpu.memory_space<semaphore_mem>>) src(%dma_wait3A_95 : memref<105x96xi32, #tpu.memory_space<hbm>>) dst(%arg7 : memref<105x96xi32, #tpu.memory_space<vmem>>)
      tpu.yield
    }) : () -> ()
    %barrier3A = arith.constant 0 : index
    tpu.barrier barrier_id(%barrier3A)
    %dma_start3A = arith.constant 0 : i32
    %dma_start3A_40 = tpu.memref_slice %arg6[%dma_start3A] : memref<10080xi32, #tpu.memory_space<vmem>> -> memref<96xi32, #tpu.memory_space<vmem>>
    %dma_start3A_41 = arith.constant 0 : i32
    %dma_start3A_42 = arith.constant 0 : i32
    %dma_start3A_43 = tpu.memref_slice %arg2[%dma_start3A_41, %dma_start3A_42] : memref<10240x128xf32, #tpu.memory_space<hbm>> -> memref<10240x128xf32, #tpu.memory_space<hbm>>
    tpu.enqueue_indirect_dma source(%dma_start3A_43 : memref<10240x128xf32, #tpu.memory_space<hbm>>) target(%arg8 : memref<96x128xf32, #tpu.memory_space<vmem>>) offsets(%dma_start3A_40 : memref<96xi32, #tpu.memory_space<vmem>>) semaphore(%arg11 : memref<!tpu.dma_semaphore, #tpu.memory_space<semaphore_mem>>)
    %scan3A_44 = arith.constant 0 : i32
    %scan3A_45 = arith.constant 0 : i32
    %scan3A_46 = arith.constant 52 : i32
    %scan3A_47 = arith.addi %scan3A_45, %scan3A_46 : i32
    %scan3A_48 = arith.constant 1 : i32
    scf.for %scan3A_80 = %scan3A_45 to %scan3A_47 step %scan3A_48  : i32 {
      %mul3A_81 = arith.constant 2 : i32
      %mul3A_82 = arith.muli %mul3A_81, %scan3A_80 : i32
      %mul3A_83 = arith.constant 96 : i32
      %mul3A_84 = arith.muli %mul3A_82, %mul3A_83 : i32
      %dma_wait3A_85 = tpu.memref_slice %arg6[%mul3A_84] : memref<10080xi32, #tpu.memory_space<vmem>> -> memref<96xi32, #tpu.memory_space<vmem>>
      %dma_wait3A_86 = arith.constant 0 : i32
      %dma_wait3A_87 = arith.constant 0 : i32
      %dma_wait3A_88 = tpu.memref_slice %arg2[%dma_wait3A_86, %dma_wait3A_87] : memref<10240x128xf32, #tpu.memory_space<hbm>> -> memref<10240x128xf32, #tpu.memory_space<hbm>>
      tpu.wait_indirect_dma semaphore(%arg11 : memref<!tpu.dma_semaphore, #tpu.memory_space<semaphore_mem>>) src(%dma_wait3A_88 : memref<10240x128xf32, #tpu.memory_space<hbm>>) dst(%arg8 : memref<96x128xf32, #tpu.memory_space<vmem>>)
      %dma_start3A_89 = arith.constant 0 : i32
      %dma_start3A_90 = tpu.memref_slice %arg7[%mul3A_82, %dma_start3A_89] : memref<105x96xi32, #tpu.memory_space<vmem>> -> memref<1x96xi32, #tpu.memory_space<vmem>>
      %dma_start3A_91 = tpu.memref_squeeze %dma_start3A_90 : memref<1x96xi32, #tpu.memory_space<vmem>> -> memref<96xi32, #tpu.memory_space<vmem>>
      %dma_start3A_92 = arith.constant 0 : i32
      %dma_start3A_93 = arith.constant 0 : i32
      %dma_start3A_94 = tpu.memref_slice %arg10[%dma_start3A_92, %dma_start3A_93] : memref<10240x128xf32, #tpu.memory_space<vmem_shared>> -> memref<10240x128xf32, #tpu.memory_space<vmem_shared>>
      tpu.enqueue_indirect_dma source(%arg8 : memref<96x128xf32, #tpu.memory_space<vmem>>) target(%dma_start3A_94 : memref<10240x128xf32, #tpu.memory_space<vmem_shared>>) offsets(%dma_start3A_91 : memref<96xi32, #tpu.memory_space<vmem>>) semaphore(%arg13 : memref<!tpu.dma_semaphore, #tpu.memory_space<semaphore_mem>>) {add = true}
      %gt3A = arith.constant 0 : i32
      %gt3A_95 = arith.cmpi sgt, %scan3A_80, %gt3A : i32
      %convert_element_type3A = arith.extui %gt3A_95 : i1 to i32
      %cond3A = arith.constant 0 : i32
      %cond3A_96 = arith.cmpi ne, %convert_element_type3A, %cond3A : i32
      scf.if %cond3A_96 {
        %sub3A = arith.constant 1 : i32
        %sub3A_135 = arith.subi %mul3A_82, %sub3A : i32
        %dma_wait3A_136 = arith.constant 0 : i32
        %dma_wait3A_137 = tpu.memref_slice %arg7[%sub3A_135, %dma_wait3A_136] : memref<105x96xi32, #tpu.memory_space<vmem>> -> memref<1x96xi32, #tpu.memory_space<vmem>>
        %dma_wait3A_138 = tpu.memref_squeeze %dma_wait3A_137 : memref<1x96xi32, #tpu.memory_space<vmem>> -> memref<96xi32, #tpu.memory_space<vmem>>
        %dma_wait3A_139 = arith.constant 0 : i32
        %dma_wait3A_140 = arith.constant 0 : i32
        %dma_wait3A_141 = tpu.memref_slice %arg10[%dma_wait3A_139, %dma_wait3A_140] : memref<10240x128xf32, #tpu.memory_space<vmem_shared>> -> memref<10240x128xf32, #tpu.memory_space<vmem_shared>>
        tpu.wait_indirect_dma semaphore(%arg14 : memref<!tpu.dma_semaphore, #tpu.memory_space<semaphore_mem>>) src(%arg9 : memref<96x128xf32, #tpu.memory_space<vmem>>) dst(%dma_wait3A_141 : memref<10240x128xf32, #tpu.memory_space<vmem_shared>>)
      } else {
      }
      %add3A_97 = arith.constant 1 : i32
      %add3A_98 = arith.addi %mul3A_82, %add3A_97 : i32
      %mul3A_99 = arith.constant 96 : i32
      %mul3A_100 = arith.muli %add3A_98, %mul3A_99 : i32
      %dma_start3A_101 = tpu.memref_slice %arg6[%mul3A_100] : memref<10080xi32, #tpu.memory_space<vmem>> -> memref<96xi32, #tpu.memory_space<vmem>>
      %dma_start3A_102 = arith.constant 0 : i32
      %dma_start3A_103 = arith.constant 0 : i32
      %dma_start3A_104 = tpu.memref_slice %arg2[%dma_start3A_102, %dma_start3A_103] : memref<10240x128xf32, #tpu.memory_space<hbm>> -> memref<10240x128xf32, #tpu.memory_space<hbm>>
      tpu.enqueue_indirect_dma source(%dma_start3A_104 : memref<10240x128xf32, #tpu.memory_space<hbm>>) target(%arg9 : memref<96x128xf32, #tpu.memory_space<vmem>>) offsets(%dma_start3A_101 : memref<96xi32, #tpu.memory_space<vmem>>) semaphore(%arg12 : memref<!tpu.dma_semaphore, #tpu.memory_space<semaphore_mem>>)
      %add3A_105 = arith.constant 1 : i32
      %add3A_106 = arith.addi %mul3A_82, %add3A_105 : i32
      %mul3A_107 = arith.constant 96 : i32
      %mul3A_108 = arith.muli %add3A_106, %mul3A_107 : i32
      %dma_wait3A_109 = tpu.memref_slice %arg6[%mul3A_108] : memref<10080xi32, #tpu.memory_space<vmem>> -> memref<96xi32, #tpu.memory_space<vmem>>
      %dma_wait3A_110 = arith.constant 0 : i32
      %dma_wait3A_111 = arith.constant 0 : i32
      %dma_wait3A_112 = tpu.memref_slice %arg2[%dma_wait3A_110, %dma_wait3A_111] : memref<10240x128xf32, #tpu.memory_space<hbm>> -> memref<10240x128xf32, #tpu.memory_space<hbm>>
      tpu.wait_indirect_dma semaphore(%arg12 : memref<!tpu.dma_semaphore, #tpu.memory_space<semaphore_mem>>) src(%dma_wait3A_112 : memref<10240x128xf32, #tpu.memory_space<hbm>>) dst(%arg9 : memref<96x128xf32, #tpu.memory_space<vmem>>)
      %add3A_113 = arith.constant 1 : i32
      %add3A_114 = arith.addi %mul3A_82, %add3A_113 : i32
      %dma_start3A_115 = arith.constant 0 : i32
      %dma_start3A_116 = tpu.memref_slice %arg7[%add3A_114, %dma_start3A_115] : memref<105x96xi32, #tpu.memory_space<vmem>> -> memref<1x96xi32, #tpu.memory_space<vmem>>
      %dma_start3A_117 = tpu.memref_squeeze %dma_start3A_116 : memref<1x96xi32, #tpu.memory_space<vmem>> -> memref<96xi32, #tpu.memory_space<vmem>>
      %dma_start3A_118 = arith.constant 0 : i32
      %dma_start3A_119 = arith.constant 0 : i32
      %dma_start3A_120 = tpu.memref_slice %arg10[%dma_start3A_118, %dma_start3A_119] : memref<10240x128xf32, #tpu.memory_space<vmem_shared>> -> memref<10240x128xf32, #tpu.memory_space<vmem_shared>>
      tpu.enqueue_indirect_dma source(%arg9 : memref<96x128xf32, #tpu.memory_space<vmem>>) target(%dma_start3A_120 : memref<10240x128xf32, #tpu.memory_space<vmem_shared>>) offsets(%dma_start3A_117 : memref<96xi32, #tpu.memory_space<vmem>>) semaphore(%arg14 : memref<!tpu.dma_semaphore, #tpu.memory_space<semaphore_mem>>) {add = true}
      %dma_wait3A_121 = arith.constant 0 : i32
      %dma_wait3A_122 = tpu.memref_slice %arg7[%mul3A_82, %dma_wait3A_121] : memref<105x96xi32, #tpu.memory_space<vmem>> -> memref<1x96xi32, #tpu.memory_space<vmem>>
      %dma_wait3A_123 = tpu.memref_squeeze %dma_wait3A_122 : memref<1x96xi32, #tpu.memory_space<vmem>> -> memref<96xi32, #tpu.memory_space<vmem>>
      %dma_wait3A_124 = arith.constant 0 : i32
      %dma_wait3A_125 = arith.constant 0 : i32
      %dma_wait3A_126 = tpu.memref_slice %arg10[%dma_wait3A_124, %dma_wait3A_125] : memref<10240x128xf32, #tpu.memory_space<vmem_shared>> -> memref<10240x128xf32, #tpu.memory_space<vmem_shared>>
      tpu.wait_indirect_dma semaphore(%arg13 : memref<!tpu.dma_semaphore, #tpu.memory_space<semaphore_mem>>) src(%arg8 : memref<96x128xf32, #tpu.memory_space<vmem>>) dst(%dma_wait3A_126 : memref<10240x128xf32, #tpu.memory_space<vmem_shared>>)
      %add3A_127 = arith.constant 2 : i32
      %add3A_128 = arith.addi %mul3A_82, %add3A_127 : i32
      %mul3A_129 = arith.constant 96 : i32
      %mul3A_130 = arith.muli %add3A_128, %mul3A_129 : i32
      %dma_start3A_131 = tpu.memref_slice %arg6[%mul3A_130] : memref<10080xi32, #tpu.memory_space<vmem>> -> memref<96xi32, #tpu.memory_space<vmem>>
      %dma_start3A_132 = arith.constant 0 : i32
      %dma_start3A_133 = arith.constant 0 : i32
      %dma_start3A_134 = tpu.memref_slice %arg2[%dma_start3A_132, %dma_start3A_133] : memref<10240x128xf32, #tpu.memory_space<hbm>> -> memref<10240x128xf32, #tpu.memory_space<hbm>>
      tpu.enqueue_indirect_dma source(%dma_start3A_134 : memref<10240x128xf32, #tpu.memory_space<hbm>>) target(%arg8 : memref<96x128xf32, #tpu.memory_space<vmem>>) offsets(%dma_start3A_131 : memref<96xi32, #tpu.memory_space<vmem>>) semaphore(%arg11 : memref<!tpu.dma_semaphore, #tpu.memory_space<semaphore_mem>>)
    }
    %scan3A_49 = arith.constant 52 : i32
    %dma_wait3A = arith.constant 9984 : i32
    %dma_wait3A_50 = tpu.memref_slice %arg6[%dma_wait3A] : memref<10080xi32, #tpu.memory_space<vmem>> -> memref<96xi32, #tpu.memory_space<vmem>>
    %dma_wait3A_51 = arith.constant 0 : i32
    %dma_wait3A_52 = arith.constant 0 : i32
    %dma_wait3A_53 = tpu.memref_slice %arg2[%dma_wait3A_51, %dma_wait3A_52] : memref<10240x128xf32, #tpu.memory_space<hbm>> -> memref<10240x128xf32, #tpu.memory_space<hbm>>
    tpu.wait_indirect_dma semaphore(%arg11 : memref<!tpu.dma_semaphore, #tpu.memory_space<semaphore_mem>>) src(%dma_wait3A_53 : memref<10240x128xf32, #tpu.memory_space<hbm>>) dst(%arg8 : memref<96x128xf32, #tpu.memory_space<vmem>>)
    %dma_start3A_54 = arith.constant 104 : i32
    %dma_start3A_55 = arith.constant 0 : i32
    %dma_start3A_56 = tpu.memref_slice %arg7[%dma_start3A_54, %dma_start3A_55] : memref<105x96xi32, #tpu.memory_space<vmem>> -> memref<1x96xi32, #tpu.memory_space<vmem>>
    %dma_start3A_57 = tpu.memref_squeeze %dma_start3A_56 : memref<1x96xi32, #tpu.memory_space<vmem>> -> memref<96xi32, #tpu.memory_space<vmem>>
    %dma_start3A_58 = arith.constant 0 : i32
    %dma_start3A_59 = arith.constant 0 : i32
    %dma_start3A_60 = tpu.memref_slice %arg10[%dma_start3A_58, %dma_start3A_59] : memref<10240x128xf32, #tpu.memory_space<vmem_shared>> -> memref<10240x128xf32, #tpu.memory_space<vmem_shared>>
    tpu.enqueue_indirect_dma source(%arg8 : memref<96x128xf32, #tpu.memory_space<vmem>>) target(%dma_start3A_60 : memref<10240x128xf32, #tpu.memory_space<vmem_shared>>) offsets(%dma_start3A_57 : memref<96xi32, #tpu.memory_space<vmem>>) semaphore(%arg13 : memref<!tpu.dma_semaphore, #tpu.memory_space<semaphore_mem>>) {add = true}
    %dma_wait3A_61 = arith.constant 103 : i32
    %dma_wait3A_62 = arith.constant 0 : i32
    %dma_wait3A_63 = tpu.memref_slice %arg7[%dma_wait3A_61, %dma_wait3A_62] : memref<105x96xi32, #tpu.memory_space<vmem>> -> memref<1x96xi32, #tpu.memory_space<vmem>>
    %dma_wait3A_64 = tpu.memref_squeeze %dma_wait3A_63 : memref<1x96xi32, #tpu.memory_space<vmem>> -> memref<96xi32, #tpu.memory_space<vmem>>
    %dma_wait3A_65 = arith.constant 0 : i32
    %dma_wait3A_66 = arith.constant 0 : i32
    %dma_wait3A_67 = tpu.memref_slice %arg10[%dma_wait3A_65, %dma_wait3A_66] : memref<10240x128xf32, #tpu.memory_space<vmem_shared>> -> memref<10240x128xf32, #tpu.memory_space<vmem_shared>>
    tpu.wait_indirect_dma semaphore(%arg14 : memref<!tpu.dma_semaphore, #tpu.memory_space<semaphore_mem>>) src(%arg9 : memref<96x128xf32, #tpu.memory_space<vmem>>) dst(%dma_wait3A_67 : memref<10240x128xf32, #tpu.memory_space<vmem_shared>>)
    %dma_wait3A_68 = arith.constant 104 : i32
    %dma_wait3A_69 = arith.constant 0 : i32
    %dma_wait3A_70 = tpu.memref_slice %arg7[%dma_wait3A_68, %dma_wait3A_69] : memref<105x96xi32, #tpu.memory_space<vmem>> -> memref<1x96xi32, #tpu.memory_space<vmem>>
    %dma_wait3A_71 = tpu.memref_squeeze %dma_wait3A_70 : memref<1x96xi32, #tpu.memory_space<vmem>> -> memref<96xi32, #tpu.memory_space<vmem>>
    %dma_wait3A_72 = arith.constant 0 : i32
    %dma_wait3A_73 = arith.constant 0 : i32
    %dma_wait3A_74 = tpu.memref_slice %arg10[%dma_wait3A_72, %dma_wait3A_73] : memref<10240x128xf32, #tpu.memory_space<vmem_shared>> -> memref<10240x128xf32, #tpu.memory_space<vmem_shared>>
    tpu.wait_indirect_dma semaphore(%arg13 : memref<!tpu.dma_semaphore, #tpu.memory_space<semaphore_mem>>) src(%arg8 : memref<96x128xf32, #tpu.memory_space<vmem>>) dst(%dma_wait3A_74 : memref<10240x128xf32, #tpu.memory_space<vmem_shared>>)
    %barrier3A_75 = arith.constant 0 : index
    tpu.barrier barrier_id(%barrier3A_75)
    %mul3A_76 = arith.constant 640 : i32
    %mul3A_77 = arith.muli %arg1, %mul3A_76 : i32
    %mul3A_78 = arith.constant 640 : i32
    %mul3A_79 = arith.muli %arg1, %mul3A_78 : i32
    "tpu.region"() ({
      %run_scoped3A = tpu.sem_alloc : memref<!tpu.dma_semaphore, #tpu.memory_space<semaphore_mem>>
      %dma_start3A_80 = arith.constant 0 : i32
      %dma_start3A_81 = tpu.memref_slice %arg5[%arg0, %mul3A_79, %dma_start3A_80] : memref<2x10240x128xf32, #tpu.memory_space<hbm>> -> memref<1x640x128xf32, #tpu.memory_space<hbm>>
      %dma_start3A_82 = tpu.memref_squeeze %dma_start3A_81 : memref<1x640x128xf32, #tpu.memory_space<hbm>> -> memref<640x128xf32, #tpu.memory_space<hbm>>
      %dma_start3A_83 = arith.constant 0 : i32
      %dma_start3A_84 = tpu.memref_slice %arg10[%mul3A_77, %dma_start3A_83] : memref<10240x128xf32, #tpu.memory_space<vmem_shared>> -> memref<640x128xf32, #tpu.memory_space<vmem_shared>>
      tpu.enqueue_dma source(%dma_start3A_84 : memref<640x128xf32, #tpu.memory_space<vmem_shared>>) target(%dma_start3A_82 : memref<640x128xf32, #tpu.memory_space<hbm>>) target_semaphore(%run_scoped3A : memref<!tpu.dma_semaphore, #tpu.memory_space<semaphore_mem>>)
      %dma_wait3A_85 = arith.constant 0 : i32
      %dma_wait3A_86 = tpu.memref_slice %arg5[%arg0, %mul3A_79, %dma_wait3A_85] : memref<2x10240x128xf32, #tpu.memory_space<hbm>> -> memref<1x640x128xf32, #tpu.memory_space<hbm>>
      %dma_wait3A_87 = tpu.memref_squeeze %dma_wait3A_86 : memref<1x640x128xf32, #tpu.memory_space<hbm>> -> memref<640x128xf32, #tpu.memory_space<hbm>>
      %dma_wait3A_88 = arith.constant 0 : i32
      %dma_wait3A_89 = tpu.memref_slice %arg10[%mul3A_77, %dma_wait3A_88] : memref<10240x128xf32, #tpu.memory_space<vmem_shared>> -> memref<640x128xf32, #tpu.memory_space<vmem_shared>>
      tpu.wait_dma2 semaphore(%run_scoped3A : memref<!tpu.dma_semaphore, #tpu.memory_space<semaphore_mem>>) src(%dma_wait3A_89 : memref<640x128xf32, #tpu.memory_space<vmem_shared>>) dst(%dma_wait3A_87 : memref<640x128xf32, #tpu.memory_space<hbm>>)
      tpu.yield
    }) : () -> ()
    return
  }
}

#map = affine_map<(d0, d1) -> (0, 0, 0)>
module attributes {stable_mosaic.version = 14 : i64} {
  func.func @_sc_degree_body(%arg0: i32, %arg1: i32, %arg2: memref<32x105x96xi32, #tpu.memory_space<hbm>>, %arg3: memref<2x10240x128xf32, #tpu.memory_space<hbm>>, %arg4: memref<105x96xi32, #tpu.memory_space<vmem>>, %arg5: memref<96x128xf32, #tpu.memory_space<vmem>>, %arg6: memref<10240x128xf32, #tpu.memory_space<vmem_shared>>, %arg7: memref<!tpu.dma_semaphore, #tpu.memory_space<semaphore_mem>>, %arg8: memref<!tpu.dma_semaphore, #tpu.memory_space<semaphore_mem>>, %arg9: memref<!tpu.dma_semaphore, #tpu.memory_space<semaphore_mem>>, %arg10: memref<!tpu.dma_semaphore, #tpu.memory_space<semaphore_mem>>, %arg11: memref<!tpu.dma_semaphore, #tpu.memory_space<semaphore_mem>>) attributes {dimension_semantics = [#tpu.dimension_semantics<core_parallel>, #tpu.dimension_semantics<subcore_parallel>], iteration_bounds = array<i64: 2, 16>, scalar_prefetch = 0 : i64, scratch_operands = 8 : i64, tpu.core_type = #tpu.core_type<sc_vector_subcore>, window_params = [{transform_indices = #map}, {transform_indices = #map}]} {
    %mul3A = arith.constant 2 : i32
    %mul3A_0 = arith.muli %arg1, %mul3A : i32
    %add3A = arith.addi %mul3A_0, %arg0 : i32
    %scan3A = arith.constant 0 : i32
    %scan3A_1 = arith.constant 0 : i32
    %scan3A_2 = arith.constant 96 : i32
    %scan3A_3 = arith.addi %scan3A_1, %scan3A_2 : i32
    %scan3A_4 = arith.constant 1 : i32
    scf.for %scan3A_55 = %scan3A_1 to %scan3A_3 step %scan3A_4  : i32 {
      %broadcast_in_dim3A = arith.constant 0.000000e+00 : f32
      %broadcast_in_dim3A_56 = vector.broadcast %broadcast_in_dim3A : f32 to vector<16xf32>
      %swap3A = arith.index_cast %scan3A_55 : i32 to index
      %swap3A_57 = arith.constant 0 : index
      %swap3A_58 = tpu.vector_load %arg5[%swap3A, %swap3A_57] {strides = array<i32>} : memref<96x128xf32, #tpu.memory_space<vmem>>, vector<1x16xf32>,
      %swap3A_59 = vector.shape_cast %swap3A_58 : vector<1x16xf32> to vector<16xf32>
      %swap3A_60 = vector.shape_cast %broadcast_in_dim3A_56 : vector<16xf32> to vector<1x16xf32>
      tpu.vector_store %arg5[%swap3A, %swap3A_57], %swap3A_60 {strides = array<i32>} : memref<96x128xf32, #tpu.memory_space<vmem>>, vector<1x16xf32>,
      %broadcast_in_dim3A_61 = arith.constant 0.000000e+00 : f32
      %broadcast_in_dim3A_62 = vector.broadcast %broadcast_in_dim3A_61 : f32 to vector<16xf32>
      %swap3A_63 = arith.index_cast %scan3A_55 : i32 to index
      %swap3A_64 = arith.constant 16 : index
      %swap3A_65 = tpu.vector_load %arg5[%swap3A_63, %swap3A_64] {strides = array<i32>} : memref<96x128xf32, #tpu.memory_space<vmem>>, vector<1x16xf32>,
      %swap3A_66 = vector.shape_cast %swap3A_65 : vector<1x16xf32> to vector<16xf32>
      %swap3A_67 = vector.shape_cast %broadcast_in_dim3A_62 : vector<16xf32> to vector<1x16xf32>
      tpu.vector_store %arg5[%swap3A_63, %swap3A_64], %swap3A_67 {strides = array<i32>} : memref<96x128xf32, #tpu.memory_space<vmem>>, vector<1x16xf32>,
      %broadcast_in_dim3A_68 = arith.constant 0.000000e+00 : f32
      %broadcast_in_dim3A_69 = vector.broadcast %broadcast_in_dim3A_68 : f32 to vector<16xf32>
      %swap3A_70 = arith.index_cast %scan3A_55 : i32 to index
      %swap3A_71 = arith.constant 32 : index
      %swap3A_72 = tpu.vector_load %arg5[%swap3A_70, %swap3A_71] {strides = array<i32>} : memref<96x128xf32, #tpu.memory_space<vmem>>, vector<1x16xf32>,
      %swap3A_73 = vector.shape_cast %swap3A_72 : vector<1x16xf32> to vector<16xf32>
      %swap3A_74 = vector.shape_cast %broadcast_in_dim3A_69 : vector<16xf32> to vector<1x16xf32>
      tpu.vector_store %arg5[%swap3A_70, %swap3A_71], %swap3A_74 {strides = array<i32>} : memref<96x128xf32, #tpu.memory_space<vmem>>, vector<1x16xf32>,
      %broadcast_in_dim3A_75 = arith.constant 0.000000e+00 : f32
      %broadcast_in_dim3A_76 = vector.broadcast %broadcast_in_dim3A_75 : f32 to vector<16xf32>
      %swap3A_77 = arith.index_cast %scan3A_55 : i32 to index
      %swap3A_78 = arith.constant 48 : index
      %swap3A_79 = tpu.vector_load %arg5[%swap3A_77, %swap3A_78] {strides = array<i32>} : memref<96x128xf32, #tpu.memory_space<vmem>>, vector<1x16xf32>,
      %swap3A_80 = vector.shape_cast %swap3A_79 : vector<1x16xf32> to vector<16xf32>
      %swap3A_81 = vector.shape_cast %broadcast_in_dim3A_76 : vector<16xf32> to vector<1x16xf32>
      tpu.vector_store %arg5[%swap3A_77, %swap3A_78], %swap3A_81 {strides = array<i32>} : memref<96x128xf32, #tpu.memory_space<vmem>>, vector<1x16xf32>,
      %broadcast_in_dim3A_82 = arith.constant 0.000000e+00 : f32
      %broadcast_in_dim3A_83 = vector.broadcast %broadcast_in_dim3A_82 : f32 to vector<16xf32>
      %swap3A_84 = arith.index_cast %scan3A_55 : i32 to index
      %swap3A_85 = arith.constant 64 : index
      %swap3A_86 = tpu.vector_load %arg5[%swap3A_84, %swap3A_85] {strides = array<i32>} : memref<96x128xf32, #tpu.memory_space<vmem>>, vector<1x16xf32>,
      %swap3A_87 = vector.shape_cast %swap3A_86 : vector<1x16xf32> to vector<16xf32>
      %swap3A_88 = vector.shape_cast %broadcast_in_dim3A_83 : vector<16xf32> to vector<1x16xf32>
      tpu.vector_store %arg5[%swap3A_84, %swap3A_85], %swap3A_88 {strides = array<i32>} : memref<96x128xf32, #tpu.memory_space<vmem>>, vector<1x16xf32>,
      %broadcast_in_dim3A_89 = arith.constant 0.000000e+00 : f32
      %broadcast_in_dim3A_90 = vector.broadcast %broadcast_in_dim3A_89 : f32 to vector<16xf32>
      %swap3A_91 = arith.index_cast %scan3A_55 : i32 to index
      %swap3A_92 = arith.constant 80 : index
      %swap3A_93 = tpu.vector_load %arg5[%swap3A_91, %swap3A_92] {strides = array<i32>} : memref<96x128xf32, #tpu.memory_space<vmem>>, vector<1x16xf32>,
      %swap3A_94 = vector.shape_cast %swap3A_93 : vector<1x16xf32> to vector<16xf32>
      %swap3A_95 = vector.shape_cast %broadcast_in_dim3A_90 : vector<16xf32> to vector<1x16xf32>
      tpu.vector_store %arg5[%swap3A_91, %swap3A_92], %swap3A_95 {strides = array<i32>} : memref<96x128xf32, #tpu.memory_space<vmem>>, vector<1x16xf32>,
      %broadcast_in_dim3A_96 = arith.constant 0.000000e+00 : f32
      %broadcast_in_dim3A_97 = vector.broadcast %broadcast_in_dim3A_96 : f32 to vector<16xf32>
      %swap3A_98 = arith.index_cast %scan3A_55 : i32 to index
      %swap3A_99 = arith.constant 96 : index
      %swap3A_100 = tpu.vector_load %arg5[%swap3A_98, %swap3A_99] {strides = array<i32>} : memref<96x128xf32, #tpu.memory_space<vmem>>, vector<1x16xf32>,
      %swap3A_101 = vector.shape_cast %swap3A_100 : vector<1x16xf32> to vector<16xf32>
      %swap3A_102 = vector.shape_cast %broadcast_in_dim3A_97 : vector<16xf32> to vector<1x16xf32>
      tpu.vector_store %arg5[%swap3A_98, %swap3A_99], %swap3A_102 {strides = array<i32>} : memref<96x128xf32, #tpu.memory_space<vmem>>, vector<1x16xf32>,
      %broadcast_in_dim3A_103 = arith.constant 0.000000e+00 : f32
      %broadcast_in_dim3A_104 = vector.broadcast %broadcast_in_dim3A_103 : f32 to vector<16xf32>
      %swap3A_105 = arith.index_cast %scan3A_55 : i32 to index
      %swap3A_106 = arith.constant 112 : index
      %swap3A_107 = tpu.vector_load %arg5[%swap3A_105, %swap3A_106] {strides = array<i32>} : memref<96x128xf32, #tpu.memory_space<vmem>>, vector<1x16xf32>,
      %swap3A_108 = vector.shape_cast %swap3A_107 : vector<1x16xf32> to vector<16xf32>
      %swap3A_109 = vector.shape_cast %broadcast_in_dim3A_104 : vector<16xf32> to vector<1x16xf32>
      tpu.vector_store %arg5[%swap3A_105, %swap3A_106], %swap3A_109 {strides = array<i32>} : memref<96x128xf32, #tpu.memory_space<vmem>>, vector<1x16xf32>,
    }
    %scan3A_5 = arith.constant 96 : i32
    %mul3A_6 = arith.constant 640 : i32
    %mul3A_7 = arith.muli %arg1, %mul3A_6 : i32
    %add3A_8 = arith.constant 0 : i32
    %add3A_9 = arith.addi %mul3A_7, %add3A_8 : i32
    "tpu.region"() ({
      %run_scoped3A = tpu.sem_alloc : memref<!tpu.dma_semaphore, #tpu.memory_space<semaphore_mem>>
      %dma_start3A = arith.constant 0 : i32
      %dma_start3A_55 = arith.constant 0 : i32
      %dma_start3A_56 = tpu.memref_slice %arg5[%dma_start3A, %dma_start3A_55] : memref<96x128xf32, #tpu.memory_space<vmem>> -> memref<80x128xf32, #tpu.memory_space<vmem>>
      %dma_start3A_57 = arith.constant 0 : i32
      %dma_start3A_58 = tpu.memref_slice %arg6[%add3A_9, %dma_start3A_57] : memref<10240x128xf32, #tpu.memory_space<vmem_shared>> -> memref<80x128xf32, #tpu.memory_space<vmem_shared>>
      %dma_start3A_59 = arith.constant 0 : i32
      %dma_start3A_60 = tpu.memref_slice %arg6[%add3A_9, %dma_start3A_59] : memref<10240x128xf32, #tpu.memory_space<vmem_shared>> -> memref<80x128xf32, #tpu.memory_space<vmem_shared>>
      %dma_start3A_61 = arith.constant 0 : i32
      %dma_start3A_62 = arith.constant 0 : i32
      %dma_start3A_63 = tpu.memref_slice %arg5[%dma_start3A_61, %dma_start3A_62] : memref<96x128xf32, #tpu.memory_space<vmem>> -> memref<80x128xf32, #tpu.memory_space<vmem>>
      tpu.enqueue_dma source(%dma_start3A_63 : memref<80x128xf32, #tpu.memory_space<vmem>>) target(%dma_start3A_60 : memref<80x128xf32, #tpu.memory_space<vmem_shared>>) target_semaphore(%run_scoped3A : memref<!tpu.dma_semaphore, #tpu.memory_space<semaphore_mem>>)
      %dma_wait3A = arith.constant 0 : i32
      %dma_wait3A_64 = arith.constant 0 : i32
      %dma_wait3A_65 = tpu.memref_slice %arg5[%dma_wait3A, %dma_wait3A_64] : memref<96x128xf32, #tpu.memory_space<vmem>> -> memref<80x128xf32, #tpu.memory_space<vmem>>
      %dma_wait3A_66 = arith.constant 0 : i32
      %dma_wait3A_67 = tpu.memref_slice %arg6[%add3A_9, %dma_wait3A_66] : memref<10240x128xf32, #tpu.memory_space<vmem_shared>> -> memref<80x128xf32, #tpu.memory_space<vmem_shared>>
      %dma_wait3A_68 = arith.constant 0 : i32
      %dma_wait3A_69 = tpu.memref_slice %arg6[%add3A_9, %dma_wait3A_68] : memref<10240x128xf32, #tpu.memory_space<vmem_shared>> -> memref<80x128xf32, #tpu.memory_space<vmem_shared>>
      %dma_wait3A_70 = arith.constant 0 : i32
      %dma_wait3A_71 = arith.constant 0 : i32
      %dma_wait3A_72 = tpu.memref_slice %arg5[%dma_wait3A_70, %dma_wait3A_71] : memref<96x128xf32, #tpu.memory_space<vmem>> -> memref<80x128xf32, #tpu.memory_space<vmem>>
      tpu.wait_dma2 semaphore(%run_scoped3A : memref<!tpu.dma_semaphore, #tpu.memory_space<semaphore_mem>>) src(%dma_wait3A_72 : memref<80x128xf32, #tpu.memory_space<vmem>>) dst(%dma_wait3A_69 : memref<80x128xf32, #tpu.memory_space<vmem_shared>>)
      tpu.yield
    }) : () -> ()
    %mul3A_10 = arith.constant 640 : i32
    %mul3A_11 = arith.muli %arg1, %mul3A_10 : i32
    %add3A_12 = arith.constant 80 : i32
    %add3A_13 = arith.addi %mul3A_11, %add3A_12 : i32
    "tpu.region"() ({
      %run_scoped3A = tpu.sem_alloc : memref<!tpu.dma_semaphore, #tpu.memory_space<semaphore_mem>>
      %dma_start3A = arith.constant 0 : i32
      %dma_start3A_55 = arith.constant 0 : i32
      %dma_start3A_56 = tpu.memref_slice %arg5[%dma_start3A, %dma_start3A_55] : memref<96x128xf32, #tpu.memory_space<vmem>> -> memref<80x128xf32, #tpu.memory_space<vmem>>
      %dma_start3A_57 = arith.constant 0 : i32
      %dma_start3A_58 = tpu.memref_slice %arg6[%add3A_13, %dma_start3A_57] : memref<10240x128xf32, #tpu.memory_space<vmem_shared>> -> memref<80x128xf32, #tpu.memory_space<vmem_shared>>
      %dma_start3A_59 = arith.constant 0 : i32
      %dma_start3A_60 = tpu.memref_slice %arg6[%add3A_13, %dma_start3A_59] : memref<10240x128xf32, #tpu.memory_space<vmem_shared>> -> memref<80x128xf32, #tpu.memory_space<vmem_shared>>
      %dma_start3A_61 = arith.constant 0 : i32
      %dma_start3A_62 = arith.constant 0 : i32
      %dma_start3A_63 = tpu.memref_slice %arg5[%dma_start3A_61, %dma_start3A_62] : memref<96x128xf32, #tpu.memory_space<vmem>> -> memref<80x128xf32, #tpu.memory_space<vmem>>
      tpu.enqueue_dma source(%dma_start3A_63 : memref<80x128xf32, #tpu.memory_space<vmem>>) target(%dma_start3A_60 : memref<80x128xf32, #tpu.memory_space<vmem_shared>>) target_semaphore(%run_scoped3A : memref<!tpu.dma_semaphore, #tpu.memory_space<semaphore_mem>>)
      %dma_wait3A = arith.constant 0 : i32
      %dma_wait3A_64 = arith.constant 0 : i32
      %dma_wait3A_65 = tpu.memref_slice %arg5[%dma_wait3A, %dma_wait3A_64] : memref<96x128xf32, #tpu.memory_space<vmem>> -> memref<80x128xf32, #tpu.memory_space<vmem>>
      %dma_wait3A_66 = arith.constant 0 : i32
      %dma_wait3A_67 = tpu.memref_slice %arg6[%add3A_13, %dma_wait3A_66] : memref<10240x128xf32, #tpu.memory_space<vmem_shared>> -> memref<80x128xf32, #tpu.memory_space<vmem_shared>>
      %dma_wait3A_68 = arith.constant 0 : i32
      %dma_wait3A_69 = tpu.memref_slice %arg6[%add3A_13, %dma_wait3A_68] : memref<10240x128xf32, #tpu.memory_space<vmem_shared>> -> memref<80x128xf32, #tpu.memory_space<vmem_shared>>
      %dma_wait3A_70 = arith.constant 0 : i32
      %dma_wait3A_71 = arith.constant 0 : i32
      %dma_wait3A_72 = tpu.memref_slice %arg5[%dma_wait3A_70, %dma_wait3A_71] : memref<96x128xf32, #tpu.memory_space<vmem>> -> memref<80x128xf32, #tpu.memory_space<vmem>>
      tpu.wait_dma2 semaphore(%run_scoped3A : memref<!tpu.dma_semaphore, #tpu.memory_space<semaphore_mem>>) src(%dma_wait3A_72 : memref<80x128xf32, #tpu.memory_space<vmem>>) dst(%dma_wait3A_69 : memref<80x128xf32, #tpu.memory_space<vmem_shared>>)
      tpu.yield
    }) : () -> ()
    %mul3A_14 = arith.constant 640 : i32
    %mul3A_15 = arith.muli %arg1, %mul3A_14 : i32
    %add3A_16 = arith.constant 160 : i32
    %add3A_17 = arith.addi %mul3A_15, %add3A_16 : i32
    "tpu.region"() ({
      %run_scoped3A = tpu.sem_alloc : memref<!tpu.dma_semaphore, #tpu.memory_space<semaphore_mem>>
      %dma_start3A = arith.constant 0 : i32
      %dma_start3A_55 = arith.constant 0 : i32
      %dma_start3A_56 = tpu.memref_slice %arg5[%dma_start3A, %dma_start3A_55] : memref<96x128xf32, #tpu.memory_space<vmem>> -> memref<80x128xf32, #tpu.memory_space<vmem>>
      %dma_start3A_57 = arith.constant 0 : i32
      %dma_start3A_58 = tpu.memref_slice %arg6[%add3A_17, %dma_start3A_57] : memref<10240x128xf32, #tpu.memory_space<vmem_shared>> -> memref<80x128xf32, #tpu.memory_space<vmem_shared>>
      %dma_start3A_59 = arith.constant 0 : i32
      %dma_start3A_60 = tpu.memref_slice %arg6[%add3A_17, %dma_start3A_59] : memref<10240x128xf32, #tpu.memory_space<vmem_shared>> -> memref<80x128xf32, #tpu.memory_space<vmem_shared>>
      %dma_start3A_61 = arith.constant 0 : i32
      %dma_start3A_62 = arith.constant 0 : i32
      %dma_start3A_63 = tpu.memref_slice %arg5[%dma_start3A_61, %dma_start3A_62] : memref<96x128xf32, #tpu.memory_space<vmem>> -> memref<80x128xf32, #tpu.memory_space<vmem>>
      tpu.enqueue_dma source(%dma_start3A_63 : memref<80x128xf32, #tpu.memory_space<vmem>>) target(%dma_start3A_60 : memref<80x128xf32, #tpu.memory_space<vmem_shared>>) target_semaphore(%run_scoped3A : memref<!tpu.dma_semaphore, #tpu.memory_space<semaphore_mem>>)
      %dma_wait3A = arith.constant 0 : i32
      %dma_wait3A_64 = arith.constant 0 : i32
      %dma_wait3A_65 = tpu.memref_slice %arg5[%dma_wait3A, %dma_wait3A_64] : memref<96x128xf32, #tpu.memory_space<vmem>> -> memref<80x128xf32, #tpu.memory_space<vmem>>
      %dma_wait3A_66 = arith.constant 0 : i32
      %dma_wait3A_67 = tpu.memref_slice %arg6[%add3A_17, %dma_wait3A_66] : memref<10240x128xf32, #tpu.memory_space<vmem_shared>> -> memref<80x128xf32, #tpu.memory_space<vmem_shared>>
      %dma_wait3A_68 = arith.constant 0 : i32
      %dma_wait3A_69 = tpu.memref_slice %arg6[%add3A_17, %dma_wait3A_68] : memref<10240x128xf32, #tpu.memory_space<vmem_shared>> -> memref<80x128xf32, #tpu.memory_space<vmem_shared>>
      %dma_wait3A_70 = arith.constant 0 : i32
      %dma_wait3A_71 = arith.constant 0 : i32
      %dma_wait3A_72 = tpu.memref_slice %arg5[%dma_wait3A_70, %dma_wait3A_71] : memref<96x128xf32, #tpu.memory_space<vmem>> -> memref<80x128xf32, #tpu.memory_space<vmem>>
      tpu.wait_dma2 semaphore(%run_scoped3A : memref<!tpu.dma_semaphore, #tpu.memory_space<semaphore_mem>>) src(%dma_wait3A_72 : memref<80x128xf32, #tpu.memory_space<vmem>>) dst(%dma_wait3A_69 : memref<80x128xf32, #tpu.memory_space<vmem_shared>>)
      tpu.yield
    }) : () -> ()
    %mul3A_18 = arith.constant 640 : i32
    %mul3A_19 = arith.muli %arg1, %mul3A_18 : i32
    %add3A_20 = arith.constant 240 : i32
    %add3A_21 = arith.addi %mul3A_19, %add3A_20 : i32
    "tpu.region"() ({
      %run_scoped3A = tpu.sem_alloc : memref<!tpu.dma_semaphore, #tpu.memory_space<semaphore_mem>>
      %dma_start3A = arith.constant 0 : i32
      %dma_start3A_55 = arith.constant 0 : i32
      %dma_start3A_56 = tpu.memref_slice %arg5[%dma_start3A, %dma_start3A_55] : memref<96x128xf32, #tpu.memory_space<vmem>> -> memref<80x128xf32, #tpu.memory_space<vmem>>
      %dma_start3A_57 = arith.constant 0 : i32
      %dma_start3A_58 = tpu.memref_slice %arg6[%add3A_21, %dma_start3A_57] : memref<10240x128xf32, #tpu.memory_space<vmem_shared>> -> memref<80x128xf32, #tpu.memory_space<vmem_shared>>
      %dma_start3A_59 = arith.constant 0 : i32
      %dma_start3A_60 = tpu.memref_slice %arg6[%add3A_21, %dma_start3A_59] : memref<10240x128xf32, #tpu.memory_space<vmem_shared>> -> memref<80x128xf32, #tpu.memory_space<vmem_shared>>
      %dma_start3A_61 = arith.constant 0 : i32
      %dma_start3A_62 = arith.constant 0 : i32
      %dma_start3A_63 = tpu.memref_slice %arg5[%dma_start3A_61, %dma_start3A_62] : memref<96x128xf32, #tpu.memory_space<vmem>> -> memref<80x128xf32, #tpu.memory_space<vmem>>
      tpu.enqueue_dma source(%dma_start3A_63 : memref<80x128xf32, #tpu.memory_space<vmem>>) target(%dma_start3A_60 : memref<80x128xf32, #tpu.memory_space<vmem_shared>>) target_semaphore(%run_scoped3A : memref<!tpu.dma_semaphore, #tpu.memory_space<semaphore_mem>>)
      %dma_wait3A = arith.constant 0 : i32
      %dma_wait3A_64 = arith.constant 0 : i32
      %dma_wait3A_65 = tpu.memref_slice %arg5[%dma_wait3A, %dma_wait3A_64] : memref<96x128xf32, #tpu.memory_space<vmem>> -> memref<80x128xf32, #tpu.memory_space<vmem>>
      %dma_wait3A_66 = arith.constant 0 : i32
      %dma_wait3A_67 = tpu.memref_slice %arg6[%add3A_21, %dma_wait3A_66] : memref<10240x128xf32, #tpu.memory_space<vmem_shared>> -> memref<80x128xf32, #tpu.memory_space<vmem_shared>>
      %dma_wait3A_68 = arith.constant 0 : i32
      %dma_wait3A_69 = tpu.memref_slice %arg6[%add3A_21, %dma_wait3A_68] : memref<10240x128xf32, #tpu.memory_space<vmem_shared>> -> memref<80x128xf32, #tpu.memory_space<vmem_shared>>
      %dma_wait3A_70 = arith.constant 0 : i32
      %dma_wait3A_71 = arith.constant 0 : i32
      %dma_wait3A_72 = tpu.memref_slice %arg5[%dma_wait3A_70, %dma_wait3A_71] : memref<96x128xf32, #tpu.memory_space<vmem>> -> memref<80x128xf32, #tpu.memory_space<vmem>>
      tpu.wait_dma2 semaphore(%run_scoped3A : memref<!tpu.dma_semaphore, #tpu.memory_space<semaphore_mem>>) src(%dma_wait3A_72 : memref<80x128xf32, #tpu.memory_space<vmem>>) dst(%dma_wait3A_69 : memref<80x128xf32, #tpu.memory_space<vmem_shared>>)
      tpu.yield
    }) : () -> ()
    %mul3A_22 = arith.constant 640 : i32
    %mul3A_23 = arith.muli %arg1, %mul3A_22 : i32
    %add3A_24 = arith.constant 320 : i32
    %add3A_25 = arith.addi %mul3A_23, %add3A_24 : i32
    "tpu.region"() ({
      %run_scoped3A = tpu.sem_alloc : memref<!tpu.dma_semaphore, #tpu.memory_space<semaphore_mem>>
      %dma_start3A = arith.constant 0 : i32
      %dma_start3A_55 = arith.constant 0 : i32
      %dma_start3A_56 = tpu.memref_slice %arg5[%dma_start3A, %dma_start3A_55] : memref<96x128xf32, #tpu.memory_space<vmem>> -> memref<80x128xf32, #tpu.memory_space<vmem>>
      %dma_start3A_57 = arith.constant 0 : i32
      %dma_start3A_58 = tpu.memref_slice %arg6[%add3A_25, %dma_start3A_57] : memref<10240x128xf32, #tpu.memory_space<vmem_shared>> -> memref<80x128xf32, #tpu.memory_space<vmem_shared>>
      %dma_start3A_59 = arith.constant 0 : i32
      %dma_start3A_60 = tpu.memref_slice %arg6[%add3A_25, %dma_start3A_59] : memref<10240x128xf32, #tpu.memory_space<vmem_shared>> -> memref<80x128xf32, #tpu.memory_space<vmem_shared>>
      %dma_start3A_61 = arith.constant 0 : i32
      %dma_start3A_62 = arith.constant 0 : i32
      %dma_start3A_63 = tpu.memref_slice %arg5[%dma_start3A_61, %dma_start3A_62] : memref<96x128xf32, #tpu.memory_space<vmem>> -> memref<80x128xf32, #tpu.memory_space<vmem>>
      tpu.enqueue_dma source(%dma_start3A_63 : memref<80x128xf32, #tpu.memory_space<vmem>>) target(%dma_start3A_60 : memref<80x128xf32, #tpu.memory_space<vmem_shared>>) target_semaphore(%run_scoped3A : memref<!tpu.dma_semaphore, #tpu.memory_space<semaphore_mem>>)
      %dma_wait3A = arith.constant 0 : i32
      %dma_wait3A_64 = arith.constant 0 : i32
      %dma_wait3A_65 = tpu.memref_slice %arg5[%dma_wait3A, %dma_wait3A_64] : memref<96x128xf32, #tpu.memory_space<vmem>> -> memref<80x128xf32, #tpu.memory_space<vmem>>
      %dma_wait3A_66 = arith.constant 0 : i32
      %dma_wait3A_67 = tpu.memref_slice %arg6[%add3A_25, %dma_wait3A_66] : memref<10240x128xf32, #tpu.memory_space<vmem_shared>> -> memref<80x128xf32, #tpu.memory_space<vmem_shared>>
      %dma_wait3A_68 = arith.constant 0 : i32
      %dma_wait3A_69 = tpu.memref_slice %arg6[%add3A_25, %dma_wait3A_68] : memref<10240x128xf32, #tpu.memory_space<vmem_shared>> -> memref<80x128xf32, #tpu.memory_space<vmem_shared>>
      %dma_wait3A_70 = arith.constant 0 : i32
      %dma_wait3A_71 = arith.constant 0 : i32
      %dma_wait3A_72 = tpu.memref_slice %arg5[%dma_wait3A_70, %dma_wait3A_71] : memref<96x128xf32, #tpu.memory_space<vmem>> -> memref<80x128xf32, #tpu.memory_space<vmem>>
      tpu.wait_dma2 semaphore(%run_scoped3A : memref<!tpu.dma_semaphore, #tpu.memory_space<semaphore_mem>>) src(%dma_wait3A_72 : memref<80x128xf32, #tpu.memory_space<vmem>>) dst(%dma_wait3A_69 : memref<80x128xf32, #tpu.memory_space<vmem_shared>>)
      tpu.yield
    }) : () -> ()
    %mul3A_26 = arith.constant 640 : i32
    %mul3A_27 = arith.muli %arg1, %mul3A_26 : i32
    %add3A_28 = arith.constant 400 : i32
    %add3A_29 = arith.addi %mul3A_27, %add3A_28 : i32
    "tpu.region"() ({
      %run_scoped3A = tpu.sem_alloc : memref<!tpu.dma_semaphore, #tpu.memory_space<semaphore_mem>>
      %dma_start3A = arith.constant 0 : i32
      %dma_start3A_55 = arith.constant 0 : i32
      %dma_start3A_56 = tpu.memref_slice %arg5[%dma_start3A, %dma_start3A_55] : memref<96x128xf32, #tpu.memory_space<vmem>> -> memref<80x128xf32, #tpu.memory_space<vmem>>
      %dma_start3A_57 = arith.constant 0 : i32
      %dma_start3A_58 = tpu.memref_slice %arg6[%add3A_29, %dma_start3A_57] : memref<10240x128xf32, #tpu.memory_space<vmem_shared>> -> memref<80x128xf32, #tpu.memory_space<vmem_shared>>
      %dma_start3A_59 = arith.constant 0 : i32
      %dma_start3A_60 = tpu.memref_slice %arg6[%add3A_29, %dma_start3A_59] : memref<10240x128xf32, #tpu.memory_space<vmem_shared>> -> memref<80x128xf32, #tpu.memory_space<vmem_shared>>
      %dma_start3A_61 = arith.constant 0 : i32
      %dma_start3A_62 = arith.constant 0 : i32
      %dma_start3A_63 = tpu.memref_slice %arg5[%dma_start3A_61, %dma_start3A_62] : memref<96x128xf32, #tpu.memory_space<vmem>> -> memref<80x128xf32, #tpu.memory_space<vmem>>
      tpu.enqueue_dma source(%dma_start3A_63 : memref<80x128xf32, #tpu.memory_space<vmem>>) target(%dma_start3A_60 : memref<80x128xf32, #tpu.memory_space<vmem_shared>>) target_semaphore(%run_scoped3A : memref<!tpu.dma_semaphore, #tpu.memory_space<semaphore_mem>>)
      %dma_wait3A = arith.constant 0 : i32
      %dma_wait3A_64 = arith.constant 0 : i32
      %dma_wait3A_65 = tpu.memref_slice %arg5[%dma_wait3A, %dma_wait3A_64] : memref<96x128xf32, #tpu.memory_space<vmem>> -> memref<80x128xf32, #tpu.memory_space<vmem>>
      %dma_wait3A_66 = arith.constant 0 : i32
      %dma_wait3A_67 = tpu.memref_slice %arg6[%add3A_29, %dma_wait3A_66] : memref<10240x128xf32, #tpu.memory_space<vmem_shared>> -> memref<80x128xf32, #tpu.memory_space<vmem_shared>>
      %dma_wait3A_68 = arith.constant 0 : i32
      %dma_wait3A_69 = tpu.memref_slice %arg6[%add3A_29, %dma_wait3A_68] : memref<10240x128xf32, #tpu.memory_space<vmem_shared>> -> memref<80x128xf32, #tpu.memory_space<vmem_shared>>
      %dma_wait3A_70 = arith.constant 0 : i32
      %dma_wait3A_71 = arith.constant 0 : i32
      %dma_wait3A_72 = tpu.memref_slice %arg5[%dma_wait3A_70, %dma_wait3A_71] : memref<96x128xf32, #tpu.memory_space<vmem>> -> memref<80x128xf32, #tpu.memory_space<vmem>>
      tpu.wait_dma2 semaphore(%run_scoped3A : memref<!tpu.dma_semaphore, #tpu.memory_space<semaphore_mem>>) src(%dma_wait3A_72 : memref<80x128xf32, #tpu.memory_space<vmem>>) dst(%dma_wait3A_69 : memref<80x128xf32, #tpu.memory_space<vmem_shared>>)
      tpu.yield
    }) : () -> ()
    %mul3A_30 = arith.constant 640 : i32
    %mul3A_31 = arith.muli %arg1, %mul3A_30 : i32
    %add3A_32 = arith.constant 480 : i32
    %add3A_33 = arith.addi %mul3A_31, %add3A_32 : i32
    "tpu.region"() ({
      %run_scoped3A = tpu.sem_alloc : memref<!tpu.dma_semaphore, #tpu.memory_space<semaphore_mem>>
      %dma_start3A = arith.constant 0 : i32
      %dma_start3A_55 = arith.constant 0 : i32
      %dma_start3A_56 = tpu.memref_slice %arg5[%dma_start3A, %dma_start3A_55] : memref<96x128xf32, #tpu.memory_space<vmem>> -> memref<80x128xf32, #tpu.memory_space<vmem>>
      %dma_start3A_57 = arith.constant 0 : i32
      %dma_start3A_58 = tpu.memref_slice %arg6[%add3A_33, %dma_start3A_57] : memref<10240x128xf32, #tpu.memory_space<vmem_shared>> -> memref<80x128xf32, #tpu.memory_space<vmem_shared>>
      %dma_start3A_59 = arith.constant 0 : i32
      %dma_start3A_60 = tpu.memref_slice %arg6[%add3A_33, %dma_start3A_59] : memref<10240x128xf32, #tpu.memory_space<vmem_shared>> -> memref<80x128xf32, #tpu.memory_space<vmem_shared>>
      %dma_start3A_61 = arith.constant 0 : i32
      %dma_start3A_62 = arith.constant 0 : i32
      %dma_start3A_63 = tpu.memref_slice %arg5[%dma_start3A_61, %dma_start3A_62] : memref<96x128xf32, #tpu.memory_space<vmem>> -> memref<80x128xf32, #tpu.memory_space<vmem>>
      tpu.enqueue_dma source(%dma_start3A_63 : memref<80x128xf32, #tpu.memory_space<vmem>>) target(%dma_start3A_60 : memref<80x128xf32, #tpu.memory_space<vmem_shared>>) target_semaphore(%run_scoped3A : memref<!tpu.dma_semaphore, #tpu.memory_space<semaphore_mem>>)
      %dma_wait3A = arith.constant 0 : i32
      %dma_wait3A_64 = arith.constant 0 : i32
      %dma_wait3A_65 = tpu.memref_slice %arg5[%dma_wait3A, %dma_wait3A_64] : memref<96x128xf32, #tpu.memory_space<vmem>> -> memref<80x128xf32, #tpu.memory_space<vmem>>
      %dma_wait3A_66 = arith.constant 0 : i32
      %dma_wait3A_67 = tpu.memref_slice %arg6[%add3A_33, %dma_wait3A_66] : memref<10240x128xf32, #tpu.memory_space<vmem_shared>> -> memref<80x128xf32, #tpu.memory_space<vmem_shared>>
      %dma_wait3A_68 = arith.constant 0 : i32
      %dma_wait3A_69 = tpu.memref_slice %arg6[%add3A_33, %dma_wait3A_68] : memref<10240x128xf32, #tpu.memory_space<vmem_shared>> -> memref<80x128xf32, #tpu.memory_space<vmem_shared>>
      %dma_wait3A_70 = arith.constant 0 : i32
      %dma_wait3A_71 = arith.constant 0 : i32
      %dma_wait3A_72 = tpu.memref_slice %arg5[%dma_wait3A_70, %dma_wait3A_71] : memref<96x128xf32, #tpu.memory_space<vmem>> -> memref<80x128xf32, #tpu.memory_space<vmem>>
      tpu.wait_dma2 semaphore(%run_scoped3A : memref<!tpu.dma_semaphore, #tpu.memory_space<semaphore_mem>>) src(%dma_wait3A_72 : memref<80x128xf32, #tpu.memory_space<vmem>>) dst(%dma_wait3A_69 : memref<80x128xf32, #tpu.memory_space<vmem_shared>>)
      tpu.yield
    }) : () -> ()
    %mul3A_34 = arith.constant 640 : i32
    %mul3A_35 = arith.muli %arg1, %mul3A_34 : i32
    %add3A_36 = arith.constant 560 : i32
    %add3A_37 = arith.addi %mul3A_35, %add3A_36 : i32
    "tpu.region"() ({
      %run_scoped3A = tpu.sem_alloc : memref<!tpu.dma_semaphore, #tpu.memory_space<semaphore_mem>>
      %dma_start3A = arith.constant 0 : i32
      %dma_start3A_55 = arith.constant 0 : i32
      %dma_start3A_56 = tpu.memref_slice %arg5[%dma_start3A, %dma_start3A_55] : memref<96x128xf32, #tpu.memory_space<vmem>> -> memref<80x128xf32, #tpu.memory_space<vmem>>
      %dma_start3A_57 = arith.constant 0 : i32
      %dma_start3A_58 = tpu.memref_slice %arg6[%add3A_37, %dma_start3A_57] : memref<10240x128xf32, #tpu.memory_space<vmem_shared>> -> memref<80x128xf32, #tpu.memory_space<vmem_shared>>
      %dma_start3A_59 = arith.constant 0 : i32
      %dma_start3A_60 = tpu.memref_slice %arg6[%add3A_37, %dma_start3A_59] : memref<10240x128xf32, #tpu.memory_space<vmem_shared>> -> memref<80x128xf32, #tpu.memory_space<vmem_shared>>
      %dma_start3A_61 = arith.constant 0 : i32
      %dma_start3A_62 = arith.constant 0 : i32
      %dma_start3A_63 = tpu.memref_slice %arg5[%dma_start3A_61, %dma_start3A_62] : memref<96x128xf32, #tpu.memory_space<vmem>> -> memref<80x128xf32, #tpu.memory_space<vmem>>
      tpu.enqueue_dma source(%dma_start3A_63 : memref<80x128xf32, #tpu.memory_space<vmem>>) target(%dma_start3A_60 : memref<80x128xf32, #tpu.memory_space<vmem_shared>>) target_semaphore(%run_scoped3A : memref<!tpu.dma_semaphore, #tpu.memory_space<semaphore_mem>>)
      %dma_wait3A = arith.constant 0 : i32
      %dma_wait3A_64 = arith.constant 0 : i32
      %dma_wait3A_65 = tpu.memref_slice %arg5[%dma_wait3A, %dma_wait3A_64] : memref<96x128xf32, #tpu.memory_space<vmem>> -> memref<80x128xf32, #tpu.memory_space<vmem>>
      %dma_wait3A_66 = arith.constant 0 : i32
      %dma_wait3A_67 = tpu.memref_slice %arg6[%add3A_37, %dma_wait3A_66] : memref<10240x128xf32, #tpu.memory_space<vmem_shared>> -> memref<80x128xf32, #tpu.memory_space<vmem_shared>>
      %dma_wait3A_68 = arith.constant 0 : i32
      %dma_wait3A_69 = tpu.memref_slice %arg6[%add3A_37, %dma_wait3A_68] : memref<10240x128xf32, #tpu.memory_space<vmem_shared>> -> memref<80x128xf32, #tpu.memory_space<vmem_shared>>
      %dma_wait3A_70 = arith.constant 0 : i32
      %dma_wait3A_71 = arith.constant 0 : i32
      %dma_wait3A_72 = tpu.memref_slice %arg5[%dma_wait3A_70, %dma_wait3A_71] : memref<96x128xf32, #tpu.memory_space<vmem>> -> memref<80x128xf32, #tpu.memory_space<vmem>>
      tpu.wait_dma2 semaphore(%run_scoped3A : memref<!tpu.dma_semaphore, #tpu.memory_space<semaphore_mem>>) src(%dma_wait3A_72 : memref<80x128xf32, #tpu.memory_space<vmem>>) dst(%dma_wait3A_69 : memref<80x128xf32, #tpu.memory_space<vmem_shared>>)
      tpu.yield
    }) : () -> ()
    %scan3A_38 = arith.constant 0 : i32
    %scan3A_39 = arith.constant 0 : i32
    %scan3A_40 = arith.constant 96 : i32
    %scan3A_41 = arith.addi %scan3A_39, %scan3A_40 : i32
    %scan3A_42 = arith.constant 1 : i32
    scf.for %scan3A_55 = %scan3A_39 to %scan3A_41 step %scan3A_42  : i32 {
      %broadcast_in_dim3A = arith.constant 1.000000e+00 : f32
      %broadcast_in_dim3A_56 = vector.broadcast %broadcast_in_dim3A : f32 to vector<16xf32>
      %swap3A = arith.index_cast %scan3A_55 : i32 to index
      %swap3A_57 = arith.constant 0 : index
      %swap3A_58 = tpu.vector_load %arg5[%swap3A, %swap3A_57] {strides = array<i32>} : memref<96x128xf32, #tpu.memory_space<vmem>>, vector<1x16xf32>,
      %swap3A_59 = vector.shape_cast %swap3A_58 : vector<1x16xf32> to vector<16xf32>
      %swap3A_60 = vector.shape_cast %broadcast_in_dim3A_56 : vector<16xf32> to vector<1x16xf32>
      tpu.vector_store %arg5[%swap3A, %swap3A_57], %swap3A_60 {strides = array<i32>} : memref<96x128xf32, #tpu.memory_space<vmem>>, vector<1x16xf32>,
      %broadcast_in_dim3A_61 = arith.constant 1.000000e+00 : f32
      %broadcast_in_dim3A_62 = vector.broadcast %broadcast_in_dim3A_61 : f32 to vector<16xf32>
      %swap3A_63 = arith.index_cast %scan3A_55 : i32 to index
      %swap3A_64 = arith.constant 16 : index
      %swap3A_65 = tpu.vector_load %arg5[%swap3A_63, %swap3A_64] {strides = array<i32>} : memref<96x128xf32, #tpu.memory_space<vmem>>, vector<1x16xf32>,
      %swap3A_66 = vector.shape_cast %swap3A_65 : vector<1x16xf32> to vector<16xf32>
      %swap3A_67 = vector.shape_cast %broadcast_in_dim3A_62 : vector<16xf32> to vector<1x16xf32>
      tpu.vector_store %arg5[%swap3A_63, %swap3A_64], %swap3A_67 {strides = array<i32>} : memref<96x128xf32, #tpu.memory_space<vmem>>, vector<1x16xf32>,
      %broadcast_in_dim3A_68 = arith.constant 1.000000e+00 : f32
      %broadcast_in_dim3A_69 = vector.broadcast %broadcast_in_dim3A_68 : f32 to vector<16xf32>
      %swap3A_70 = arith.index_cast %scan3A_55 : i32 to index
      %swap3A_71 = arith.constant 32 : index
      %swap3A_72 = tpu.vector_load %arg5[%swap3A_70, %swap3A_71] {strides = array<i32>} : memref<96x128xf32, #tpu.memory_space<vmem>>, vector<1x16xf32>,
      %swap3A_73 = vector.shape_cast %swap3A_72 : vector<1x16xf32> to vector<16xf32>
      %swap3A_74 = vector.shape_cast %broadcast_in_dim3A_69 : vector<16xf32> to vector<1x16xf32>
      tpu.vector_store %arg5[%swap3A_70, %swap3A_71], %swap3A_74 {strides = array<i32>} : memref<96x128xf32, #tpu.memory_space<vmem>>, vector<1x16xf32>,
      %broadcast_in_dim3A_75 = arith.constant 1.000000e+00 : f32
      %broadcast_in_dim3A_76 = vector.broadcast %broadcast_in_dim3A_75 : f32 to vector<16xf32>
      %swap3A_77 = arith.index_cast %scan3A_55 : i32 to index
      %swap3A_78 = arith.constant 48 : index
      %swap3A_79 = tpu.vector_load %arg5[%swap3A_77, %swap3A_78] {strides = array<i32>} : memref<96x128xf32, #tpu.memory_space<vmem>>, vector<1x16xf32>,
      %swap3A_80 = vector.shape_cast %swap3A_79 : vector<1x16xf32> to vector<16xf32>
      %swap3A_81 = vector.shape_cast %broadcast_in_dim3A_76 : vector<16xf32> to vector<1x16xf32>
      tpu.vector_store %arg5[%swap3A_77, %swap3A_78], %swap3A_81 {strides = array<i32>} : memref<96x128xf32, #tpu.memory_space<vmem>>, vector<1x16xf32>,
      %broadcast_in_dim3A_82 = arith.constant 1.000000e+00 : f32
      %broadcast_in_dim3A_83 = vector.broadcast %broadcast_in_dim3A_82 : f32 to vector<16xf32>
      %swap3A_84 = arith.index_cast %scan3A_55 : i32 to index
      %swap3A_85 = arith.constant 64 : index
      %swap3A_86 = tpu.vector_load %arg5[%swap3A_84, %swap3A_85] {strides = array<i32>} : memref<96x128xf32, #tpu.memory_space<vmem>>, vector<1x16xf32>,
      %swap3A_87 = vector.shape_cast %swap3A_86 : vector<1x16xf32> to vector<16xf32>
      %swap3A_88 = vector.shape_cast %broadcast_in_dim3A_83 : vector<16xf32> to vector<1x16xf32>
      tpu.vector_store %arg5[%swap3A_84, %swap3A_85], %swap3A_88 {strides = array<i32>} : memref<96x128xf32, #tpu.memory_space<vmem>>, vector<1x16xf32>,
      %broadcast_in_dim3A_89 = arith.constant 1.000000e+00 : f32
      %broadcast_in_dim3A_90 = vector.broadcast %broadcast_in_dim3A_89 : f32 to vector<16xf32>
      %swap3A_91 = arith.index_cast %scan3A_55 : i32 to index
      %swap3A_92 = arith.constant 80 : index
      %swap3A_93 = tpu.vector_load %arg5[%swap3A_91, %swap3A_92] {strides = array<i32>} : memref<96x128xf32, #tpu.memory_space<vmem>>, vector<1x16xf32>,
      %swap3A_94 = vector.shape_cast %swap3A_93 : vector<1x16xf32> to vector<16xf32>
      %swap3A_95 = vector.shape_cast %broadcast_in_dim3A_90 : vector<16xf32> to vector<1x16xf32>
      tpu.vector_store %arg5[%swap3A_91, %swap3A_92], %swap3A_95 {strides = array<i32>} : memref<96x128xf32, #tpu.memory_space<vmem>>, vector<1x16xf32>,
      %broadcast_in_dim3A_96 = arith.constant 1.000000e+00 : f32
      %broadcast_in_dim3A_97 = vector.broadcast %broadcast_in_dim3A_96 : f32 to vector<16xf32>
      %swap3A_98 = arith.index_cast %scan3A_55 : i32 to index
      %swap3A_99 = arith.constant 96 : index
      %swap3A_100 = tpu.vector_load %arg5[%swap3A_98, %swap3A_99] {strides = array<i32>} : memref<96x128xf32, #tpu.memory_space<vmem>>, vector<1x16xf32>,
      %swap3A_101 = vector.shape_cast %swap3A_100 : vector<1x16xf32> to vector<16xf32>
      %swap3A_102 = vector.shape_cast %broadcast_in_dim3A_97 : vector<16xf32> to vector<1x16xf32>
      tpu.vector_store %arg5[%swap3A_98, %swap3A_99], %swap3A_102 {strides = array<i32>} : memref<96x128xf32, #tpu.memory_space<vmem>>, vector<1x16xf32>,
      %broadcast_in_dim3A_103 = arith.constant 1.000000e+00 : f32
      %broadcast_in_dim3A_104 = vector.broadcast %broadcast_in_dim3A_103 : f32 to vector<16xf32>
      %swap3A_105 = arith.index_cast %scan3A_55 : i32 to index
      %swap3A_106 = arith.constant 112 : index
      %swap3A_107 = tpu.vector_load %arg5[%swap3A_105, %swap3A_106] {strides = array<i32>} : memref<96x128xf32, #tpu.memory_space<vmem>>, vector<1x16xf32>,
      %swap3A_108 = vector.shape_cast %swap3A_107 : vector<1x16xf32> to vector<16xf32>
      %swap3A_109 = vector.shape_cast %broadcast_in_dim3A_104 : vector<16xf32> to vector<1x16xf32>
      tpu.vector_store %arg5[%swap3A_105, %swap3A_106], %swap3A_109 {strides = array<i32>} : memref<96x128xf32, #tpu.memory_space<vmem>>, vector<1x16xf32>,
    }
    %scan3A_43 = arith.constant 96 : i32
    "tpu.region"() ({
      %run_scoped3A = tpu.sem_alloc : memref<!tpu.dma_semaphore, #tpu.memory_space<semaphore_mem>>
      %dma_start3A = arith.constant 0 : i32
      %dma_start3A_55 = arith.constant 0 : i32
      %dma_start3A_56 = tpu.memref_slice %arg2[%add3A, %dma_start3A, %dma_start3A_55] : memref<32x105x96xi32, #tpu.memory_space<hbm>> -> memref<1x105x96xi32, #tpu.memory_space<hbm>>
      %dma_start3A_57 = tpu.memref_squeeze %dma_start3A_56 : memref<1x105x96xi32, #tpu.memory_space<hbm>> -> memref<105x96xi32, #tpu.memory_space<hbm>>
      %dma_start3A_58 = arith.constant 0 : i32
      %dma_start3A_59 = arith.constant 0 : i32
      %dma_start3A_60 = tpu.memref_slice %arg2[%add3A, %dma_start3A_58, %dma_start3A_59] : memref<32x105x96xi32, #tpu.memory_space<hbm>> -> memref<1x105x96xi32, #tpu.memory_space<hbm>>
      %dma_start3A_61 = tpu.memref_squeeze %dma_start3A_60 : memref<1x105x96xi32, #tpu.memory_space<hbm>> -> memref<105x96xi32, #tpu.memory_space<hbm>>
      tpu.enqueue_dma source(%dma_start3A_61 : memref<105x96xi32, #tpu.memory_space<hbm>>) target(%arg4 : memref<105x96xi32, #tpu.memory_space<vmem>>) target_semaphore(%run_scoped3A : memref<!tpu.dma_semaphore, #tpu.memory_space<semaphore_mem>>)
      %dma_wait3A = arith.constant 0 : i32
      %dma_wait3A_62 = arith.constant 0 : i32
      %dma_wait3A_63 = tpu.memref_slice %arg2[%add3A, %dma_wait3A, %dma_wait3A_62] : memref<32x105x96xi32, #tpu.memory_space<hbm>> -> memref<1x105x96xi32, #tpu.memory_space<hbm>>
      %dma_wait3A_64 = tpu.memref_squeeze %dma_wait3A_63 : memref<1x105x96xi32, #tpu.memory_space<hbm>> -> memref<105x96xi32, #tpu.memory_space<hbm>>
      %dma_wait3A_65 = arith.constant 0 : i32
      %dma_wait3A_66 = arith.constant 0 : i32
      %dma_wait3A_67 = tpu.memref_slice %arg2[%add3A, %dma_wait3A_65, %dma_wait3A_66] : memref<32x105x96xi32, #tpu.memory_space<hbm>> -> memref<1x105x96xi32, #tpu.memory_space<hbm>>
      %dma_wait3A_68 = tpu.memref_squeeze %dma_wait3A_67 : memref<1x105x96xi32, #tpu.memory_space<hbm>> -> memref<105x96xi32, #tpu.memory_space<hbm>>
      tpu.wait_dma2 semaphore(%run_scoped3A : memref<!tpu.dma_semaphore, #tpu.memory_space<semaphore_mem>>) src(%dma_wait3A_68 : memref<105x96xi32, #tpu.memory_space<hbm>>) dst(%arg4 : memref<105x96xi32, #tpu.memory_space<vmem>>)
      tpu.yield
    }) : () -> ()
    %barrier3A = arith.constant 0 : index
    tpu.barrier barrier_id(%barrier3A)
    %scan3A_44 = arith.constant 0 : i32
    %scan3A_45 = arith.constant 0 : i32
    %scan3A_46 = arith.constant 21 : i32
    %scan3A_47 = arith.addi %scan3A_45, %scan3A_46 : i32
    %scan3A_48 = arith.constant 1 : i32
    scf.for %scan3A_55 = %scan3A_45 to %scan3A_47 step %scan3A_48  : i32 {
      %mul3A_56 = arith.constant 5 : i32
      %mul3A_57 = arith.muli %scan3A_55, %mul3A_56 : i32
      %add3A_58 = arith.constant 0 : i32
      %add3A_59 = arith.addi %mul3A_57, %add3A_58 : i32
      %dma_start3A = arith.constant 0 : i32
      %dma_start3A_60 = tpu.memref_slice %arg4[%add3A_59, %dma_start3A] : memref<105x96xi32, #tpu.memory_space<vmem>> -> memref<1x96xi32, #tpu.memory_space<vmem>>
      %dma_start3A_61 = tpu.memref_squeeze %dma_start3A_60 : memref<1x96xi32, #tpu.memory_space<vmem>> -> memref<96xi32, #tpu.memory_space<vmem>>
      %dma_start3A_62 = arith.constant 0 : i32
      %dma_start3A_63 = arith.constant 0 : i32
      %dma_start3A_64 = tpu.memref_slice %arg6[%dma_start3A_62, %dma_start3A_63] : memref<10240x128xf32, #tpu.memory_space<vmem_shared>> -> memref<10240x128xf32, #tpu.memory_space<vmem_shared>>
      tpu.enqueue_indirect_dma source(%arg5 : memref<96x128xf32, #tpu.memory_space<vmem>>) target(%dma_start3A_64 : memref<10240x128xf32, #tpu.memory_space<vmem_shared>>) offsets(%dma_start3A_61 : memref<96xi32, #tpu.memory_space<vmem>>) semaphore(%arg7 : memref<!tpu.dma_semaphore, #tpu.memory_space<semaphore_mem>>) {add = true}
      %mul3A_65 = arith.constant 5 : i32
      %mul3A_66 = arith.muli %scan3A_55, %mul3A_65 : i32
      %add3A_67 = arith.constant 1 : i32
      %add3A_68 = arith.addi %mul3A_66, %add3A_67 : i32
      %dma_start3A_69 = arith.constant 0 : i32
      %dma_start3A_70 = tpu.memref_slice %arg4[%add3A_68, %dma_start3A_69] : memref<105x96xi32, #tpu.memory_space<vmem>> -> memref<1x96xi32, #tpu.memory_space<vmem>>
      %dma_start3A_71 = tpu.memref_squeeze %dma_start3A_70 : memref<1x96xi32, #tpu.memory_space<vmem>> -> memref<96xi32, #tpu.memory_space<vmem>>
      %dma_start3A_72 = arith.constant 0 : i32
      %dma_start3A_73 = arith.constant 0 : i32
      %dma_start3A_74 = tpu.memref_slice %arg6[%dma_start3A_72, %dma_start3A_73] : memref<10240x128xf32, #tpu.memory_space<vmem_shared>> -> memref<10240x128xf32, #tpu.memory_space<vmem_shared>>
      tpu.enqueue_indirect_dma source(%arg5 : memref<96x128xf32, #tpu.memory_space<vmem>>) target(%dma_start3A_74 : memref<10240x128xf32, #tpu.memory_space<vmem_shared>>) offsets(%dma_start3A_71 : memref<96xi32, #tpu.memory_space<vmem>>) semaphore(%arg8 : memref<!tpu.dma_semaphore, #tpu.memory_space<semaphore_mem>>) {add = true}
      %mul3A_75 = arith.constant 5 : i32
      %mul3A_76 = arith.muli %scan3A_55, %mul3A_75 : i32
      %add3A_77 = arith.constant 2 : i32
      %add3A_78 = arith.addi %mul3A_76, %add3A_77 : i32
      %dma_start3A_79 = arith.constant 0 : i32
      %dma_start3A_80 = tpu.memref_slice %arg4[%add3A_78, %dma_start3A_79] : memref<105x96xi32, #tpu.memory_space<vmem>> -> memref<1x96xi32, #tpu.memory_space<vmem>>
      %dma_start3A_81 = tpu.memref_squeeze %dma_start3A_80 : memref<1x96xi32, #tpu.memory_space<vmem>> -> memref<96xi32, #tpu.memory_space<vmem>>
      %dma_start3A_82 = arith.constant 0 : i32
      %dma_start3A_83 = arith.constant 0 : i32
      %dma_start3A_84 = tpu.memref_slice %arg6[%dma_start3A_82, %dma_start3A_83] : memref<10240x128xf32, #tpu.memory_space<vmem_shared>> -> memref<10240x128xf32, #tpu.memory_space<vmem_shared>>
      tpu.enqueue_indirect_dma source(%arg5 : memref<96x128xf32, #tpu.memory_space<vmem>>) target(%dma_start3A_84 : memref<10240x128xf32, #tpu.memory_space<vmem_shared>>) offsets(%dma_start3A_81 : memref<96xi32, #tpu.memory_space<vmem>>) semaphore(%arg9 : memref<!tpu.dma_semaphore, #tpu.memory_space<semaphore_mem>>) {add = true}
      %mul3A_85 = arith.constant 5 : i32
      %mul3A_86 = arith.muli %scan3A_55, %mul3A_85 : i32
      %add3A_87 = arith.constant 3 : i32
      %add3A_88 = arith.addi %mul3A_86, %add3A_87 : i32
      %dma_start3A_89 = arith.constant 0 : i32
      %dma_start3A_90 = tpu.memref_slice %arg4[%add3A_88, %dma_start3A_89] : memref<105x96xi32, #tpu.memory_space<vmem>> -> memref<1x96xi32, #tpu.memory_space<vmem>>
      %dma_start3A_91 = tpu.memref_squeeze %dma_start3A_90 : memref<1x96xi32, #tpu.memory_space<vmem>> -> memref<96xi32, #tpu.memory_space<vmem>>
      %dma_start3A_92 = arith.constant 0 : i32
      %dma_start3A_93 = arith.constant 0 : i32
      %dma_start3A_94 = tpu.memref_slice %arg6[%dma_start3A_92, %dma_start3A_93] : memref<10240x128xf32, #tpu.memory_space<vmem_shared>> -> memref<10240x128xf32, #tpu.memory_space<vmem_shared>>
      tpu.enqueue_indirect_dma source(%arg5 : memref<96x128xf32, #tpu.memory_space<vmem>>) target(%dma_start3A_94 : memref<10240x128xf32, #tpu.memory_space<vmem_shared>>) offsets(%dma_start3A_91 : memref<96xi32, #tpu.memory_space<vmem>>) semaphore(%arg10 : memref<!tpu.dma_semaphore, #tpu.memory_space<semaphore_mem>>) {add = true}
      %mul3A_95 = arith.constant 5 : i32
      %mul3A_96 = arith.muli %scan3A_55, %mul3A_95 : i32
      %add3A_97 = arith.constant 4 : i32
      %add3A_98 = arith.addi %mul3A_96, %add3A_97 : i32
      %dma_start3A_99 = arith.constant 0 : i32
      %dma_start3A_100 = tpu.memref_slice %arg4[%add3A_98, %dma_start3A_99] : memref<105x96xi32, #tpu.memory_space<vmem>> -> memref<1x96xi32, #tpu.memory_space<vmem>>
      %dma_start3A_101 = tpu.memref_squeeze %dma_start3A_100 : memref<1x96xi32, #tpu.memory_space<vmem>> -> memref<96xi32, #tpu.memory_space<vmem>>
      %dma_start3A_102 = arith.constant 0 : i32
      %dma_start3A_103 = arith.constant 0 : i32
      %dma_start3A_104 = tpu.memref_slice %arg6[%dma_start3A_102, %dma_start3A_103] : memref<10240x128xf32, #tpu.memory_space<vmem_shared>> -> memref<10240x128xf32, #tpu.memory_space<vmem_shared>>
      tpu.enqueue_indirect_dma source(%arg5 : memref<96x128xf32, #tpu.memory_space<vmem>>) target(%dma_start3A_104 : memref<10240x128xf32, #tpu.memory_space<vmem_shared>>) offsets(%dma_start3A_101 : memref<96xi32, #tpu.memory_space<vmem>>) semaphore(%arg11 : memref<!tpu.dma_semaphore, #tpu.memory_space<semaphore_mem>>) {add = true}
      %mul3A_105 = arith.constant 5 : i32
      %mul3A_106 = arith.muli %scan3A_55, %mul3A_105 : i32
      %add3A_107 = arith.constant 0 : i32
      %add3A_108 = arith.addi %mul3A_106, %add3A_107 : i32
      %dma_wait3A = arith.constant 0 : i32
      %dma_wait3A_109 = tpu.memref_slice %arg4[%add3A_108, %dma_wait3A] : memref<105x96xi32, #tpu.memory_space<vmem>> -> memref<1x96xi32, #tpu.memory_space<vmem>>
      %dma_wait3A_110 = tpu.memref_squeeze %dma_wait3A_109 : memref<1x96xi32, #tpu.memory_space<vmem>> -> memref<96xi32, #tpu.memory_space<vmem>>
      %dma_wait3A_111 = arith.constant 0 : i32
      %dma_wait3A_112 = arith.constant 0 : i32
      %dma_wait3A_113 = tpu.memref_slice %arg6[%dma_wait3A_111, %dma_wait3A_112] : memref<10240x128xf32, #tpu.memory_space<vmem_shared>> -> memref<10240x128xf32, #tpu.memory_space<vmem_shared>>
      tpu.wait_indirect_dma semaphore(%arg7 : memref<!tpu.dma_semaphore, #tpu.memory_space<semaphore_mem>>) src(%arg5 : memref<96x128xf32, #tpu.memory_space<vmem>>) dst(%dma_wait3A_113 : memref<10240x128xf32, #tpu.memory_space<vmem_shared>>)
      %mul3A_114 = arith.constant 5 : i32
      %mul3A_115 = arith.muli %scan3A_55, %mul3A_114 : i32
      %add3A_116 = arith.constant 1 : i32
      %add3A_117 = arith.addi %mul3A_115, %add3A_116 : i32
      %dma_wait3A_118 = arith.constant 0 : i32
      %dma_wait3A_119 = tpu.memref_slice %arg4[%add3A_117, %dma_wait3A_118] : memref<105x96xi32, #tpu.memory_space<vmem>> -> memref<1x96xi32, #tpu.memory_space<vmem>>
      %dma_wait3A_120 = tpu.memref_squeeze %dma_wait3A_119 : memref<1x96xi32, #tpu.memory_space<vmem>> -> memref<96xi32, #tpu.memory_space<vmem>>
      %dma_wait3A_121 = arith.constant 0 : i32
      %dma_wait3A_122 = arith.constant 0 : i32
      %dma_wait3A_123 = tpu.memref_slice %arg6[%dma_wait3A_121, %dma_wait3A_122] : memref<10240x128xf32, #tpu.memory_space<vmem_shared>> -> memref<10240x128xf32, #tpu.memory_space<vmem_shared>>
      tpu.wait_indirect_dma semaphore(%arg8 : memref<!tpu.dma_semaphore, #tpu.memory_space<semaphore_mem>>) src(%arg5 : memref<96x128xf32, #tpu.memory_space<vmem>>) dst(%dma_wait3A_123 : memref<10240x128xf32, #tpu.memory_space<vmem_shared>>)
      %mul3A_124 = arith.constant 5 : i32
      %mul3A_125 = arith.muli %scan3A_55, %mul3A_124 : i32
      %add3A_126 = arith.constant 2 : i32
      %add3A_127 = arith.addi %mul3A_125, %add3A_126 : i32
      %dma_wait3A_128 = arith.constant 0 : i32
      %dma_wait3A_129 = tpu.memref_slice %arg4[%add3A_127, %dma_wait3A_128] : memref<105x96xi32, #tpu.memory_space<vmem>> -> memref<1x96xi32, #tpu.memory_space<vmem>>
      %dma_wait3A_130 = tpu.memref_squeeze %dma_wait3A_129 : memref<1x96xi32, #tpu.memory_space<vmem>> -> memref<96xi32, #tpu.memory_space<vmem>>
      %dma_wait3A_131 = arith.constant 0 : i32
      %dma_wait3A_132 = arith.constant 0 : i32
      %dma_wait3A_133 = tpu.memref_slice %arg6[%dma_wait3A_131, %dma_wait3A_132] : memref<10240x128xf32, #tpu.memory_space<vmem_shared>> -> memref<10240x128xf32, #tpu.memory_space<vmem_shared>>
      tpu.wait_indirect_dma semaphore(%arg9 : memref<!tpu.dma_semaphore, #tpu.memory_space<semaphore_mem>>) src(%arg5 : memref<96x128xf32, #tpu.memory_space<vmem>>) dst(%dma_wait3A_133 : memref<10240x128xf32, #tpu.memory_space<vmem_shared>>)
      %mul3A_134 = arith.constant 5 : i32
      %mul3A_135 = arith.muli %scan3A_55, %mul3A_134 : i32
      %add3A_136 = arith.constant 3 : i32
      %add3A_137 = arith.addi %mul3A_135, %add3A_136 : i32
      %dma_wait3A_138 = arith.constant 0 : i32
      %dma_wait3A_139 = tpu.memref_slice %arg4[%add3A_137, %dma_wait3A_138] : memref<105x96xi32, #tpu.memory_space<vmem>> -> memref<1x96xi32, #tpu.memory_space<vmem>>
      %dma_wait3A_140 = tpu.memref_squeeze %dma_wait3A_139 : memref<1x96xi32, #tpu.memory_space<vmem>> -> memref<96xi32, #tpu.memory_space<vmem>>
      %dma_wait3A_141 = arith.constant 0 : i32
      %dma_wait3A_142 = arith.constant 0 : i32
      %dma_wait3A_143 = tpu.memref_slice %arg6[%dma_wait3A_141, %dma_wait3A_142] : memref<10240x128xf32, #tpu.memory_space<vmem_shared>> -> memref<10240x128xf32, #tpu.memory_space<vmem_shared>>
      tpu.wait_indirect_dma semaphore(%arg10 : memref<!tpu.dma_semaphore, #tpu.memory_space<semaphore_mem>>) src(%arg5 : memref<96x128xf32, #tpu.memory_space<vmem>>) dst(%dma_wait3A_143 : memref<10240x128xf32, #tpu.memory_space<vmem_shared>>)
      %mul3A_144 = arith.constant 5 : i32
      %mul3A_145 = arith.muli %scan3A_55, %mul3A_144 : i32
      %add3A_146 = arith.constant 4 : i32
      %add3A_147 = arith.addi %mul3A_145, %add3A_146 : i32
      %dma_wait3A_148 = arith.constant 0 : i32
      %dma_wait3A_149 = tpu.memref_slice %arg4[%add3A_147, %dma_wait3A_148] : memref<105x96xi32, #tpu.memory_space<vmem>> -> memref<1x96xi32, #tpu.memory_space<vmem>>
      %dma_wait3A_150 = tpu.memref_squeeze %dma_wait3A_149 : memref<1x96xi32, #tpu.memory_space<vmem>> -> memref<96xi32, #tpu.memory_space<vmem>>
      %dma_wait3A_151 = arith.constant 0 : i32
      %dma_wait3A_152 = arith.constant 0 : i32
      %dma_wait3A_153 = tpu.memref_slice %arg6[%dma_wait3A_151, %dma_wait3A_152] : memref<10240x128xf32, #tpu.memory_space<vmem_shared>> -> memref<10240x128xf32, #tpu.memory_space<vmem_shared>>
      tpu.wait_indirect_dma semaphore(%arg11 : memref<!tpu.dma_semaphore, #tpu.memory_space<semaphore_mem>>) src(%arg5 : memref<96x128xf32, #tpu.memory_space<vmem>>) dst(%dma_wait3A_153 : memref<10240x128xf32, #tpu.memory_space<vmem_shared>>)
    }
    %scan3A_49 = arith.constant 21 : i32
    %barrier3A_50 = arith.constant 0 : index
    tpu.barrier barrier_id(%barrier3A_50)
    %mul3A_51 = arith.constant 640 : i32
    %mul3A_52 = arith.muli %arg1, %mul3A_51 : i32
    %mul3A_53 = arith.constant 640 : i32
    %mul3A_54 = arith.muli %arg1, %mul3A_53 : i32
    "tpu.region"() ({
      %run_scoped3A = tpu.sem_alloc : memref<!tpu.dma_semaphore, #tpu.memory_space<semaphore_mem>>
      %dma_start3A = arith.constant 0 : i32
      %dma_start3A_55 = tpu.memref_slice %arg3[%arg0, %mul3A_54, %dma_start3A] : memref<2x10240x128xf32, #tpu.memory_space<hbm>> -> memref<1x640x128xf32, #tpu.memory_space<hbm>>
      %dma_start3A_56 = tpu.memref_squeeze %dma_start3A_55 : memref<1x640x128xf32, #tpu.memory_space<hbm>> -> memref<640x128xf32, #tpu.memory_space<hbm>>
      %dma_start3A_57 = arith.constant 0 : i32
      %dma_start3A_58 = tpu.memref_slice %arg6[%mul3A_52, %dma_start3A_57] : memref<10240x128xf32, #tpu.memory_space<vmem_shared>> -> memref<640x128xf32, #tpu.memory_space<vmem_shared>>
      tpu.enqueue_dma source(%dma_start3A_58 : memref<640x128xf32, #tpu.memory_space<vmem_shared>>) target(%dma_start3A_56 : memref<640x128xf32, #tpu.memory_space<hbm>>) target_semaphore(%run_scoped3A : memref<!tpu.dma_semaphore, #tpu.memory_space<semaphore_mem>>)
      %dma_wait3A = arith.constant 0 : i32
      %dma_wait3A_59 = tpu.memref_slice %arg3[%arg0, %mul3A_54, %dma_wait3A] : memref<2x10240x128xf32, #tpu.memory_space<hbm>> -> memref<1x640x128xf32, #tpu.memory_space<hbm>>
      %dma_wait3A_60 = tpu.memref_squeeze %dma_wait3A_59 : memref<1x640x128xf32, #tpu.memory_space<hbm>> -> memref<640x128xf32, #tpu.memory_space<hbm>>
      %dma_wait3A_61 = arith.constant 0 : i32
      %dma_wait3A_62 = tpu.memref_slice %arg6[%mul3A_52, %dma_wait3A_61] : memref<10240x128xf32, #tpu.memory_space<vmem_shared>> -> memref<640x128xf32, #tpu.memory_space<vmem_shared>>
      tpu.wait_dma2 semaphore(%run_scoped3A : memref<!tpu.dma_semaphore, #tpu.memory_space<semaphore_mem>>) src(%dma_wait3A_62 : memref<640x128xf32, #tpu.memory_space<vmem_shared>>) dst(%dma_wait3A_60 : memref<640x128xf32, #tpu.memory_space<hbm>>)
      tpu.yield
    }) : () -> ()
    return
  }
}

#map = affine_map<(d0, d1) -> (0, 0)>
#map1 = affine_map<(d0, d1) -> (0)>
#map2 = affine_map<(d0, d1) -> (0, 0, 0)>
module attributes {stable_mosaic.version = 14 : i64} {
  func.func @_sc_aggregate_body(%arg0: i32, %arg1: i32, %arg2: memref<10240x128xf32, #tpu.memory_space<hbm>>, %arg3: memref<322560xi32, #tpu.memory_space<hbm>>, %arg4: memref<32x105x96xi32, #tpu.memory_space<hbm>>, %arg5: memref<2x10240x128xf32, #tpu.memory_space<hbm>>, %arg6: memref<10080xi32, #tpu.memory_space<vmem>>, %arg7: memref<105x96xi32, #tpu.memory_space<vmem>>, %arg8: memref<96x128xf32, #tpu.memory_space<vmem>>, %arg9: memref<96x128xf32, #tpu.memory_space<vmem>>, %arg10: memref<10240x128xf32, #tpu.memory_space<vmem_shared>>, %arg11: memref<!tpu.dma_semaphore, #tpu.memory_space<semaphore_mem>>, %arg12: memref<!tpu.dma_semaphore, #tpu.memory_space<semaphore_mem>>, %arg13: memref<!tpu.dma_semaphore, #tpu.memory_space<semaphore_mem>>, %arg14: memref<!tpu.dma_semaphore, #tpu.memory_space<semaphore_mem>>) attributes {dimension_semantics = [#tpu.dimension_semantics<core_parallel>, #tpu.dimension_semantics<subcore_parallel>], iteration_bounds = array<i64: 2, 16>, scalar_prefetch = 0 : i64, scratch_operands = 9 : i64, tpu.core_type = #tpu.core_type<sc_vector_subcore>, window_params = [{transform_indices = #map}, {transform_indices = #map1}, {transform_indices = #map2}, {transform_indices = #map2}]} {
    %mul3A = arith.constant 2 : i32
    %mul3A_0 = arith.muli %arg1, %mul3A : i32
    %add3A = arith.addi %mul3A_0, %arg0 : i32
    %scan3A = arith.constant 0 : i32
    %scan3A_1 = arith.constant 0 : i32
    %scan3A_2 = arith.constant 96 : i32
    %scan3A_3 = arith.addi %scan3A_1, %scan3A_2 : i32
    %scan3A_4 = arith.constant 1 : i32
    scf.for %scan3A_80 = %scan3A_1 to %scan3A_3 step %scan3A_4  : i32 {
      %broadcast_in_dim3A = arith.constant 0.000000e+00 : f32
      %broadcast_in_dim3A_81 = vector.broadcast %broadcast_in_dim3A : f32 to vector<16xf32>
      %swap3A = arith.index_cast %scan3A_80 : i32 to index
      %swap3A_82 = arith.constant 0 : index
      %swap3A_83 = tpu.vector_load %arg8[%swap3A, %swap3A_82] {strides = array<i32>} : memref<96x128xf32, #tpu.memory_space<vmem>>, vector<1x16xf32>,
      %swap3A_84 = vector.shape_cast %swap3A_83 : vector<1x16xf32> to vector<16xf32>
      %swap3A_85 = vector.shape_cast %broadcast_in_dim3A_81 : vector<16xf32> to vector<1x16xf32>
      tpu.vector_store %arg8[%swap3A, %swap3A_82], %swap3A_85 {strides = array<i32>} : memref<96x128xf32, #tpu.memory_space<vmem>>, vector<1x16xf32>,
      %broadcast_in_dim3A_86 = arith.constant 0.000000e+00 : f32
      %broadcast_in_dim3A_87 = vector.broadcast %broadcast_in_dim3A_86 : f32 to vector<16xf32>
      %swap3A_88 = arith.index_cast %scan3A_80 : i32 to index
      %swap3A_89 = arith.constant 16 : index
      %swap3A_90 = tpu.vector_load %arg8[%swap3A_88, %swap3A_89] {strides = array<i32>} : memref<96x128xf32, #tpu.memory_space<vmem>>, vector<1x16xf32>,
      %swap3A_91 = vector.shape_cast %swap3A_90 : vector<1x16xf32> to vector<16xf32>
      %swap3A_92 = vector.shape_cast %broadcast_in_dim3A_87 : vector<16xf32> to vector<1x16xf32>
      tpu.vector_store %arg8[%swap3A_88, %swap3A_89], %swap3A_92 {strides = array<i32>} : memref<96x128xf32, #tpu.memory_space<vmem>>, vector<1x16xf32>,
      %broadcast_in_dim3A_93 = arith.constant 0.000000e+00 : f32
      %broadcast_in_dim3A_94 = vector.broadcast %broadcast_in_dim3A_93 : f32 to vector<16xf32>
      %swap3A_95 = arith.index_cast %scan3A_80 : i32 to index
      %swap3A_96 = arith.constant 32 : index
      %swap3A_97 = tpu.vector_load %arg8[%swap3A_95, %swap3A_96] {strides = array<i32>} : memref<96x128xf32, #tpu.memory_space<vmem>>, vector<1x16xf32>,
      %swap3A_98 = vector.shape_cast %swap3A_97 : vector<1x16xf32> to vector<16xf32>
      %swap3A_99 = vector.shape_cast %broadcast_in_dim3A_94 : vector<16xf32> to vector<1x16xf32>
      tpu.vector_store %arg8[%swap3A_95, %swap3A_96], %swap3A_99 {strides = array<i32>} : memref<96x128xf32, #tpu.memory_space<vmem>>, vector<1x16xf32>,
      %broadcast_in_dim3A_100 = arith.constant 0.000000e+00 : f32
      %broadcast_in_dim3A_101 = vector.broadcast %broadcast_in_dim3A_100 : f32 to vector<16xf32>
      %swap3A_102 = arith.index_cast %scan3A_80 : i32 to index
      %swap3A_103 = arith.constant 48 : index
      %swap3A_104 = tpu.vector_load %arg8[%swap3A_102, %swap3A_103] {strides = array<i32>} : memref<96x128xf32, #tpu.memory_space<vmem>>, vector<1x16xf32>,
      %swap3A_105 = vector.shape_cast %swap3A_104 : vector<1x16xf32> to vector<16xf32>
      %swap3A_106 = vector.shape_cast %broadcast_in_dim3A_101 : vector<16xf32> to vector<1x16xf32>
      tpu.vector_store %arg8[%swap3A_102, %swap3A_103], %swap3A_106 {strides = array<i32>} : memref<96x128xf32, #tpu.memory_space<vmem>>, vector<1x16xf32>,
      %broadcast_in_dim3A_107 = arith.constant 0.000000e+00 : f32
      %broadcast_in_dim3A_108 = vector.broadcast %broadcast_in_dim3A_107 : f32 to vector<16xf32>
      %swap3A_109 = arith.index_cast %scan3A_80 : i32 to index
      %swap3A_110 = arith.constant 64 : index
      %swap3A_111 = tpu.vector_load %arg8[%swap3A_109, %swap3A_110] {strides = array<i32>} : memref<96x128xf32, #tpu.memory_space<vmem>>, vector<1x16xf32>,
      %swap3A_112 = vector.shape_cast %swap3A_111 : vector<1x16xf32> to vector<16xf32>
      %swap3A_113 = vector.shape_cast %broadcast_in_dim3A_108 : vector<16xf32> to vector<1x16xf32>
      tpu.vector_store %arg8[%swap3A_109, %swap3A_110], %swap3A_113 {strides = array<i32>} : memref<96x128xf32, #tpu.memory_space<vmem>>, vector<1x16xf32>,
      %broadcast_in_dim3A_114 = arith.constant 0.000000e+00 : f32
      %broadcast_in_dim3A_115 = vector.broadcast %broadcast_in_dim3A_114 : f32 to vector<16xf32>
      %swap3A_116 = arith.index_cast %scan3A_80 : i32 to index
      %swap3A_117 = arith.constant 80 : index
      %swap3A_118 = tpu.vector_load %arg8[%swap3A_116, %swap3A_117] {strides = array<i32>} : memref<96x128xf32, #tpu.memory_space<vmem>>, vector<1x16xf32>,
      %swap3A_119 = vector.shape_cast %swap3A_118 : vector<1x16xf32> to vector<16xf32>
      %swap3A_120 = vector.shape_cast %broadcast_in_dim3A_115 : vector<16xf32> to vector<1x16xf32>
      tpu.vector_store %arg8[%swap3A_116, %swap3A_117], %swap3A_120 {strides = array<i32>} : memref<96x128xf32, #tpu.memory_space<vmem>>, vector<1x16xf32>,
      %broadcast_in_dim3A_121 = arith.constant 0.000000e+00 : f32
      %broadcast_in_dim3A_122 = vector.broadcast %broadcast_in_dim3A_121 : f32 to vector<16xf32>
      %swap3A_123 = arith.index_cast %scan3A_80 : i32 to index
      %swap3A_124 = arith.constant 96 : index
      %swap3A_125 = tpu.vector_load %arg8[%swap3A_123, %swap3A_124] {strides = array<i32>} : memref<96x128xf32, #tpu.memory_space<vmem>>, vector<1x16xf32>,
      %swap3A_126 = vector.shape_cast %swap3A_125 : vector<1x16xf32> to vector<16xf32>
      %swap3A_127 = vector.shape_cast %broadcast_in_dim3A_122 : vector<16xf32> to vector<1x16xf32>
      tpu.vector_store %arg8[%swap3A_123, %swap3A_124], %swap3A_127 {strides = array<i32>} : memref<96x128xf32, #tpu.memory_space<vmem>>, vector<1x16xf32>,
      %broadcast_in_dim3A_128 = arith.constant 0.000000e+00 : f32
      %broadcast_in_dim3A_129 = vector.broadcast %broadcast_in_dim3A_128 : f32 to vector<16xf32>
      %swap3A_130 = arith.index_cast %scan3A_80 : i32 to index
      %swap3A_131 = arith.constant 112 : index
      %swap3A_132 = tpu.vector_load %arg8[%swap3A_130, %swap3A_131] {strides = array<i32>} : memref<96x128xf32, #tpu.memory_space<vmem>>, vector<1x16xf32>,
      %swap3A_133 = vector.shape_cast %swap3A_132 : vector<1x16xf32> to vector<16xf32>
      %swap3A_134 = vector.shape_cast %broadcast_in_dim3A_129 : vector<16xf32> to vector<1x16xf32>
      tpu.vector_store %arg8[%swap3A_130, %swap3A_131], %swap3A_134 {strides = array<i32>} : memref<96x128xf32, #tpu.memory_space<vmem>>, vector<1x16xf32>,
    }
    %scan3A_5 = arith.constant 96 : i32
    %mul3A_6 = arith.constant 640 : i32
    %mul3A_7 = arith.muli %arg1, %mul3A_6 : i32
    %add3A_8 = arith.constant 0 : i32
    %add3A_9 = arith.addi %mul3A_7, %add3A_8 : i32
    "tpu.region"() ({
      %run_scoped3A = tpu.sem_alloc : memref<!tpu.dma_semaphore, #tpu.memory_space<semaphore_mem>>
      %dma_start3A_80 = arith.constant 0 : i32
      %dma_start3A_81 = arith.constant 0 : i32
      %dma_start3A_82 = tpu.memref_slice %arg8[%dma_start3A_80, %dma_start3A_81] : memref<96x128xf32, #tpu.memory_space<vmem>> -> memref<80x128xf32, #tpu.memory_space<vmem>>
      %dma_start3A_83 = arith.constant 0 : i32
      %dma_start3A_84 = tpu.memref_slice %arg10[%add3A_9, %dma_start3A_83] : memref<10240x128xf32, #tpu.memory_space<vmem_shared>> -> memref<80x128xf32, #tpu.memory_space<vmem_shared>>
      %dma_start3A_85 = arith.constant 0 : i32
      %dma_start3A_86 = tpu.memref_slice %arg10[%add3A_9, %dma_start3A_85] : memref<10240x128xf32, #tpu.memory_space<vmem_shared>> -> memref<80x128xf32, #tpu.memory_space<vmem_shared>>
      %dma_start3A_87 = arith.constant 0 : i32
      %dma_start3A_88 = arith.constant 0 : i32
      %dma_start3A_89 = tpu.memref_slice %arg8[%dma_start3A_87, %dma_start3A_88] : memref<96x128xf32, #tpu.memory_space<vmem>> -> memref<80x128xf32, #tpu.memory_space<vmem>>
      tpu.enqueue_dma source(%dma_start3A_89 : memref<80x128xf32, #tpu.memory_space<vmem>>) target(%dma_start3A_86 : memref<80x128xf32, #tpu.memory_space<vmem_shared>>) target_semaphore(%run_scoped3A : memref<!tpu.dma_semaphore, #tpu.memory_space<semaphore_mem>>)
      %dma_wait3A_90 = arith.constant 0 : i32
      %dma_wait3A_91 = arith.constant 0 : i32
      %dma_wait3A_92 = tpu.memref_slice %arg8[%dma_wait3A_90, %dma_wait3A_91] : memref<96x128xf32, #tpu.memory_space<vmem>> -> memref<80x128xf32, #tpu.memory_space<vmem>>
      %dma_wait3A_93 = arith.constant 0 : i32
      %dma_wait3A_94 = tpu.memref_slice %arg10[%add3A_9, %dma_wait3A_93] : memref<10240x128xf32, #tpu.memory_space<vmem_shared>> -> memref<80x128xf32, #tpu.memory_space<vmem_shared>>
      %dma_wait3A_95 = arith.constant 0 : i32
      %dma_wait3A_96 = tpu.memref_slice %arg10[%add3A_9, %dma_wait3A_95] : memref<10240x128xf32, #tpu.memory_space<vmem_shared>> -> memref<80x128xf32, #tpu.memory_space<vmem_shared>>
      %dma_wait3A_97 = arith.constant 0 : i32
      %dma_wait3A_98 = arith.constant 0 : i32
      %dma_wait3A_99 = tpu.memref_slice %arg8[%dma_wait3A_97, %dma_wait3A_98] : memref<96x128xf32, #tpu.memory_space<vmem>> -> memref<80x128xf32, #tpu.memory_space<vmem>>
      tpu.wait_dma2 semaphore(%run_scoped3A : memref<!tpu.dma_semaphore, #tpu.memory_space<semaphore_mem>>) src(%dma_wait3A_99 : memref<80x128xf32, #tpu.memory_space<vmem>>) dst(%dma_wait3A_96 : memref<80x128xf32, #tpu.memory_space<vmem_shared>>)
      tpu.yield
    }) : () -> ()
    %mul3A_10 = arith.constant 640 : i32
    %mul3A_11 = arith.muli %arg1, %mul3A_10 : i32
    %add3A_12 = arith.constant 80 : i32
    %add3A_13 = arith.addi %mul3A_11, %add3A_12 : i32
    "tpu.region"() ({
      %run_scoped3A = tpu.sem_alloc : memref<!tpu.dma_semaphore, #tpu.memory_space<semaphore_mem>>
      %dma_start3A_80 = arith.constant 0 : i32
      %dma_start3A_81 = arith.constant 0 : i32
      %dma_start3A_82 = tpu.memref_slice %arg8[%dma_start3A_80, %dma_start3A_81] : memref<96x128xf32, #tpu.memory_space<vmem>> -> memref<80x128xf32, #tpu.memory_space<vmem>>
      %dma_start3A_83 = arith.constant 0 : i32
      %dma_start3A_84 = tpu.memref_slice %arg10[%add3A_13, %dma_start3A_83] : memref<10240x128xf32, #tpu.memory_space<vmem_shared>> -> memref<80x128xf32, #tpu.memory_space<vmem_shared>>
      %dma_start3A_85 = arith.constant 0 : i32
      %dma_start3A_86 = tpu.memref_slice %arg10[%add3A_13, %dma_start3A_85] : memref<10240x128xf32, #tpu.memory_space<vmem_shared>> -> memref<80x128xf32, #tpu.memory_space<vmem_shared>>
      %dma_start3A_87 = arith.constant 0 : i32
      %dma_start3A_88 = arith.constant 0 : i32
      %dma_start3A_89 = tpu.memref_slice %arg8[%dma_start3A_87, %dma_start3A_88] : memref<96x128xf32, #tpu.memory_space<vmem>> -> memref<80x128xf32, #tpu.memory_space<vmem>>
      tpu.enqueue_dma source(%dma_start3A_89 : memref<80x128xf32, #tpu.memory_space<vmem>>) target(%dma_start3A_86 : memref<80x128xf32, #tpu.memory_space<vmem_shared>>) target_semaphore(%run_scoped3A : memref<!tpu.dma_semaphore, #tpu.memory_space<semaphore_mem>>)
      %dma_wait3A_90 = arith.constant 0 : i32
      %dma_wait3A_91 = arith.constant 0 : i32
      %dma_wait3A_92 = tpu.memref_slice %arg8[%dma_wait3A_90, %dma_wait3A_91] : memref<96x128xf32, #tpu.memory_space<vmem>> -> memref<80x128xf32, #tpu.memory_space<vmem>>
      %dma_wait3A_93 = arith.constant 0 : i32
      %dma_wait3A_94 = tpu.memref_slice %arg10[%add3A_13, %dma_wait3A_93] : memref<10240x128xf32, #tpu.memory_space<vmem_shared>> -> memref<80x128xf32, #tpu.memory_space<vmem_shared>>
      %dma_wait3A_95 = arith.constant 0 : i32
      %dma_wait3A_96 = tpu.memref_slice %arg10[%add3A_13, %dma_wait3A_95] : memref<10240x128xf32, #tpu.memory_space<vmem_shared>> -> memref<80x128xf32, #tpu.memory_space<vmem_shared>>
      %dma_wait3A_97 = arith.constant 0 : i32
      %dma_wait3A_98 = arith.constant 0 : i32
      %dma_wait3A_99 = tpu.memref_slice %arg8[%dma_wait3A_97, %dma_wait3A_98] : memref<96x128xf32, #tpu.memory_space<vmem>> -> memref<80x128xf32, #tpu.memory_space<vmem>>
      tpu.wait_dma2 semaphore(%run_scoped3A : memref<!tpu.dma_semaphore, #tpu.memory_space<semaphore_mem>>) src(%dma_wait3A_99 : memref<80x128xf32, #tpu.memory_space<vmem>>) dst(%dma_wait3A_96 : memref<80x128xf32, #tpu.memory_space<vmem_shared>>)
      tpu.yield
    }) : () -> ()
    %mul3A_14 = arith.constant 640 : i32
    %mul3A_15 = arith.muli %arg1, %mul3A_14 : i32
    %add3A_16 = arith.constant 160 : i32
    %add3A_17 = arith.addi %mul3A_15, %add3A_16 : i32
    "tpu.region"() ({
      %run_scoped3A = tpu.sem_alloc : memref<!tpu.dma_semaphore, #tpu.memory_space<semaphore_mem>>
      %dma_start3A_80 = arith.constant 0 : i32
      %dma_start3A_81 = arith.constant 0 : i32
      %dma_start3A_82 = tpu.memref_slice %arg8[%dma_start3A_80, %dma_start3A_81] : memref<96x128xf32, #tpu.memory_space<vmem>> -> memref<80x128xf32, #tpu.memory_space<vmem>>
      %dma_start3A_83 = arith.constant 0 : i32
      %dma_start3A_84 = tpu.memref_slice %arg10[%add3A_17, %dma_start3A_83] : memref<10240x128xf32, #tpu.memory_space<vmem_shared>> -> memref<80x128xf32, #tpu.memory_space<vmem_shared>>
      %dma_start3A_85 = arith.constant 0 : i32
      %dma_start3A_86 = tpu.memref_slice %arg10[%add3A_17, %dma_start3A_85] : memref<10240x128xf32, #tpu.memory_space<vmem_shared>> -> memref<80x128xf32, #tpu.memory_space<vmem_shared>>
      %dma_start3A_87 = arith.constant 0 : i32
      %dma_start3A_88 = arith.constant 0 : i32
      %dma_start3A_89 = tpu.memref_slice %arg8[%dma_start3A_87, %dma_start3A_88] : memref<96x128xf32, #tpu.memory_space<vmem>> -> memref<80x128xf32, #tpu.memory_space<vmem>>
      tpu.enqueue_dma source(%dma_start3A_89 : memref<80x128xf32, #tpu.memory_space<vmem>>) target(%dma_start3A_86 : memref<80x128xf32, #tpu.memory_space<vmem_shared>>) target_semaphore(%run_scoped3A : memref<!tpu.dma_semaphore, #tpu.memory_space<semaphore_mem>>)
      %dma_wait3A_90 = arith.constant 0 : i32
      %dma_wait3A_91 = arith.constant 0 : i32
      %dma_wait3A_92 = tpu.memref_slice %arg8[%dma_wait3A_90, %dma_wait3A_91] : memref<96x128xf32, #tpu.memory_space<vmem>> -> memref<80x128xf32, #tpu.memory_space<vmem>>
      %dma_wait3A_93 = arith.constant 0 : i32
      %dma_wait3A_94 = tpu.memref_slice %arg10[%add3A_17, %dma_wait3A_93] : memref<10240x128xf32, #tpu.memory_space<vmem_shared>> -> memref<80x128xf32, #tpu.memory_space<vmem_shared>>
      %dma_wait3A_95 = arith.constant 0 : i32
      %dma_wait3A_96 = tpu.memref_slice %arg10[%add3A_17, %dma_wait3A_95] : memref<10240x128xf32, #tpu.memory_space<vmem_shared>> -> memref<80x128xf32, #tpu.memory_space<vmem_shared>>
      %dma_wait3A_97 = arith.constant 0 : i32
      %dma_wait3A_98 = arith.constant 0 : i32
      %dma_wait3A_99 = tpu.memref_slice %arg8[%dma_wait3A_97, %dma_wait3A_98] : memref<96x128xf32, #tpu.memory_space<vmem>> -> memref<80x128xf32, #tpu.memory_space<vmem>>
      tpu.wait_dma2 semaphore(%run_scoped3A : memref<!tpu.dma_semaphore, #tpu.memory_space<semaphore_mem>>) src(%dma_wait3A_99 : memref<80x128xf32, #tpu.memory_space<vmem>>) dst(%dma_wait3A_96 : memref<80x128xf32, #tpu.memory_space<vmem_shared>>)
      tpu.yield
    }) : () -> ()
    %mul3A_18 = arith.constant 640 : i32
    %mul3A_19 = arith.muli %arg1, %mul3A_18 : i32
    %add3A_20 = arith.constant 240 : i32
    %add3A_21 = arith.addi %mul3A_19, %add3A_20 : i32
    "tpu.region"() ({
      %run_scoped3A = tpu.sem_alloc : memref<!tpu.dma_semaphore, #tpu.memory_space<semaphore_mem>>
      %dma_start3A_80 = arith.constant 0 : i32
      %dma_start3A_81 = arith.constant 0 : i32
      %dma_start3A_82 = tpu.memref_slice %arg8[%dma_start3A_80, %dma_start3A_81] : memref<96x128xf32, #tpu.memory_space<vmem>> -> memref<80x128xf32, #tpu.memory_space<vmem>>
      %dma_start3A_83 = arith.constant 0 : i32
      %dma_start3A_84 = tpu.memref_slice %arg10[%add3A_21, %dma_start3A_83] : memref<10240x128xf32, #tpu.memory_space<vmem_shared>> -> memref<80x128xf32, #tpu.memory_space<vmem_shared>>
      %dma_start3A_85 = arith.constant 0 : i32
      %dma_start3A_86 = tpu.memref_slice %arg10[%add3A_21, %dma_start3A_85] : memref<10240x128xf32, #tpu.memory_space<vmem_shared>> -> memref<80x128xf32, #tpu.memory_space<vmem_shared>>
      %dma_start3A_87 = arith.constant 0 : i32
      %dma_start3A_88 = arith.constant 0 : i32
      %dma_start3A_89 = tpu.memref_slice %arg8[%dma_start3A_87, %dma_start3A_88] : memref<96x128xf32, #tpu.memory_space<vmem>> -> memref<80x128xf32, #tpu.memory_space<vmem>>
      tpu.enqueue_dma source(%dma_start3A_89 : memref<80x128xf32, #tpu.memory_space<vmem>>) target(%dma_start3A_86 : memref<80x128xf32, #tpu.memory_space<vmem_shared>>) target_semaphore(%run_scoped3A : memref<!tpu.dma_semaphore, #tpu.memory_space<semaphore_mem>>)
      %dma_wait3A_90 = arith.constant 0 : i32
      %dma_wait3A_91 = arith.constant 0 : i32
      %dma_wait3A_92 = tpu.memref_slice %arg8[%dma_wait3A_90, %dma_wait3A_91] : memref<96x128xf32, #tpu.memory_space<vmem>> -> memref<80x128xf32, #tpu.memory_space<vmem>>
      %dma_wait3A_93 = arith.constant 0 : i32
      %dma_wait3A_94 = tpu.memref_slice %arg10[%add3A_21, %dma_wait3A_93] : memref<10240x128xf32, #tpu.memory_space<vmem_shared>> -> memref<80x128xf32, #tpu.memory_space<vmem_shared>>
      %dma_wait3A_95 = arith.constant 0 : i32
      %dma_wait3A_96 = tpu.memref_slice %arg10[%add3A_21, %dma_wait3A_95] : memref<10240x128xf32, #tpu.memory_space<vmem_shared>> -> memref<80x128xf32, #tpu.memory_space<vmem_shared>>
      %dma_wait3A_97 = arith.constant 0 : i32
      %dma_wait3A_98 = arith.constant 0 : i32
      %dma_wait3A_99 = tpu.memref_slice %arg8[%dma_wait3A_97, %dma_wait3A_98] : memref<96x128xf32, #tpu.memory_space<vmem>> -> memref<80x128xf32, #tpu.memory_space<vmem>>
      tpu.wait_dma2 semaphore(%run_scoped3A : memref<!tpu.dma_semaphore, #tpu.memory_space<semaphore_mem>>) src(%dma_wait3A_99 : memref<80x128xf32, #tpu.memory_space<vmem>>) dst(%dma_wait3A_96 : memref<80x128xf32, #tpu.memory_space<vmem_shared>>)
      tpu.yield
    }) : () -> ()
    %mul3A_22 = arith.constant 640 : i32
    %mul3A_23 = arith.muli %arg1, %mul3A_22 : i32
    %add3A_24 = arith.constant 320 : i32
    %add3A_25 = arith.addi %mul3A_23, %add3A_24 : i32
    "tpu.region"() ({
      %run_scoped3A = tpu.sem_alloc : memref<!tpu.dma_semaphore, #tpu.memory_space<semaphore_mem>>
      %dma_start3A_80 = arith.constant 0 : i32
      %dma_start3A_81 = arith.constant 0 : i32
      %dma_start3A_82 = tpu.memref_slice %arg8[%dma_start3A_80, %dma_start3A_81] : memref<96x128xf32, #tpu.memory_space<vmem>> -> memref<80x128xf32, #tpu.memory_space<vmem>>
      %dma_start3A_83 = arith.constant 0 : i32
      %dma_start3A_84 = tpu.memref_slice %arg10[%add3A_25, %dma_start3A_83] : memref<10240x128xf32, #tpu.memory_space<vmem_shared>> -> memref<80x128xf32, #tpu.memory_space<vmem_shared>>
      %dma_start3A_85 = arith.constant 0 : i32
      %dma_start3A_86 = tpu.memref_slice %arg10[%add3A_25, %dma_start3A_85] : memref<10240x128xf32, #tpu.memory_space<vmem_shared>> -> memref<80x128xf32, #tpu.memory_space<vmem_shared>>
      %dma_start3A_87 = arith.constant 0 : i32
      %dma_start3A_88 = arith.constant 0 : i32
      %dma_start3A_89 = tpu.memref_slice %arg8[%dma_start3A_87, %dma_start3A_88] : memref<96x128xf32, #tpu.memory_space<vmem>> -> memref<80x128xf32, #tpu.memory_space<vmem>>
      tpu.enqueue_dma source(%dma_start3A_89 : memref<80x128xf32, #tpu.memory_space<vmem>>) target(%dma_start3A_86 : memref<80x128xf32, #tpu.memory_space<vmem_shared>>) target_semaphore(%run_scoped3A : memref<!tpu.dma_semaphore, #tpu.memory_space<semaphore_mem>>)
      %dma_wait3A_90 = arith.constant 0 : i32
      %dma_wait3A_91 = arith.constant 0 : i32
      %dma_wait3A_92 = tpu.memref_slice %arg8[%dma_wait3A_90, %dma_wait3A_91] : memref<96x128xf32, #tpu.memory_space<vmem>> -> memref<80x128xf32, #tpu.memory_space<vmem>>
      %dma_wait3A_93 = arith.constant 0 : i32
      %dma_wait3A_94 = tpu.memref_slice %arg10[%add3A_25, %dma_wait3A_93] : memref<10240x128xf32, #tpu.memory_space<vmem_shared>> -> memref<80x128xf32, #tpu.memory_space<vmem_shared>>
      %dma_wait3A_95 = arith.constant 0 : i32
      %dma_wait3A_96 = tpu.memref_slice %arg10[%add3A_25, %dma_wait3A_95] : memref<10240x128xf32, #tpu.memory_space<vmem_shared>> -> memref<80x128xf32, #tpu.memory_space<vmem_shared>>
      %dma_wait3A_97 = arith.constant 0 : i32
      %dma_wait3A_98 = arith.constant 0 : i32
      %dma_wait3A_99 = tpu.memref_slice %arg8[%dma_wait3A_97, %dma_wait3A_98] : memref<96x128xf32, #tpu.memory_space<vmem>> -> memref<80x128xf32, #tpu.memory_space<vmem>>
      tpu.wait_dma2 semaphore(%run_scoped3A : memref<!tpu.dma_semaphore, #tpu.memory_space<semaphore_mem>>) src(%dma_wait3A_99 : memref<80x128xf32, #tpu.memory_space<vmem>>) dst(%dma_wait3A_96 : memref<80x128xf32, #tpu.memory_space<vmem_shared>>)
      tpu.yield
    }) : () -> ()
    %mul3A_26 = arith.constant 640 : i32
    %mul3A_27 = arith.muli %arg1, %mul3A_26 : i32
    %add3A_28 = arith.constant 400 : i32
    %add3A_29 = arith.addi %mul3A_27, %add3A_28 : i32
    "tpu.region"() ({
      %run_scoped3A = tpu.sem_alloc : memref<!tpu.dma_semaphore, #tpu.memory_space<semaphore_mem>>
      %dma_start3A_80 = arith.constant 0 : i32
      %dma_start3A_81 = arith.constant 0 : i32
      %dma_start3A_82 = tpu.memref_slice %arg8[%dma_start3A_80, %dma_start3A_81] : memref<96x128xf32, #tpu.memory_space<vmem>> -> memref<80x128xf32, #tpu.memory_space<vmem>>
      %dma_start3A_83 = arith.constant 0 : i32
      %dma_start3A_84 = tpu.memref_slice %arg10[%add3A_29, %dma_start3A_83] : memref<10240x128xf32, #tpu.memory_space<vmem_shared>> -> memref<80x128xf32, #tpu.memory_space<vmem_shared>>
      %dma_start3A_85 = arith.constant 0 : i32
      %dma_start3A_86 = tpu.memref_slice %arg10[%add3A_29, %dma_start3A_85] : memref<10240x128xf32, #tpu.memory_space<vmem_shared>> -> memref<80x128xf32, #tpu.memory_space<vmem_shared>>
      %dma_start3A_87 = arith.constant 0 : i32
      %dma_start3A_88 = arith.constant 0 : i32
      %dma_start3A_89 = tpu.memref_slice %arg8[%dma_start3A_87, %dma_start3A_88] : memref<96x128xf32, #tpu.memory_space<vmem>> -> memref<80x128xf32, #tpu.memory_space<vmem>>
      tpu.enqueue_dma source(%dma_start3A_89 : memref<80x128xf32, #tpu.memory_space<vmem>>) target(%dma_start3A_86 : memref<80x128xf32, #tpu.memory_space<vmem_shared>>) target_semaphore(%run_scoped3A : memref<!tpu.dma_semaphore, #tpu.memory_space<semaphore_mem>>)
      %dma_wait3A_90 = arith.constant 0 : i32
      %dma_wait3A_91 = arith.constant 0 : i32
      %dma_wait3A_92 = tpu.memref_slice %arg8[%dma_wait3A_90, %dma_wait3A_91] : memref<96x128xf32, #tpu.memory_space<vmem>> -> memref<80x128xf32, #tpu.memory_space<vmem>>
      %dma_wait3A_93 = arith.constant 0 : i32
      %dma_wait3A_94 = tpu.memref_slice %arg10[%add3A_29, %dma_wait3A_93] : memref<10240x128xf32, #tpu.memory_space<vmem_shared>> -> memref<80x128xf32, #tpu.memory_space<vmem_shared>>
      %dma_wait3A_95 = arith.constant 0 : i32
      %dma_wait3A_96 = tpu.memref_slice %arg10[%add3A_29, %dma_wait3A_95] : memref<10240x128xf32, #tpu.memory_space<vmem_shared>> -> memref<80x128xf32, #tpu.memory_space<vmem_shared>>
      %dma_wait3A_97 = arith.constant 0 : i32
      %dma_wait3A_98 = arith.constant 0 : i32
      %dma_wait3A_99 = tpu.memref_slice %arg8[%dma_wait3A_97, %dma_wait3A_98] : memref<96x128xf32, #tpu.memory_space<vmem>> -> memref<80x128xf32, #tpu.memory_space<vmem>>
      tpu.wait_dma2 semaphore(%run_scoped3A : memref<!tpu.dma_semaphore, #tpu.memory_space<semaphore_mem>>) src(%dma_wait3A_99 : memref<80x128xf32, #tpu.memory_space<vmem>>) dst(%dma_wait3A_96 : memref<80x128xf32, #tpu.memory_space<vmem_shared>>)
      tpu.yield
    }) : () -> ()
    %mul3A_30 = arith.constant 640 : i32
    %mul3A_31 = arith.muli %arg1, %mul3A_30 : i32
    %add3A_32 = arith.constant 480 : i32
    %add3A_33 = arith.addi %mul3A_31, %add3A_32 : i32
    "tpu.region"() ({
      %run_scoped3A = tpu.sem_alloc : memref<!tpu.dma_semaphore, #tpu.memory_space<semaphore_mem>>
      %dma_start3A_80 = arith.constant 0 : i32
      %dma_start3A_81 = arith.constant 0 : i32
      %dma_start3A_82 = tpu.memref_slice %arg8[%dma_start3A_80, %dma_start3A_81] : memref<96x128xf32, #tpu.memory_space<vmem>> -> memref<80x128xf32, #tpu.memory_space<vmem>>
      %dma_start3A_83 = arith.constant 0 : i32
      %dma_start3A_84 = tpu.memref_slice %arg10[%add3A_33, %dma_start3A_83] : memref<10240x128xf32, #tpu.memory_space<vmem_shared>> -> memref<80x128xf32, #tpu.memory_space<vmem_shared>>
      %dma_start3A_85 = arith.constant 0 : i32
      %dma_start3A_86 = tpu.memref_slice %arg10[%add3A_33, %dma_start3A_85] : memref<10240x128xf32, #tpu.memory_space<vmem_shared>> -> memref<80x128xf32, #tpu.memory_space<vmem_shared>>
      %dma_start3A_87 = arith.constant 0 : i32
      %dma_start3A_88 = arith.constant 0 : i32
      %dma_start3A_89 = tpu.memref_slice %arg8[%dma_start3A_87, %dma_start3A_88] : memref<96x128xf32, #tpu.memory_space<vmem>> -> memref<80x128xf32, #tpu.memory_space<vmem>>
      tpu.enqueue_dma source(%dma_start3A_89 : memref<80x128xf32, #tpu.memory_space<vmem>>) target(%dma_start3A_86 : memref<80x128xf32, #tpu.memory_space<vmem_shared>>) target_semaphore(%run_scoped3A : memref<!tpu.dma_semaphore, #tpu.memory_space<semaphore_mem>>)
      %dma_wait3A_90 = arith.constant 0 : i32
      %dma_wait3A_91 = arith.constant 0 : i32
      %dma_wait3A_92 = tpu.memref_slice %arg8[%dma_wait3A_90, %dma_wait3A_91] : memref<96x128xf32, #tpu.memory_space<vmem>> -> memref<80x128xf32, #tpu.memory_space<vmem>>
      %dma_wait3A_93 = arith.constant 0 : i32
      %dma_wait3A_94 = tpu.memref_slice %arg10[%add3A_33, %dma_wait3A_93] : memref<10240x128xf32, #tpu.memory_space<vmem_shared>> -> memref<80x128xf32, #tpu.memory_space<vmem_shared>>
      %dma_wait3A_95 = arith.constant 0 : i32
      %dma_wait3A_96 = tpu.memref_slice %arg10[%add3A_33, %dma_wait3A_95] : memref<10240x128xf32, #tpu.memory_space<vmem_shared>> -> memref<80x128xf32, #tpu.memory_space<vmem_shared>>
      %dma_wait3A_97 = arith.constant 0 : i32
      %dma_wait3A_98 = arith.constant 0 : i32
      %dma_wait3A_99 = tpu.memref_slice %arg8[%dma_wait3A_97, %dma_wait3A_98] : memref<96x128xf32, #tpu.memory_space<vmem>> -> memref<80x128xf32, #tpu.memory_space<vmem>>
      tpu.wait_dma2 semaphore(%run_scoped3A : memref<!tpu.dma_semaphore, #tpu.memory_space<semaphore_mem>>) src(%dma_wait3A_99 : memref<80x128xf32, #tpu.memory_space<vmem>>) dst(%dma_wait3A_96 : memref<80x128xf32, #tpu.memory_space<vmem_shared>>)
      tpu.yield
    }) : () -> ()
    %mul3A_34 = arith.constant 640 : i32
    %mul3A_35 = arith.muli %arg1, %mul3A_34 : i32
    %add3A_36 = arith.constant 560 : i32
    %add3A_37 = arith.addi %mul3A_35, %add3A_36 : i32
    "tpu.region"() ({
      %run_scoped3A = tpu.sem_alloc : memref<!tpu.dma_semaphore, #tpu.memory_space<semaphore_mem>>
      %dma_start3A_80 = arith.constant 0 : i32
      %dma_start3A_81 = arith.constant 0 : i32
      %dma_start3A_82 = tpu.memref_slice %arg8[%dma_start3A_80, %dma_start3A_81] : memref<96x128xf32, #tpu.memory_space<vmem>> -> memref<80x128xf32, #tpu.memory_space<vmem>>
      %dma_start3A_83 = arith.constant 0 : i32
      %dma_start3A_84 = tpu.memref_slice %arg10[%add3A_37, %dma_start3A_83] : memref<10240x128xf32, #tpu.memory_space<vmem_shared>> -> memref<80x128xf32, #tpu.memory_space<vmem_shared>>
      %dma_start3A_85 = arith.constant 0 : i32
      %dma_start3A_86 = tpu.memref_slice %arg10[%add3A_37, %dma_start3A_85] : memref<10240x128xf32, #tpu.memory_space<vmem_shared>> -> memref<80x128xf32, #tpu.memory_space<vmem_shared>>
      %dma_start3A_87 = arith.constant 0 : i32
      %dma_start3A_88 = arith.constant 0 : i32
      %dma_start3A_89 = tpu.memref_slice %arg8[%dma_start3A_87, %dma_start3A_88] : memref<96x128xf32, #tpu.memory_space<vmem>> -> memref<80x128xf32, #tpu.memory_space<vmem>>
      tpu.enqueue_dma source(%dma_start3A_89 : memref<80x128xf32, #tpu.memory_space<vmem>>) target(%dma_start3A_86 : memref<80x128xf32, #tpu.memory_space<vmem_shared>>) target_semaphore(%run_scoped3A : memref<!tpu.dma_semaphore, #tpu.memory_space<semaphore_mem>>)
      %dma_wait3A_90 = arith.constant 0 : i32
      %dma_wait3A_91 = arith.constant 0 : i32
      %dma_wait3A_92 = tpu.memref_slice %arg8[%dma_wait3A_90, %dma_wait3A_91] : memref<96x128xf32, #tpu.memory_space<vmem>> -> memref<80x128xf32, #tpu.memory_space<vmem>>
      %dma_wait3A_93 = arith.constant 0 : i32
      %dma_wait3A_94 = tpu.memref_slice %arg10[%add3A_37, %dma_wait3A_93] : memref<10240x128xf32, #tpu.memory_space<vmem_shared>> -> memref<80x128xf32, #tpu.memory_space<vmem_shared>>
      %dma_wait3A_95 = arith.constant 0 : i32
      %dma_wait3A_96 = tpu.memref_slice %arg10[%add3A_37, %dma_wait3A_95] : memref<10240x128xf32, #tpu.memory_space<vmem_shared>> -> memref<80x128xf32, #tpu.memory_space<vmem_shared>>
      %dma_wait3A_97 = arith.constant 0 : i32
      %dma_wait3A_98 = arith.constant 0 : i32
      %dma_wait3A_99 = tpu.memref_slice %arg8[%dma_wait3A_97, %dma_wait3A_98] : memref<96x128xf32, #tpu.memory_space<vmem>> -> memref<80x128xf32, #tpu.memory_space<vmem>>
      tpu.wait_dma2 semaphore(%run_scoped3A : memref<!tpu.dma_semaphore, #tpu.memory_space<semaphore_mem>>) src(%dma_wait3A_99 : memref<80x128xf32, #tpu.memory_space<vmem>>) dst(%dma_wait3A_96 : memref<80x128xf32, #tpu.memory_space<vmem_shared>>)
      tpu.yield
    }) : () -> ()
    %mul3A_38 = arith.constant 10080 : i32
    %mul3A_39 = arith.muli %add3A, %mul3A_38 : i32
    %multiple_of3A = tpu.assume_multiple %mul3A_39, 8 : i32
    "tpu.region"() ({
      %run_scoped3A = tpu.sem_alloc : memref<!tpu.dma_semaphore, #tpu.memory_space<semaphore_mem>>
      %dma_start3A_80 = tpu.memref_slice %arg3[%multiple_of3A] : memref<322560xi32, #tpu.memory_space<hbm>> -> memref<10080xi32, #tpu.memory_space<hbm>>
      %dma_start3A_81 = tpu.memref_slice %arg3[%multiple_of3A] : memref<322560xi32, #tpu.memory_space<hbm>> -> memref<10080xi32, #tpu.memory_space<hbm>>
      tpu.enqueue_dma source(%dma_start3A_81 : memref<10080xi32, #tpu.memory_space<hbm>>) target(%arg6 : memref<10080xi32, #tpu.memory_space<vmem>>) target_semaphore(%run_scoped3A : memref<!tpu.dma_semaphore, #tpu.memory_space<semaphore_mem>>)
      %dma_wait3A_82 = tpu.memref_slice %arg3[%multiple_of3A] : memref<322560xi32, #tpu.memory_space<hbm>> -> memref<10080xi32, #tpu.memory_space<hbm>>
      %dma_wait3A_83 = tpu.memref_slice %arg3[%multiple_of3A] : memref<322560xi32, #tpu.memory_space<hbm>> -> memref<10080xi32, #tpu.memory_space<hbm>>
      tpu.wait_dma2 semaphore(%run_scoped3A : memref<!tpu.dma_semaphore, #tpu.memory_space<semaphore_mem>>) src(%dma_wait3A_83 : memref<10080xi32, #tpu.memory_space<hbm>>) dst(%arg6 : memref<10080xi32, #tpu.memory_space<vmem>>)
      tpu.yield
    }) : () -> ()
    "tpu.region"() ({
      %run_scoped3A = tpu.sem_alloc : memref<!tpu.dma_semaphore, #tpu.memory_space<semaphore_mem>>
      %dma_start3A_80 = arith.constant 0 : i32
      %dma_start3A_81 = arith.constant 0 : i32
      %dma_start3A_82 = tpu.memref_slice %arg4[%add3A, %dma_start3A_80, %dma_start3A_81] : memref<32x105x96xi32, #tpu.memory_space<hbm>> -> memref<1x105x96xi32, #tpu.memory_space<hbm>>
      %dma_start3A_83 = tpu.memref_squeeze %dma_start3A_82 : memref<1x105x96xi32, #tpu.memory_space<hbm>> -> memref<105x96xi32, #tpu.memory_space<hbm>>
      %dma_start3A_84 = arith.constant 0 : i32
      %dma_start3A_85 = arith.constant 0 : i32
      %dma_start3A_86 = tpu.memref_slice %arg4[%add3A, %dma_start3A_84, %dma_start3A_85] : memref<32x105x96xi32, #tpu.memory_space<hbm>> -> memref<1x105x96xi32, #tpu.memory_space<hbm>>
      %dma_start3A_87 = tpu.memref_squeeze %dma_start3A_86 : memref<1x105x96xi32, #tpu.memory_space<hbm>> -> memref<105x96xi32, #tpu.memory_space<hbm>>
      tpu.enqueue_dma source(%dma_start3A_87 : memref<105x96xi32, #tpu.memory_space<hbm>>) target(%arg7 : memref<105x96xi32, #tpu.memory_space<vmem>>) target_semaphore(%run_scoped3A : memref<!tpu.dma_semaphore, #tpu.memory_space<semaphore_mem>>)
      %dma_wait3A_88 = arith.constant 0 : i32
      %dma_wait3A_89 = arith.constant 0 : i32
      %dma_wait3A_90 = tpu.memref_slice %arg4[%add3A, %dma_wait3A_88, %dma_wait3A_89] : memref<32x105x96xi32, #tpu.memory_space<hbm>> -> memref<1x105x96xi32, #tpu.memory_space<hbm>>
      %dma_wait3A_91 = tpu.memref_squeeze %dma_wait3A_90 : memref<1x105x96xi32, #tpu.memory_space<hbm>> -> memref<105x96xi32, #tpu.memory_space<hbm>>
      %dma_wait3A_92 = arith.constant 0 : i32
      %dma_wait3A_93 = arith.constant 0 : i32
      %dma_wait3A_94 = tpu.memref_slice %arg4[%add3A, %dma_wait3A_92, %dma_wait3A_93] : memref<32x105x96xi32, #tpu.memory_space<hbm>> -> memref<1x105x96xi32, #tpu.memory_space<hbm>>
      %dma_wait3A_95 = tpu.memref_squeeze %dma_wait3A_94 : memref<1x105x96xi32, #tpu.memory_space<hbm>> -> memref<105x96xi32, #tpu.memory_space<hbm>>
      tpu.wait_dma2 semaphore(%run_scoped3A : memref<!tpu.dma_semaphore, #tpu.memory_space<semaphore_mem>>) src(%dma_wait3A_95 : memref<105x96xi32, #tpu.memory_space<hbm>>) dst(%arg7 : memref<105x96xi32, #tpu.memory_space<vmem>>)
      tpu.yield
    }) : () -> ()
    %barrier3A = arith.constant 0 : index
    tpu.barrier barrier_id(%barrier3A)
    %dma_start3A = arith.constant 0 : i32
    %dma_start3A_40 = tpu.memref_slice %arg6[%dma_start3A] : memref<10080xi32, #tpu.memory_space<vmem>> -> memref<96xi32, #tpu.memory_space<vmem>>
    %dma_start3A_41 = arith.constant 0 : i32
    %dma_start3A_42 = arith.constant 0 : i32
    %dma_start3A_43 = tpu.memref_slice %arg2[%dma_start3A_41, %dma_start3A_42] : memref<10240x128xf32, #tpu.memory_space<hbm>> -> memref<10240x128xf32, #tpu.memory_space<hbm>>
    tpu.enqueue_indirect_dma source(%dma_start3A_43 : memref<10240x128xf32, #tpu.memory_space<hbm>>) target(%arg8 : memref<96x128xf32, #tpu.memory_space<vmem>>) offsets(%dma_start3A_40 : memref<96xi32, #tpu.memory_space<vmem>>) semaphore(%arg11 : memref<!tpu.dma_semaphore, #tpu.memory_space<semaphore_mem>>)
    %scan3A_44 = arith.constant 0 : i32
    %scan3A_45 = arith.constant 0 : i32
    %scan3A_46 = arith.constant 52 : i32
    %scan3A_47 = arith.addi %scan3A_45, %scan3A_46 : i32
    %scan3A_48 = arith.constant 1 : i32
    scf.for %scan3A_80 = %scan3A_45 to %scan3A_47 step %scan3A_48  : i32 {
      %mul3A_81 = arith.constant 2 : i32
      %mul3A_82 = arith.muli %mul3A_81, %scan3A_80 : i32
      %mul3A_83 = arith.constant 96 : i32
      %mul3A_84 = arith.muli %mul3A_82, %mul3A_83 : i32
      %dma_wait3A_85 = tpu.memref_slice %arg6[%mul3A_84] : memref<10080xi32, #tpu.memory_space<vmem>> -> memref<96xi32, #tpu.memory_space<vmem>>
      %dma_wait3A_86 = arith.constant 0 : i32
      %dma_wait3A_87 = arith.constant 0 : i32
      %dma_wait3A_88 = tpu.memref_slice %arg2[%dma_wait3A_86, %dma_wait3A_87] : memref<10240x128xf32, #tpu.memory_space<hbm>> -> memref<10240x128xf32, #tpu.memory_space<hbm>>
      tpu.wait_indirect_dma semaphore(%arg11 : memref<!tpu.dma_semaphore, #tpu.memory_space<semaphore_mem>>) src(%dma_wait3A_88 : memref<10240x128xf32, #tpu.memory_space<hbm>>) dst(%arg8 : memref<96x128xf32, #tpu.memory_space<vmem>>)
      %dma_start3A_89 = arith.constant 0 : i32
      %dma_start3A_90 = tpu.memref_slice %arg7[%mul3A_82, %dma_start3A_89] : memref<105x96xi32, #tpu.memory_space<vmem>> -> memref<1x96xi32, #tpu.memory_space<vmem>>
      %dma_start3A_91 = tpu.memref_squeeze %dma_start3A_90 : memref<1x96xi32, #tpu.memory_space<vmem>> -> memref<96xi32, #tpu.memory_space<vmem>>
      %dma_start3A_92 = arith.constant 0 : i32
      %dma_start3A_93 = arith.constant 0 : i32
      %dma_start3A_94 = tpu.memref_slice %arg10[%dma_start3A_92, %dma_start3A_93] : memref<10240x128xf32, #tpu.memory_space<vmem_shared>> -> memref<10240x128xf32, #tpu.memory_space<vmem_shared>>
      tpu.enqueue_indirect_dma source(%arg8 : memref<96x128xf32, #tpu.memory_space<vmem>>) target(%dma_start3A_94 : memref<10240x128xf32, #tpu.memory_space<vmem_shared>>) offsets(%dma_start3A_91 : memref<96xi32, #tpu.memory_space<vmem>>) semaphore(%arg13 : memref<!tpu.dma_semaphore, #tpu.memory_space<semaphore_mem>>) {add = true}
      %gt3A = arith.constant 0 : i32
      %gt3A_95 = arith.cmpi sgt, %scan3A_80, %gt3A : i32
      %convert_element_type3A = arith.extui %gt3A_95 : i1 to i32
      %cond3A = arith.constant 0 : i32
      %cond3A_96 = arith.cmpi ne, %convert_element_type3A, %cond3A : i32
      scf.if %cond3A_96 {
        %sub3A = arith.constant 1 : i32
        %sub3A_135 = arith.subi %mul3A_82, %sub3A : i32
        %dma_wait3A_136 = arith.constant 0 : i32
        %dma_wait3A_137 = tpu.memref_slice %arg7[%sub3A_135, %dma_wait3A_136] : memref<105x96xi32, #tpu.memory_space<vmem>> -> memref<1x96xi32, #tpu.memory_space<vmem>>
        %dma_wait3A_138 = tpu.memref_squeeze %dma_wait3A_137 : memref<1x96xi32, #tpu.memory_space<vmem>> -> memref<96xi32, #tpu.memory_space<vmem>>
        %dma_wait3A_139 = arith.constant 0 : i32
        %dma_wait3A_140 = arith.constant 0 : i32
        %dma_wait3A_141 = tpu.memref_slice %arg10[%dma_wait3A_139, %dma_wait3A_140] : memref<10240x128xf32, #tpu.memory_space<vmem_shared>> -> memref<10240x128xf32, #tpu.memory_space<vmem_shared>>
        tpu.wait_indirect_dma semaphore(%arg14 : memref<!tpu.dma_semaphore, #tpu.memory_space<semaphore_mem>>) src(%arg9 : memref<96x128xf32, #tpu.memory_space<vmem>>) dst(%dma_wait3A_141 : memref<10240x128xf32, #tpu.memory_space<vmem_shared>>)
      } else {
      }
      %add3A_97 = arith.constant 1 : i32
      %add3A_98 = arith.addi %mul3A_82, %add3A_97 : i32
      %mul3A_99 = arith.constant 96 : i32
      %mul3A_100 = arith.muli %add3A_98, %mul3A_99 : i32
      %dma_start3A_101 = tpu.memref_slice %arg6[%mul3A_100] : memref<10080xi32, #tpu.memory_space<vmem>> -> memref<96xi32, #tpu.memory_space<vmem>>
      %dma_start3A_102 = arith.constant 0 : i32
      %dma_start3A_103 = arith.constant 0 : i32
      %dma_start3A_104 = tpu.memref_slice %arg2[%dma_start3A_102, %dma_start3A_103] : memref<10240x128xf32, #tpu.memory_space<hbm>> -> memref<10240x128xf32, #tpu.memory_space<hbm>>
      tpu.enqueue_indirect_dma source(%dma_start3A_104 : memref<10240x128xf32, #tpu.memory_space<hbm>>) target(%arg9 : memref<96x128xf32, #tpu.memory_space<vmem>>) offsets(%dma_start3A_101 : memref<96xi32, #tpu.memory_space<vmem>>) semaphore(%arg12 : memref<!tpu.dma_semaphore, #tpu.memory_space<semaphore_mem>>)
      %add3A_105 = arith.constant 1 : i32
      %add3A_106 = arith.addi %mul3A_82, %add3A_105 : i32
      %mul3A_107 = arith.constant 96 : i32
      %mul3A_108 = arith.muli %add3A_106, %mul3A_107 : i32
      %dma_wait3A_109 = tpu.memref_slice %arg6[%mul3A_108] : memref<10080xi32, #tpu.memory_space<vmem>> -> memref<96xi32, #tpu.memory_space<vmem>>
      %dma_wait3A_110 = arith.constant 0 : i32
      %dma_wait3A_111 = arith.constant 0 : i32
      %dma_wait3A_112 = tpu.memref_slice %arg2[%dma_wait3A_110, %dma_wait3A_111] : memref<10240x128xf32, #tpu.memory_space<hbm>> -> memref<10240x128xf32, #tpu.memory_space<hbm>>
      tpu.wait_indirect_dma semaphore(%arg12 : memref<!tpu.dma_semaphore, #tpu.memory_space<semaphore_mem>>) src(%dma_wait3A_112 : memref<10240x128xf32, #tpu.memory_space<hbm>>) dst(%arg9 : memref<96x128xf32, #tpu.memory_space<vmem>>)
      %add3A_113 = arith.constant 1 : i32
      %add3A_114 = arith.addi %mul3A_82, %add3A_113 : i32
      %dma_start3A_115 = arith.constant 0 : i32
      %dma_start3A_116 = tpu.memref_slice %arg7[%add3A_114, %dma_start3A_115] : memref<105x96xi32, #tpu.memory_space<vmem>> -> memref<1x96xi32, #tpu.memory_space<vmem>>
      %dma_start3A_117 = tpu.memref_squeeze %dma_start3A_116 : memref<1x96xi32, #tpu.memory_space<vmem>> -> memref<96xi32, #tpu.memory_space<vmem>>
      %dma_start3A_118 = arith.constant 0 : i32
      %dma_start3A_119 = arith.constant 0 : i32
      %dma_start3A_120 = tpu.memref_slice %arg10[%dma_start3A_118, %dma_start3A_119] : memref<10240x128xf32, #tpu.memory_space<vmem_shared>> -> memref<10240x128xf32, #tpu.memory_space<vmem_shared>>
      tpu.enqueue_indirect_dma source(%arg9 : memref<96x128xf32, #tpu.memory_space<vmem>>) target(%dma_start3A_120 : memref<10240x128xf32, #tpu.memory_space<vmem_shared>>) offsets(%dma_start3A_117 : memref<96xi32, #tpu.memory_space<vmem>>) semaphore(%arg14 : memref<!tpu.dma_semaphore, #tpu.memory_space<semaphore_mem>>) {add = true}
      %dma_wait3A_121 = arith.constant 0 : i32
      %dma_wait3A_122 = tpu.memref_slice %arg7[%mul3A_82, %dma_wait3A_121] : memref<105x96xi32, #tpu.memory_space<vmem>> -> memref<1x96xi32, #tpu.memory_space<vmem>>
      %dma_wait3A_123 = tpu.memref_squeeze %dma_wait3A_122 : memref<1x96xi32, #tpu.memory_space<vmem>> -> memref<96xi32, #tpu.memory_space<vmem>>
      %dma_wait3A_124 = arith.constant 0 : i32
      %dma_wait3A_125 = arith.constant 0 : i32
      %dma_wait3A_126 = tpu.memref_slice %arg10[%dma_wait3A_124, %dma_wait3A_125] : memref<10240x128xf32, #tpu.memory_space<vmem_shared>> -> memref<10240x128xf32, #tpu.memory_space<vmem_shared>>
      tpu.wait_indirect_dma semaphore(%arg13 : memref<!tpu.dma_semaphore, #tpu.memory_space<semaphore_mem>>) src(%arg8 : memref<96x128xf32, #tpu.memory_space<vmem>>) dst(%dma_wait3A_126 : memref<10240x128xf32, #tpu.memory_space<vmem_shared>>)
      %add3A_127 = arith.constant 2 : i32
      %add3A_128 = arith.addi %mul3A_82, %add3A_127 : i32
      %mul3A_129 = arith.constant 96 : i32
      %mul3A_130 = arith.muli %add3A_128, %mul3A_129 : i32
      %dma_start3A_131 = tpu.memref_slice %arg6[%mul3A_130] : memref<10080xi32, #tpu.memory_space<vmem>> -> memref<96xi32, #tpu.memory_space<vmem>>
      %dma_start3A_132 = arith.constant 0 : i32
      %dma_start3A_133 = arith.constant 0 : i32
      %dma_start3A_134 = tpu.memref_slice %arg2[%dma_start3A_132, %dma_start3A_133] : memref<10240x128xf32, #tpu.memory_space<hbm>> -> memref<10240x128xf32, #tpu.memory_space<hbm>>
      tpu.enqueue_indirect_dma source(%dma_start3A_134 : memref<10240x128xf32, #tpu.memory_space<hbm>>) target(%arg8 : memref<96x128xf32, #tpu.memory_space<vmem>>) offsets(%dma_start3A_131 : memref<96xi32, #tpu.memory_space<vmem>>) semaphore(%arg11 : memref<!tpu.dma_semaphore, #tpu.memory_space<semaphore_mem>>)
    }
    %scan3A_49 = arith.constant 52 : i32
    %dma_wait3A = arith.constant 9984 : i32
    %dma_wait3A_50 = tpu.memref_slice %arg6[%dma_wait3A] : memref<10080xi32, #tpu.memory_space<vmem>> -> memref<96xi32, #tpu.memory_space<vmem>>
    %dma_wait3A_51 = arith.constant 0 : i32
    %dma_wait3A_52 = arith.constant 0 : i32
    %dma_wait3A_53 = tpu.memref_slice %arg2[%dma_wait3A_51, %dma_wait3A_52] : memref<10240x128xf32, #tpu.memory_space<hbm>> -> memref<10240x128xf32, #tpu.memory_space<hbm>>
    tpu.wait_indirect_dma semaphore(%arg11 : memref<!tpu.dma_semaphore, #tpu.memory_space<semaphore_mem>>) src(%dma_wait3A_53 : memref<10240x128xf32, #tpu.memory_space<hbm>>) dst(%arg8 : memref<96x128xf32, #tpu.memory_space<vmem>>)
    %dma_start3A_54 = arith.constant 104 : i32
    %dma_start3A_55 = arith.constant 0 : i32
    %dma_start3A_56 = tpu.memref_slice %arg7[%dma_start3A_54, %dma_start3A_55] : memref<105x96xi32, #tpu.memory_space<vmem>> -> memref<1x96xi32, #tpu.memory_space<vmem>>
    %dma_start3A_57 = tpu.memref_squeeze %dma_start3A_56 : memref<1x96xi32, #tpu.memory_space<vmem>> -> memref<96xi32, #tpu.memory_space<vmem>>
    %dma_start3A_58 = arith.constant 0 : i32
    %dma_start3A_59 = arith.constant 0 : i32
    %dma_start3A_60 = tpu.memref_slice %arg10[%dma_start3A_58, %dma_start3A_59] : memref<10240x128xf32, #tpu.memory_space<vmem_shared>> -> memref<10240x128xf32, #tpu.memory_space<vmem_shared>>
    tpu.enqueue_indirect_dma source(%arg8 : memref<96x128xf32, #tpu.memory_space<vmem>>) target(%dma_start3A_60 : memref<10240x128xf32, #tpu.memory_space<vmem_shared>>) offsets(%dma_start3A_57 : memref<96xi32, #tpu.memory_space<vmem>>) semaphore(%arg13 : memref<!tpu.dma_semaphore, #tpu.memory_space<semaphore_mem>>) {add = true}
    %dma_wait3A_61 = arith.constant 103 : i32
    %dma_wait3A_62 = arith.constant 0 : i32
    %dma_wait3A_63 = tpu.memref_slice %arg7[%dma_wait3A_61, %dma_wait3A_62] : memref<105x96xi32, #tpu.memory_space<vmem>> -> memref<1x96xi32, #tpu.memory_space<vmem>>
    %dma_wait3A_64 = tpu.memref_squeeze %dma_wait3A_63 : memref<1x96xi32, #tpu.memory_space<vmem>> -> memref<96xi32, #tpu.memory_space<vmem>>
    %dma_wait3A_65 = arith.constant 0 : i32
    %dma_wait3A_66 = arith.constant 0 : i32
    %dma_wait3A_67 = tpu.memref_slice %arg10[%dma_wait3A_65, %dma_wait3A_66] : memref<10240x128xf32, #tpu.memory_space<vmem_shared>> -> memref<10240x128xf32, #tpu.memory_space<vmem_shared>>
    tpu.wait_indirect_dma semaphore(%arg14 : memref<!tpu.dma_semaphore, #tpu.memory_space<semaphore_mem>>) src(%arg9 : memref<96x128xf32, #tpu.memory_space<vmem>>) dst(%dma_wait3A_67 : memref<10240x128xf32, #tpu.memory_space<vmem_shared>>)
    %dma_wait3A_68 = arith.constant 104 : i32
    %dma_wait3A_69 = arith.constant 0 : i32
    %dma_wait3A_70 = tpu.memref_slice %arg7[%dma_wait3A_68, %dma_wait3A_69] : memref<105x96xi32, #tpu.memory_space<vmem>> -> memref<1x96xi32, #tpu.memory_space<vmem>>
    %dma_wait3A_71 = tpu.memref_squeeze %dma_wait3A_70 : memref<1x96xi32, #tpu.memory_space<vmem>> -> memref<96xi32, #tpu.memory_space<vmem>>
    %dma_wait3A_72 = arith.constant 0 : i32
    %dma_wait3A_73 = arith.constant 0 : i32
    %dma_wait3A_74 = tpu.memref_slice %arg10[%dma_wait3A_72, %dma_wait3A_73] : memref<10240x128xf32, #tpu.memory_space<vmem_shared>> -> memref<10240x128xf32, #tpu.memory_space<vmem_shared>>
    tpu.wait_indirect_dma semaphore(%arg13 : memref<!tpu.dma_semaphore, #tpu.memory_space<semaphore_mem>>) src(%arg8 : memref<96x128xf32, #tpu.memory_space<vmem>>) dst(%dma_wait3A_74 : memref<10240x128xf32, #tpu.memory_space<vmem_shared>>)
    %barrier3A_75 = arith.constant 0 : index
    tpu.barrier barrier_id(%barrier3A_75)
    %mul3A_76 = arith.constant 640 : i32
    %mul3A_77 = arith.muli %arg1, %mul3A_76 : i32
    %mul3A_78 = arith.constant 640 : i32
    %mul3A_79 = arith.muli %arg1, %mul3A_78 : i32
    "tpu.region"() ({
      %run_scoped3A = tpu.sem_alloc : memref<!tpu.dma_semaphore, #tpu.memory_space<semaphore_mem>>
      %dma_start3A_80 = arith.constant 0 : i32
      %dma_start3A_81 = tpu.memref_slice %arg5[%arg0, %mul3A_79, %dma_start3A_80] : memref<2x10240x128xf32, #tpu.memory_space<hbm>> -> memref<1x640x128xf32, #tpu.memory_space<hbm>>
      %dma_start3A_82 = tpu.memref_squeeze %dma_start3A_81 : memref<1x640x128xf32, #tpu.memory_space<hbm>> -> memref<640x128xf32, #tpu.memory_space<hbm>>
      %dma_start3A_83 = arith.constant 0 : i32
      %dma_start3A_84 = tpu.memref_slice %arg10[%mul3A_77, %dma_start3A_83] : memref<10240x128xf32, #tpu.memory_space<vmem_shared>> -> memref<640x128xf32, #tpu.memory_space<vmem_shared>>
      tpu.enqueue_dma source(%dma_start3A_84 : memref<640x128xf32, #tpu.memory_space<vmem_shared>>) target(%dma_start3A_82 : memref<640x128xf32, #tpu.memory_space<hbm>>) target_semaphore(%run_scoped3A : memref<!tpu.dma_semaphore, #tpu.memory_space<semaphore_mem>>)
      %dma_wait3A_85 = arith.constant 0 : i32
      %dma_wait3A_86 = tpu.memref_slice %arg5[%arg0, %mul3A_79, %dma_wait3A_85] : memref<2x10240x128xf32, #tpu.memory_space<hbm>> -> memref<1x640x128xf32, #tpu.memory_space<hbm>>
      %dma_wait3A_87 = tpu.memref_squeeze %dma_wait3A_86 : memref<1x640x128xf32, #tpu.memory_space<hbm>> -> memref<640x128xf32, #tpu.memory_space<hbm>>
      %dma_wait3A_88 = arith.constant 0 : i32
      %dma_wait3A_89 = tpu.memref_slice %arg10[%mul3A_77, %dma_wait3A_88] : memref<10240x128xf32, #tpu.memory_space<vmem_shared>> -> memref<640x128xf32, #tpu.memory_space<vmem_shared>>
      tpu.wait_dma2 semaphore(%run_scoped3A : memref<!tpu.dma_semaphore, #tpu.memory_space<semaphore_mem>>) src(%dma_wait3A_89 : memref<640x128xf32, #tpu.memory_space<vmem_shared>>) dst(%dma_wait3A_87 : memref<640x128xf32, #tpu.memory_space<hbm>>)
      tpu.yield
    }) : () -> ()
    return
  }
}

module attributes {stable_mosaic.version = 14 : i64} {
  func.func @_tc_mm_body(%arg0: i32, %arg1: memref<1024x128xf32, #tpu.memory_space<vmem>>, %arg2: memref<128x128xf32, #tpu.memory_space<vmem>>, %arg3: memref<1024x128xf32, #tpu.memory_space<vmem>>) attributes {dimension_semantics = [#tpu.dimension_semantics<arbitrary>], iteration_bounds = array<i64: 10>, scalar_prefetch = 0 : i64, scratch_operands = 0 : i64, tpu.core_type = #tpu.core_type<tc>, window_params = [{transform_indices = @transform_0, window_bounds = array<i64: 1024, 128>}, {pipeline_mode = #tpu.pipeline_mode<synchronous>, transform_indices = @transform_1, window_bounds = array<i64: 128, 128>}, {transform_indices = @transform_2, window_bounds = array<i64: 1024, 128>}]} {
    %get3A = arith.constant 0 : index
    %get3A_0 = arith.constant 0 : index
    %get3A_1 = vector.load %arg1[%get3A, %get3A_0] : memref<1024x128xf32, #tpu.memory_space<vmem>>, vector<1024x128xf32>
    %get3A_2 = arith.constant 0 : index
    %get3A_3 = arith.constant 0 : index
    %get3A_4 = vector.load %arg2[%get3A_2, %get3A_3] : memref<128x128xf32, #tpu.memory_space<vmem>>, vector<128x128xf32>
    %dot_general3A = arith.constant dense<0.000000e+00> : vector<1024x128xf32>
    %dot_general3A_5 = tpu.matmul %get3A_1, %get3A_4, %dot_general3A {dimension_numbers = #tpu.dot_dimension_numbers<[1], [0], [0], [1], [0, 0, 1, 1], [], []>, transpose_lhs_hint = false} : vector<1024x128xf32>, vector<128x128xf32>, vector<1024x128xf32> -> vector<1024x128xf32>
    %swap3A = arith.constant 0 : index
    %swap3A_6 = arith.constant 0 : index
    %swap3A_7 = vector.load %arg3[%swap3A, %swap3A_6] : memref<1024x128xf32, #tpu.memory_space<vmem>>, vector<1024x128xf32>
    tpu.vector_store %arg3[%swap3A, %swap3A_6], %dot_general3A_5 {strides = array<i32>} : memref<1024x128xf32, #tpu.memory_space<vmem>>, vector<1024x128xf32>,
    return
  }
  func.func @transform_0(%arg0: i32) -> (i32, i32) {
    %c0_i32 = arith.constant 0 : i32
    %c0_i32_0 = arith.constant 0 : i32
    return %arg0, %c0_i32 : i32, i32
  }
  func.func @transform_1(%arg0: i32) -> (i32, i32) {
    %c0_i32 = arith.constant 0 : i32
    %c0_i32_0 = arith.constant 0 : i32
    %c0_i32_1 = arith.constant 0 : i32
    return %c0_i32, %c0_i32_0 : i32, i32
  }
  func.func @transform_2(%arg0: i32) -> (i32, i32) {
    %c0_i32 = arith.constant 0 : i32
    %c0_i32_0 = arith.constant 0 : i32
    return %arg0, %c0_i32 : i32, i32
  }
}

module attributes {stable_mosaic.version = 14 : i64} {
  func.func @_tc_pre_body(%arg0: i32, %arg1: memref<1024x128xf32, #tpu.memory_space<vmem>>, %arg2: memref<1024x128xf32, #tpu.memory_space<vmem>>, %arg3: memref<1024x128xf32, #tpu.memory_space<vmem>>, %arg4: memref<1024x128xf32, #tpu.memory_space<vmem>>, %arg5: memref<1024x128xf32, #tpu.memory_space<vmem>>) attributes {dimension_semantics = [#tpu.dimension_semantics<arbitrary>], iteration_bounds = array<i64: 10>, scalar_prefetch = 0 : i64, scratch_operands = 0 : i64, tpu.core_type = #tpu.core_type<tc>, window_params = [{transform_indices = @transform_0, window_bounds = array<i64: 1024, 128>}, {transform_indices = @transform_1, window_bounds = array<i64: 1024, 128>}, {transform_indices = @transform_2, window_bounds = array<i64: 1024, 128>}, {transform_indices = @transform_3, window_bounds = array<i64: 1024, 128>}, {transform_indices = @transform_4, window_bounds = array<i64: 1024, 128>}]} {
    %get3A = arith.constant 0 : index
    %get3A_0 = arith.constant 0 : index
    %get3A_1 = vector.load %arg2[%get3A, %get3A_0] : memref<1024x128xf32, #tpu.memory_space<vmem>>, vector<1024x128xf32>
    %get3A_2 = arith.constant 0 : index
    %get3A_3 = arith.constant 0 : index
    %get3A_4 = vector.load %arg3[%get3A_2, %get3A_3] : memref<1024x128xf32, #tpu.memory_space<vmem>>, vector<1024x128xf32>
    %add3A = arith.addf %get3A_1, %get3A_4 : vector<1024x128xf32>
    %add3A_5 = arith.constant 1.000000e+00 : f32
    %add3A_6 = vector.broadcast %add3A_5 : f32 to vector<1024x128xf32>
    %add3A_7 = arith.addf %add3A, %add3A_6 : vector<1024x128xf32>
    %rsqrt3A = math.rsqrt %add3A_7 : vector<1024x128xf32>
    %get3A_8 = arith.constant 0 : index
    %get3A_9 = arith.constant 0 : index
    %get3A_10 = vector.load %arg1[%get3A_8, %get3A_9] : memref<1024x128xf32, #tpu.memory_space<vmem>>, vector<1024x128xf32>
    %mul3A = arith.mulf %get3A_10, %rsqrt3A : vector<1024x128xf32>
    %swap3A = arith.constant 0 : index
    %swap3A_11 = arith.constant 0 : index
    %swap3A_12 = vector.load %arg4[%swap3A, %swap3A_11] : memref<1024x128xf32, #tpu.memory_space<vmem>>, vector<1024x128xf32>
    tpu.vector_store %arg4[%swap3A, %swap3A_11], %mul3A {strides = array<i32>} : memref<1024x128xf32, #tpu.memory_space<vmem>>, vector<1024x128xf32>,
    %swap3A_13 = arith.constant 0 : index
    %swap3A_14 = arith.constant 0 : index
    %swap3A_15 = vector.load %arg5[%swap3A_13, %swap3A_14] : memref<1024x128xf32, #tpu.memory_space<vmem>>, vector<1024x128xf32>
    tpu.vector_store %arg5[%swap3A_13, %swap3A_14], %rsqrt3A {strides = array<i32>} : memref<1024x128xf32, #tpu.memory_space<vmem>>, vector<1024x128xf32>,
    return
  }
  func.func @transform_0(%arg0: i32) -> (i32, i32) {
    %c0_i32 = arith.constant 0 : i32
    %c0_i32_0 = arith.constant 0 : i32
    return %arg0, %c0_i32 : i32, i32
  }
  func.func @transform_1(%arg0: i32) -> (i32, i32) {
    %c0_i32 = arith.constant 0 : i32
    %c0_i32_0 = arith.constant 0 : i32
    return %arg0, %c0_i32 : i32, i32
  }
  func.func @transform_2(%arg0: i32) -> (i32, i32) {
    %c0_i32 = arith.constant 0 : i32
    %c0_i32_0 = arith.constant 0 : i32
    return %arg0, %c0_i32 : i32, i32
  }
  func.func @transform_3(%arg0: i32) -> (i32, i32) {
    %c0_i32 = arith.constant 0 : i32
    %c0_i32_0 = arith.constant 0 : i32
    return %arg0, %c0_i32 : i32, i32
  }
  func.func @transform_4(%arg0: i32) -> (i32, i32) {
    %c0_i32 = arith.constant 0 : i32
    %c0_i32_0 = arith.constant 0 : i32
    return %arg0, %c0_i32 : i32, i32
  }
}

module attributes {stable_mosaic.version = 14 : i64} {
  func.func @_tc_mid_body(%arg0: i32, %arg1: memref<1024x128xf32, #tpu.memory_space<vmem>>, %arg2: memref<1024x128xf32, #tpu.memory_space<vmem>>, %arg3: memref<1024x128xf32, #tpu.memory_space<vmem>>, %arg4: memref<1024x128xf32, #tpu.memory_space<vmem>>, %arg5: memref<1x128xf32, #tpu.memory_space<vmem>>, %arg6: memref<1x128xf32, #tpu.memory_space<vmem>>, %arg7: memref<1x128xf32, #tpu.memory_space<vmem>>, %arg8: memref<128x128xf32, #tpu.memory_space<vmem>>, %arg9: memref<1024x128xf32, #tpu.memory_space<vmem>>) attributes {dimension_semantics = [#tpu.dimension_semantics<arbitrary>], iteration_bounds = array<i64: 10>, scalar_prefetch = 0 : i64, scratch_operands = 0 : i64, tpu.core_type = #tpu.core_type<tc>, window_params = [{transform_indices = @transform_0, window_bounds = array<i64: 1024, 128>}, {transform_indices = @transform_1, window_bounds = array<i64: 1024, 128>}, {transform_indices = @transform_2, window_bounds = array<i64: 1024, 128>}, {transform_indices = @transform_3, window_bounds = array<i64: 1024, 128>}, {pipeline_mode = #tpu.pipeline_mode<synchronous>, transform_indices = @transform_4, window_bounds = array<i64: 1, 128>}, {pipeline_mode = #tpu.pipeline_mode<synchronous>, transform_indices = @transform_5, window_bounds = array<i64: 1, 128>}, {pipeline_mode = #tpu.pipeline_mode<synchronous>, transform_indices = @transform_6, window_bounds = array<i64: 1, 128>}, {pipeline_mode = #tpu.pipeline_mode<synchronous>, transform_indices = @transform_7, window_bounds = array<i64: 128, 128>}, {transform_indices = @transform_8, window_bounds = array<i64: 1024, 128>}]} {
    %get3A = arith.constant 0 : index
    %get3A_0 = arith.constant 0 : index
    %get3A_1 = vector.load %arg4[%get3A, %get3A_0] : memref<1024x128xf32, #tpu.memory_space<vmem>>, vector<1024x128xf32>
    %get3A_2 = arith.constant 0 : index
    %get3A_3 = arith.constant 0 : index
    %get3A_4 = vector.load %arg1[%get3A_2, %get3A_3] : memref<1024x128xf32, #tpu.memory_space<vmem>>, vector<1024x128xf32>
    %get3A_5 = arith.constant 0 : index
    %get3A_6 = arith.constant 0 : index
    %get3A_7 = vector.load %arg2[%get3A_5, %get3A_6] : memref<1024x128xf32, #tpu.memory_space<vmem>>, vector<1024x128xf32>
    %get3A_8 = arith.constant 0 : index
    %get3A_9 = arith.constant 0 : index
    %get3A_10 = vector.load %arg3[%get3A_8, %get3A_9] : memref<1024x128xf32, #tpu.memory_space<vmem>>, vector<1024x128xf32>
    %get3A_11 = arith.constant 0 : index
    %get3A_12 = arith.constant 0 : index
    %get3A_13 = vector.load %arg5[%get3A_11, %get3A_12] : memref<1x128xf32, #tpu.memory_space<vmem>>, vector<1x128xf32>
    %get3A_14 = arith.constant 0 : index
    %get3A_15 = arith.constant 0 : index
    %get3A_16 = vector.load %arg6[%get3A_14, %get3A_15] : memref<1x128xf32, #tpu.memory_space<vmem>>, vector<1x128xf32>
    %get3A_17 = arith.constant 0 : index
    %get3A_18 = arith.constant 0 : index
    %get3A_19 = vector.load %arg7[%get3A_17, %get3A_18] : memref<1x128xf32, #tpu.memory_space<vmem>>, vector<1x128xf32>
    %add3A = arith.addf %get3A_4, %get3A_7 : vector<1024x128xf32>
    %add3A_20 = arith.addf %add3A, %get3A_10 : vector<1024x128xf32>
    %mul3A = arith.mulf %add3A_20, %get3A_1 : vector<1024x128xf32>
    %add3A_21 = vector.broadcast %get3A_13 : vector<1x128xf32> to vector<1024x128xf32>
    %add3A_22 = arith.addf %mul3A, %add3A_21 : vector<1024x128xf32>
    %tanh3A = math.tanh %add3A_22 : vector<1024x128xf32>
    %reduce_sum3A = arith.constant dense<0.000000e+00> : vector<1024xf32>
    %reduce_sum3A_23 = vector.multi_reduction <add>, %tanh3A, %reduce_sum3A [1] : vector<1024x128xf32> to vector<1024xf32>
    %broadcast_in_dim3A = vector.shape_cast %reduce_sum3A_23 : vector<1024xf32> to vector<1024x1xf32>
    %div3A = arith.constant 1.280000e+02 : f32
    %div3A_24 = vector.broadcast %div3A : f32 to vector<1024x1xf32>
    %div3A_25 = arith.divf %broadcast_in_dim3A, %div3A_24 : vector<1024x1xf32>
    %sub3A = vector.broadcast %div3A_25 : vector<1024x1xf32> to vector<1024x128xf32>
    %sub3A_26 = arith.subf %tanh3A, %sub3A : vector<1024x128xf32>
    %integer_pow3A = arith.mulf %sub3A_26, %sub3A_26 : vector<1024x128xf32>
    %reduce_sum3A_27 = arith.constant dense<0.000000e+00> : vector<1024xf32>
    %reduce_sum3A_28 = vector.multi_reduction <add>, %integer_pow3A, %reduce_sum3A_27 [1] : vector<1024x128xf32> to vector<1024xf32>
    %broadcast_in_dim3A_29 = vector.shape_cast %reduce_sum3A_28 : vector<1024xf32> to vector<1024x1xf32>
    %div3A_30 = arith.constant 1.280000e+02 : f32
    %div3A_31 = vector.broadcast %div3A_30 : f32 to vector<1024x1xf32>
    %div3A_32 = arith.divf %broadcast_in_dim3A_29, %div3A_31 : vector<1024x1xf32>
    %sub3A_33 = vector.broadcast %div3A_25 : vector<1024x1xf32> to vector<1024x128xf32>
    %sub3A_34 = arith.subf %tanh3A, %sub3A_33 : vector<1024x128xf32>
    %add3A_35 = arith.constant 9.99999974E-6 : f32
    %add3A_36 = vector.broadcast %add3A_35 : f32 to vector<1024x1xf32>
    %add3A_37 = arith.addf %div3A_32, %add3A_36 : vector<1024x1xf32>
    %sqrt3A = math.sqrt %add3A_37 : vector<1024x1xf32>
    %div3A_38 = vector.broadcast %sqrt3A : vector<1024x1xf32> to vector<1024x128xf32>
    %div3A_39 = arith.divf %sub3A_34, %div3A_38 : vector<1024x128xf32>
    %mul3A_40 = vector.broadcast %get3A_16 : vector<1x128xf32> to vector<1024x128xf32>
    %mul3A_41 = arith.mulf %div3A_39, %mul3A_40 : vector<1024x128xf32>
    %add3A_42 = vector.broadcast %get3A_19 : vector<1x128xf32> to vector<1024x128xf32>
    %add3A_43 = arith.addf %mul3A_41, %add3A_42 : vector<1024x128xf32>
    %get3A_44 = arith.constant 0 : index
    %get3A_45 = arith.constant 0 : index
    %get3A_46 = vector.load %arg8[%get3A_44, %get3A_45] : memref<128x128xf32, #tpu.memory_space<vmem>>, vector<128x128xf32>
    %dot_general3A = arith.constant dense<0.000000e+00> : vector<1024x128xf32>
    %dot_general3A_47 = tpu.matmul %add3A_43, %get3A_46, %dot_general3A {dimension_numbers = #tpu.dot_dimension_numbers<[1], [0], [0], [1], [0, 0, 1, 1], [], []>, transpose_lhs_hint = false} : vector<1024x128xf32>, vector<128x128xf32>, vector<1024x128xf32> -> vector<1024x128xf32>
    %mul3A_48 = arith.mulf %dot_general3A_47, %get3A_1 : vector<1024x128xf32>
    %swap3A = arith.constant 0 : index
    %swap3A_49 = arith.constant 0 : index
    %swap3A_50 = vector.load %arg9[%swap3A, %swap3A_49] : memref<1024x128xf32, #tpu.memory_space<vmem>>, vector<1024x128xf32>
    tpu.vector_store %arg9[%swap3A, %swap3A_49], %mul3A_48 {strides = array<i32>} : memref<1024x128xf32, #tpu.memory_space<vmem>>, vector<1024x128xf32>,
    return
  }
  func.func @transform_0(%arg0: i32) -> (i32, i32) {
    %c0_i32 = arith.constant 0 : i32
    %c0_i32_0 = arith.constant 0 : i32
    return %arg0, %c0_i32 : i32, i32
  }
  func.func @transform_1(%arg0: i32) -> (i32, i32) {
    %c0_i32 = arith.constant 0 : i32
    %c0_i32_0 = arith.constant 0 : i32
    return %arg0, %c0_i32 : i32, i32
  }
  func.func @transform_2(%arg0: i32) -> (i32, i32) {
    %c0_i32 = arith.constant 0 : i32
    %c0_i32_0 = arith.constant 0 : i32
    return %arg0, %c0_i32 : i32, i32
  }
  func.func @transform_3(%arg0: i32) -> (i32, i32) {
    %c0_i32 = arith.constant 0 : i32
    %c0_i32_0 = arith.constant 0 : i32
    return %arg0, %c0_i32 : i32, i32
  }
  func.func @transform_4(%arg0: i32) -> (i32, i32) {
    %c0_i32 = arith.constant 0 : i32
    %c0_i32_0 = arith.constant 0 : i32
    %c0_i32_1 = arith.constant 0 : i32
    return %c0_i32, %c0_i32_0 : i32, i32
  }
  func.func @transform_5(%arg0: i32) -> (i32, i32) {
    %c0_i32 = arith.constant 0 : i32
    %c0_i32_0 = arith.constant 0 : i32
    %c0_i32_1 = arith.constant 0 : i32
    return %c0_i32, %c0_i32_0 : i32, i32
  }
  func.func @transform_6(%arg0: i32) -> (i32, i32) {
    %c0_i32 = arith.constant 0 : i32
    %c0_i32_0 = arith.constant 0 : i32
    %c0_i32_1 = arith.constant 0 : i32
    return %c0_i32, %c0_i32_0 : i32, i32
  }
  func.func @transform_7(%arg0: i32) -> (i32, i32) {
    %c0_i32 = arith.constant 0 : i32
    %c0_i32_0 = arith.constant 0 : i32
    %c0_i32_1 = arith.constant 0 : i32
    return %c0_i32, %c0_i32_0 : i32, i32
  }
  func.func @transform_8(%arg0: i32) -> (i32, i32) {
    %c0_i32 = arith.constant 0 : i32
    %c0_i32_0 = arith.constant 0 : i32
    return %arg0, %c0_i32 : i32, i32
  }
}

module attributes {stable_mosaic.version = 14 : i64} {
  func.func @_tc_final_body(%arg0: i32, %arg1: memref<1024x128xf32, #tpu.memory_space<vmem>>, %arg2: memref<1024x128xf32, #tpu.memory_space<vmem>>, %arg3: memref<1024x128xf32, #tpu.memory_space<vmem>>, %arg4: memref<1024x128xf32, #tpu.memory_space<vmem>>, %arg5: memref<1x128xf32, #tpu.memory_space<vmem>>, %arg6: memref<1x128xf32, #tpu.memory_space<vmem>>, %arg7: memref<1x128xf32, #tpu.memory_space<vmem>>, %arg8: memref<1024x128xf32, #tpu.memory_space<vmem>>) attributes {dimension_semantics = [#tpu.dimension_semantics<arbitrary>], iteration_bounds = array<i64: 10>, scalar_prefetch = 0 : i64, scratch_operands = 0 : i64, tpu.core_type = #tpu.core_type<tc>, window_params = [{transform_indices = @transform_0, window_bounds = array<i64: 1024, 128>}, {transform_indices = @transform_1, window_bounds = array<i64: 1024, 128>}, {transform_indices = @transform_2, window_bounds = array<i64: 1024, 128>}, {transform_indices = @transform_3, window_bounds = array<i64: 1024, 128>}, {pipeline_mode = #tpu.pipeline_mode<synchronous>, transform_indices = @transform_4, window_bounds = array<i64: 1, 128>}, {pipeline_mode = #tpu.pipeline_mode<synchronous>, transform_indices = @transform_5, window_bounds = array<i64: 1, 128>}, {pipeline_mode = #tpu.pipeline_mode<synchronous>, transform_indices = @transform_6, window_bounds = array<i64: 1, 128>}, {transform_indices = @transform_7, window_bounds = array<i64: 1024, 128>}]} {
    %get3A = arith.constant 0 : index
    %get3A_0 = arith.constant 0 : index
    %get3A_1 = vector.load %arg1[%get3A, %get3A_0] : memref<1024x128xf32, #tpu.memory_space<vmem>>, vector<1024x128xf32>
    %get3A_2 = arith.constant 0 : index
    %get3A_3 = arith.constant 0 : index
    %get3A_4 = vector.load %arg2[%get3A_2, %get3A_3] : memref<1024x128xf32, #tpu.memory_space<vmem>>, vector<1024x128xf32>
    %get3A_5 = arith.constant 0 : index
    %get3A_6 = arith.constant 0 : index
    %get3A_7 = vector.load %arg3[%get3A_5, %get3A_6] : memref<1024x128xf32, #tpu.memory_space<vmem>>, vector<1024x128xf32>
    %get3A_8 = arith.constant 0 : index
    %get3A_9 = arith.constant 0 : index
    %get3A_10 = vector.load %arg4[%get3A_8, %get3A_9] : memref<1024x128xf32, #tpu.memory_space<vmem>>, vector<1024x128xf32>
    %get3A_11 = arith.constant 0 : index
    %get3A_12 = arith.constant 0 : index
    %get3A_13 = vector.load %arg5[%get3A_11, %get3A_12] : memref<1x128xf32, #tpu.memory_space<vmem>>, vector<1x128xf32>
    %get3A_14 = arith.constant 0 : index
    %get3A_15 = arith.constant 0 : index
    %get3A_16 = vector.load %arg6[%get3A_14, %get3A_15] : memref<1x128xf32, #tpu.memory_space<vmem>>, vector<1x128xf32>
    %get3A_17 = arith.constant 0 : index
    %get3A_18 = arith.constant 0 : index
    %get3A_19 = vector.load %arg7[%get3A_17, %get3A_18] : memref<1x128xf32, #tpu.memory_space<vmem>>, vector<1x128xf32>
    %add3A = arith.addf %get3A_1, %get3A_4 : vector<1024x128xf32>
    %add3A_20 = arith.addf %add3A, %get3A_7 : vector<1024x128xf32>
    %mul3A = arith.mulf %add3A_20, %get3A_10 : vector<1024x128xf32>
    %add3A_21 = vector.broadcast %get3A_13 : vector<1x128xf32> to vector<1024x128xf32>
    %add3A_22 = arith.addf %mul3A, %add3A_21 : vector<1024x128xf32>
    %tanh3A = math.tanh %add3A_22 : vector<1024x128xf32>
    %reduce_sum3A = arith.constant dense<0.000000e+00> : vector<1024xf32>
    %reduce_sum3A_23 = vector.multi_reduction <add>, %tanh3A, %reduce_sum3A [1] : vector<1024x128xf32> to vector<1024xf32>
    %broadcast_in_dim3A = vector.shape_cast %reduce_sum3A_23 : vector<1024xf32> to vector<1024x1xf32>
    %div3A = arith.constant 1.280000e+02 : f32
    %div3A_24 = vector.broadcast %div3A : f32 to vector<1024x1xf32>
    %div3A_25 = arith.divf %broadcast_in_dim3A, %div3A_24 : vector<1024x1xf32>
    %sub3A = vector.broadcast %div3A_25 : vector<1024x1xf32> to vector<1024x128xf32>
    %sub3A_26 = arith.subf %tanh3A, %sub3A : vector<1024x128xf32>
    %integer_pow3A = arith.mulf %sub3A_26, %sub3A_26 : vector<1024x128xf32>
    %reduce_sum3A_27 = arith.constant dense<0.000000e+00> : vector<1024xf32>
    %reduce_sum3A_28 = vector.multi_reduction <add>, %integer_pow3A, %reduce_sum3A_27 [1] : vector<1024x128xf32> to vector<1024xf32>
    %broadcast_in_dim3A_29 = vector.shape_cast %reduce_sum3A_28 : vector<1024xf32> to vector<1024x1xf32>
    %div3A_30 = arith.constant 1.280000e+02 : f32
    %div3A_31 = vector.broadcast %div3A_30 : f32 to vector<1024x1xf32>
    %div3A_32 = arith.divf %broadcast_in_dim3A_29, %div3A_31 : vector<1024x1xf32>
    %sub3A_33 = vector.broadcast %div3A_25 : vector<1024x1xf32> to vector<1024x128xf32>
    %sub3A_34 = arith.subf %tanh3A, %sub3A_33 : vector<1024x128xf32>
    %add3A_35 = arith.constant 9.99999974E-6 : f32
    %add3A_36 = vector.broadcast %add3A_35 : f32 to vector<1024x1xf32>
    %add3A_37 = arith.addf %div3A_32, %add3A_36 : vector<1024x1xf32>
    %sqrt3A = math.sqrt %add3A_37 : vector<1024x1xf32>
    %div3A_38 = vector.broadcast %sqrt3A : vector<1024x1xf32> to vector<1024x128xf32>
    %div3A_39 = arith.divf %sub3A_34, %div3A_38 : vector<1024x128xf32>
    %mul3A_40 = vector.broadcast %get3A_16 : vector<1x128xf32> to vector<1024x128xf32>
    %mul3A_41 = arith.mulf %div3A_39, %mul3A_40 : vector<1024x128xf32>
    %add3A_42 = vector.broadcast %get3A_19 : vector<1x128xf32> to vector<1024x128xf32>
    %add3A_43 = arith.addf %mul3A_41, %add3A_42 : vector<1024x128xf32>
    %swap3A = arith.constant 0 : index
    %swap3A_44 = arith.constant 0 : index
    %swap3A_45 = vector.load %arg8[%swap3A, %swap3A_44] : memref<1024x128xf32, #tpu.memory_space<vmem>>, vector<1024x128xf32>
    tpu.vector_store %arg8[%swap3A, %swap3A_44], %add3A_43 {strides = array<i32>} : memref<1024x128xf32, #tpu.memory_space<vmem>>, vector<1024x128xf32>,
    return
  }
  func.func @transform_0(%arg0: i32) -> (i32, i32) {
    %c0_i32 = arith.constant 0 : i32
    %c0_i32_0 = arith.constant 0 : i32
    return %arg0, %c0_i32 : i32, i32
  }
  func.func @transform_1(%arg0: i32) -> (i32, i32) {
    %c0_i32 = arith.constant 0 : i32
    %c0_i32_0 = arith.constant 0 : i32
    return %arg0, %c0_i32 : i32, i32
  }
  func.func @transform_2(%arg0: i32) -> (i32, i32) {
    %c0_i32 = arith.constant 0 : i32
    %c0_i32_0 = arith.constant 0 : i32
    return %arg0, %c0_i32 : i32, i32
  }
  func.func @transform_3(%arg0: i32) -> (i32, i32) {
    %c0_i32 = arith.constant 0 : i32
    %c0_i32_0 = arith.constant 0 : i32
    return %arg0, %c0_i32 : i32, i32
  }
  func.func @transform_4(%arg0: i32) -> (i32, i32) {
    %c0_i32 = arith.constant 0 : i32
    %c0_i32_0 = arith.constant 0 : i32
    %c0_i32_1 = arith.constant 0 : i32
    return %c0_i32, %c0_i32_0 : i32, i32
  }
  func.func @transform_5(%arg0: i32) -> (i32, i32) {
    %c0_i32 = arith.constant 0 : i32
    %c0_i32_0 = arith.constant 0 : i32
    %c0_i32_1 = arith.constant 0 : i32
    return %c0_i32, %c0_i32_0 : i32, i32
  }
  func.func @transform_6(%arg0: i32) -> (i32, i32) {
    %c0_i32 = arith.constant 0 : i32
    %c0_i32_0 = arith.constant 0 : i32
    %c0_i32_1 = arith.constant 0 : i32
    return %c0_i32, %c0_i32_0 : i32, i32
  }
  func.func @transform_7(%arg0: i32) -> (i32, i32) {
    %c0_i32 = arith.constant 0 : i32
    %c0_i32_0 = arith.constant 0 : i32
    return %arg0, %c0_i32 : i32, i32
  }
}

</mosaic_0001>

<sc_bundles>
// kernel: kernel.12.cloned.1.call-start
scs
__scs_entry_jumppad:
0x0: {  	(pc) =	sbr.rel $0x88, $3  }
0x1: {  	(tag) =	ssettag $0x0;
	lr =	simm.s32 $0x1  }
0x2: {  	[smem:$0x3F97] =	sst lr;
	_ =	strace $0xD0000000  }
0x3: {  	_ = 	snop  }
0x4: {  	_ = 	snop  }
0x5: {  	_ = 	snop  }
0x6: {  	_ = 	snop  }
0x7: {  	_ = 	snop  }
__scs_overlays_trampoline_lowered:
0x8: {  	[smem:$0x3FA6] =	sst s0  }
0x9: {  	[smem:$0x3FA7] =	sst s1  }
0xa: {  	[smem:$0x3FA8] =	sst s2  }
0xb: {  	[smem:$0x3FA9] =	sst s3  }
0xc: {  	[smem:$0x3FAA] =	sst s4  }
0xd: {  	[smem:$0x3FAB] =	sst s5  }
0xe: {  	[smem:$0x3FAC] =	sst s6  }
0xf: {  	[smem:$0x3FAD] =	sst s7  }
0x10: {  	[smem:$0x3FAE] =	sst s8  }
0x11: {  	[smem:$0x3FAF] =	sst s9;
	s0 =	simm.s32 @!p0 $0x0  }
0x12: {  	s1 =	sld [smem:$0x3F95];
	s0 =	simm.s32 @p0 $0x1  }
0x13: {  	[smem:$0x3FB0] =	sst s0;
	s0 =	simm.s32 @!p1 $0x0  }
0x14: {  	s2 =	sld [smem:$0x3F94];
	s0 =	simm.s32 @p1 $0x1  }
0x15: {  	[smem:$0x3FB1] =	sst s0;
	s0 =	simm.s32 @!p2 $0x0  }
0x16: {  	s3 =	sld [smem:$0x3FDB];
	s0 =	simm.s32 @p2 $0x1  }
0x17: {  	s4 =	simm.s32 $0x1BF5;
	[smem:$0x3FB3] =	sst s0  }
0x18: {  	s0 =	sld [smem:$0x3F96];
	_ =	swait.ge [sflag:s4], $0x0  }
0x19: {  	s7 =	sld [smem:$0x3F97]  }
0x1a: {  	s8 =	sadd.s32 $0xFFFFE003, lr  }
0x1b: {  	s9 =	sadd.s32 $0xFFFFFEF7, lr;
	s5 =	simm.s32 $0xFFFFFFFF;
	p2 =	slt.u32 s8, $0xFFFFF086  }
0x1c: {  	p1 =	slt.u32 s9, $0xF7A;
	s5 =	simm.s32 @!p2 $0x0  }
0x1d: {  	s5 =	simm.s32 @p1 $0x1;
	p0 =	seq.s32 s7, s2  }
0x1e: {  	s7 =	smul.u32 @!p0 $0xF7A, s2;
	p2 =	seq.s32 @!p0 s5, $0x0  }
0x1f: {  	s9 =	smul.u32 $0xF7A, s1;
	s8 =	simm.s32 @!p0 $0x1BF5;
	p2 =	por !p2, p0  }
0x20: {  	[sflag:s8] =	ssyncset.s32 @!p0 $0xFFFFF086;
	s6 =	sadd.s32 @!p0 s3, s7;
	s7 =	simm.s32 @!p0 $0x108  }
0x21: {  	s3 =	sadd.s32 s3, s9;
	s6 =	sadd.s32 @!p0 $0x88, s6;
	s7 =	simm.s32 @p2 $0x1082  }
0x22: {  	[simem:s7], [sflag:s8] =	dma.local @!p0 [hbm:s6], $0xF7A  }
0x23: {  	s9 =	sor.u32 $0xD0000000, s2;
	s6 =	simm.s32 $0x108;
	_ =	swait.ge @!p0 [sflag:s8], $0x0  }
0x24: {  	s3 =	sadd.s32 $0x88, s3;
	s6 =	simm.s32 @!p1 $0x1082;
	[sflag:s4] =	ssyncset.s32 $0xFFFFF086  }
0x25: {  	[simem:s6], [sflag:s4] =	dma.local [hbm:s3], $0xF7A  }
0x26: {  	[smem:$0x3F97] =	sst s1;
	(tag) =	ssettag s2;
	_ =	strace s9  }
0x27: {  	s1 =	sld [smem:$0x3FA7]  }
0x28: {  	s2 =	sld [smem:$0x3FA8]  }
0x29: {  	s4 =	sld [smem:$0x3FAA]  }
0x2a: {  	p0 =	seq.s32 s5, $0x0;
	s5 =	sld [smem:$0x3FAB]  }
0x2b: {  	s6 =	sld [smem:$0x3FAC]  }
0x2c: {  	s7 =	sld [smem:$0x3FAD]  }
0x2d: {  	s3 =	simm.s32 $0x108;
	s8 =	sld [smem:$0x3FAE]  }
0x2e: {  	s3 =	simm.s32 @!p0 $0x1082;
	s9 =	sld [smem:$0x3FAF]  }
0x2f: {  	lr =	sadd.s32 s0, s3;
	s0 =	sld [smem:$0x3FA6]  }
0x30: {  	s3 =	sld [smem:$0x3FA9]  }
0x31: {  	[smem:$0x3FB2] =	sst s10  }
0x32: {  	s10 =	sld [smem:$0x3FB0];
	_ =	sdelay $0x3  }
0x33: {  	p0 =	seq.s32 s10, $0x1;
	s10 =	sld [smem:$0x3FB2];
	_ =	sdelay $0x3  }
0x34: {  	[smem:$0x3FB2] =	sst s10  }
0x35: {  	s10 =	sld [smem:$0x3FB1];
	_ =	sdelay $0x3  }
0x36: {  	p1 =	seq.s32 s10, $0x1;
	s10 =	sld [smem:$0x3FB2];
	_ =	sdelay $0x3  }
0x37: {  	[smem:$0x3FB2] =	sst s10  }
0x38: {  	s10 =	sld [smem:$0x3FB3]  }
0x39: {  	_ = 	snop;
	(pc) =	sbr.ind lr, $3  }
0x3a: {  	_ = 	snop  }
0x3b: {  	_ = 	snop  }
0x3c: {  	p2 =	seq.s32 s10, $0x1;
	s10 =	sld [smem:$0x3FB2]  }
0x3d: {  	_ =	shalt  }
0x3e: {  	_ =	shalt  }
0x3f: {  	_ =	shalt  }
0x40: {  	_ =	shalt  }
0x41: {  	_ =	shalt  }
0x42: {  	_ =	shalt  }
0x43: {  	_ =	shalt  }
0x44: {  	_ =	shalt  }
0x45: {  	_ =	shalt  }
0x46: {  	_ =	shalt  }
0x47: {  	_ =	shalt  }
0x48: {  	_ =	shalt  }
0x49: {  	_ =	shalt  }
0x4a: {  	_ =	shalt  }
0x4b: {  	_ =	shalt  }
0x4c: {  	_ =	shalt  }
0x4d: {  	_ =	shalt  }
0x4e: {  	_ =	shalt  }
0x4f: {  	_ =	shalt  }
0x50: {  	_ =	shalt  }
0x51: {  	_ =	shalt  }
0x52: {  	_ =	shalt  }
0x53: {  	_ =	shalt  }
0x54: {  	_ =	shalt  }
0x55: {  	_ =	shalt  }
0x56: {  	_ =	shalt  }
0x57: {  	_ =	shalt  }
0x58: {  	_ =	shalt  }
0x59: {  	_ =	shalt  }
0x5a: {  	_ =	shalt  }
0x5b: {  	_ =	shalt  }
0x5c: {  	_ =	shalt  }
0x5d: {  	_ =	shalt  }
0x5e: {  	_ =	shalt  }
0x5f: {  	_ =	shalt  }
0x60: {  	_ =	shalt  }
0x61: {  	_ =	shalt  }
0x62: {  	_ =	shalt  }
0x63: {  	_ =	shalt  }
0x64: {  	_ =	shalt  }
0x65: {  	_ =	shalt  }
0x66: {  	_ =	shalt  }
0x67: {  	_ =	shalt  }
0x68: {  	_ =	shalt  }
0x69: {  	_ =	shalt  }
0x6a: {  	_ =	shalt  }
0x6b: {  	_ =	shalt  }
0x6c: {  	_ =	shalt  }
0x6d: {  	_ =	shalt  }
0x6e: {  	_ =	shalt  }
0x6f: {  	_ =	shalt  }
0x70: {  	_ =	shalt  }
0x71: {  	_ =	shalt  }
0x72: {  	_ =	shalt  }
0x73: {  	_ =	shalt  }
0x74: {  	_ =	shalt  }
0x75: {  	_ =	shalt  }
0x76: {  	_ =	shalt  }
0x77: {  	_ =	shalt  }
0x78: {  	_ =	shalt  }
0x79: {  	_ =	shalt  }
0x7a: {  	_ =	shalt  }
0x7b: {  	_ =	shalt  }
0x7c: {  	_ =	shalt  }
0x7d: {  	_ =	shalt  }
0x7e: {  	_ =	shalt  }
0x7f: {  	_ =	shalt  }
0x80: {  	_ =	shalt  }
0x81: {  	_ =	shalt  }
0x82: {  	_ =	shalt  }
0x83: {  	_ =	shalt  }
0x84: {  	_ =	shalt  }
0x85: {  	_ =	shalt  }
0x86: {  	_ =	shalt  }
0x87: {  	_ =	shalt  }
.Lfunc_end0:
.L_simem_size_0:
called_computation.1_lowered:
.L_overlay_start_0:
0x88: {  	s2 =	sld [smem:$0x3FD9]  }
0x89: {  	s3 =	sld [smem:$0x3FFE];
	_ =	sdelay $0x1  }
0x8a: {  	s1 =	srdreg.scid  }
0x8b: {  	s0 =	sand.u32 $0x1, s1  }
0x8c: {  	s17 =	sshll.u32 s0, $0xA;
	s2 =	sadd.s32 s3, s2  }
0x8d: {  	s2 =	sadd.s32 s2, s17  }
0x8e: {  	[smem:$0x3FBE] =	sst s2  }
0x8f: {  	_ = 	snop  }
0x90: {  	s2 =	sld [smem:$0x3FD0];
	(tm) =	ssettm $0x1  }
0x91: {  	s18 =	sld [smem:$0x3FFB];
	_ =	sdelay $0x3  }
0x92: {  	_ =	strace s18  }
0x93: {  	s3 =	sld [smem:$0x3FFC];
	_ =	sdelay $0x3  }
0x94: {  	_ =	strace s3  }
0x95: {  	s3 =	sld [smem:$0x3FFD];
	_ =	sdelay $0x3  }
0x96: {  	_ =	strace s3  }
0x97: {  	_ =	strace $0x8FFFFFFF  }
0x98: {  	s19 =	sld [smem:$0x3FDB];
	_ =	sdelay $0x1  }
0x99: {  	s4 =	simm.s32 $_scs_section_size  }
0x9a: {  	s5 =	simm.s32 $_size__tile_overlayer_lowered;
	s6 =	simm.s32 $_tile_overlayer_lowered  }
0x9b: {  	s22 =	simm.s32 $0x1BFF;
	s21 =	sshll.u32 s6, $0x1;
	s3 =	sadd.s32 s4, s19  }
0x9c: {  	s7 =	simm.s32 $0x0;
	s20 =	sshll.u32 s5, $0x1;
	s5 =	sadd.s32 s21, s3  }
0x9d: {  	[timem:s7], [sflag:s22] =	dma.local [hbm:s5], s20  }
0x9e: {  	_ =	swait.ge [sflag:s22], s20  }
0x9f: {  	s4 =	ssub.s32 $0x0, s20;
	[sflag:s22] =	ssyncset.done $0x0  }
0xa0: {  	[sflag:s22] =	ssyncadd.s32 s4;
	_ =	sdelay $0x1  }
0xa1: {  	s23 =	simm.s32 $0x1B8B  }
0xa2: {  	_ =	swait.ge [sflag:s23], $0x1  }
0xa3: {  	[sflag:s23] =	ssyncset.done $0x0  }
0xa4: {  	s25 =	simm.s32 $0x1B8E;
	s24 =	sld [smem:$0x3FFE];
	[sflag:s23] =	ssyncadd.s32 $0xFFFFFFFF  }
0xa5: {  	s26 =	simm.s32 $execute0_lowered;
	[smem:$0x3FD2] =	sst s25  }
0xa6: {  	s5 =	sshll.u32 s26, $0x1;
	_ =	strace $0x80000049;
	[dreg:$0x1] =	wrdreg $0xFFFFFFFF  }
0xa7: {  	s28 =	simm.s32 $_size_execute0_lowered;
	s3 =	sadd.s32 s3, s5;
	[dreg:$0x0] =	wrdreg $0x0  }
0xa8: {  	s5 =	sshll.u32 s28, $0x1;
	[dreg:$0x2] =	wrdreg s3  }
0xa9: {  	[dreg:$0x3] =	wrdreg s5  }
0xaa: {  	[dreg:$0x4] =	wrdreg $0xC0  }
0xab: {  	_ =	task [dreg:s7], $0x5FFFF  }
0xac: {  	[dreg:$0x1] =	wrdreg $0xFFFFFFFF  }
0xad: {  	[dreg:$0x0] =	wrdreg $0x60  }
0xae: {  	[dreg:$0x2] =	wrdreg s24  }
0xaf: {  	[dreg:$0x3] =	wrdreg s2  }
0xb0: {  	[dreg:$0x4] =	wrdreg $0xBF800  }
0xb1: {  	[dreg:$0x5] =	wrdreg $0x9  }
0xb2: {  	_ =	task.clear_ibuf [dreg:s7], $0x6FFFF;
	_ =	strace $0x90000049  }
0xb3: {  	s29 =	simm.s32 $0x9;
	_ =	strace $0x8000004B  }
0xb4: {  	_ =	swait.ge [sflag:s29], $0x1  }
0xb5: {  	[sflag:s29] =	ssyncadd.s32 $0xFFFFFFFF  }
0xb6: {  	_ =	strace $0x9000004B  }
0xb7: {  	_ =	sfence  }
0xb8: {  	s30 =	sld [smem:$0x0];
	_ =	sdelay $0x2  }
0xb9: {  	s31 =	sshll.u32 s1, $0xD;
	s1 =	sshrl.u32 s1, $0x2  }
0xba: {  	s3 =	sand.u32 $0x4000, s31;
	s1 =	sadd.s32 s1, s30  }
0xbb: {  	s0 =	sor.u32 s3, s0;
	s1 =	sshll.u32 s1, $0x11  }
0xbc: {  	s0 =	sor.u32 s1, s0  }
0xbd: {  	s0 =	sadd.s32 $0x8F2B, s0  }
0xbe: {  	[sflag:s0] =	ssyncadd.remote.s32 $0x1  }
0xbf: {  	_ =	sfence.sel $0xFFFF  }
0xc0: {  	[dreg:$0x0] =	wrdreg $0xFFFFFFFF;
	(pc) =	sbr.abs _section_cstart, $3  }
0xc1: {  	[dreg:$0x1] =	wrdreg $0xFFFFFFFF  }
0xc2: {  	_ =	task.clear_ibuf [dreg:s7], $0x2FFFF;
	_ =	strace $0x9FFFFFFF  }
0xc3: {  	(tm) =	ssettm $0x7FFFFFFF  }
tec
execute0_lowered:
.L_overlay_start_1:
0x0: {  	(tag) =	ssettag $0x1  }
0x1: {  	s0 =	srdreg.scid;
	s6 =	rddreg [dreg:$0x0]  }
0x2: {  	s4 =	stileid.u32;
	s14 =	rddreg [dreg:$0x1]  }
0x3: {  	s2 =	rddreg [dreg:$0x2];
	s3 =	simm.s32 $0x0;
	s17 =	simm.s32 $0x5F80  }
0x4: {  	s18 =	simm.s32 $0x5;
	s19 =	simm.s32 $0x2780;
	s20 =	simm.s32 $0x60  }
0x5: {  	s21 =	simm.s32 $0x1;
	s22 =	simm.s32 $0x8F80;
	s23 =	simm.s32 $0x2  }
0x6: {  	s28 =	simm.s32 $0x4;
	s29 =	simm.s32 $0x5B80;
	s30 =	simm.s32 $0x0  }
0x7: {  	s0 =	sand.u32 $0x1, s0;
	s1 =	sshll.u32 s4, $0x1;
	s8 =	smul.u32 $0x14000, s4  }
0x8: {  	[smem:$0x7FF] =	sst s3;
	s9 =	smul.u32 $0x50000, s4;
	s4 =	sadd.s32 $0x3600, s6  }
0x9: {  	s1 =	sor.u32 s0, s1;
	s7 =	smul.u32 $0x140000, s0;
	_ =	strace $0x8000004A  }
0xa: {  	s0 =	ssub.s32 $0x2, s0;
	s5 =	smul.u32 $0x4EC, s1;
	s26 =	sshrl.u32 s9, $0x2  }
0xb: {  	s31 =	sshrl.u32 s0, $0x1;
	s1 =	smul.u32 $0x700, s1;
	s25 =	sadd.s32 s8, s7  }
0xc: {  	s0 =	ssub.s32 s0, s31;
	s13 =	sadd.s32 s5, s6;
	s8 =	sshrl.u32 s25, $0x3  }
0xd: {  	s5 =	sadd.s32 s26, s2;
	s14 =	sadd.s32 s14, s1;
	s16 =	smax.u32 s0, $0x1  }
0xe: {  	s25 =	simm.s32 $0x3;
	s26 =	simm.s32 $0xC0;
	s15 =	sadd.s32 s8, s6  }
0xf: {  	s6 =	sadd.s32 $0x2800, s5;
	s7 =	sadd.s32 $0x5000, s5;
	s8 =	sadd.s32 $0x7800, s5  }
0x10: {  	s9 =	sadd.s32 $0xA000, s5;
	s10 =	sadd.s32 $0xC800, s5;
	s11 =	sadd.s32 $0xF000, s5  }
0x11: {  	v0 =	vimm.f32 $0.0e+00;
	s12 =	sadd.s32 $0x11800, s5;
	s13 =	sadd.s32 $0x53600, s13;
	s15 =	sadd.s32 $0x5D400, s15  }
.LBB2_1:
0x12: {  	s1 =	simm.s32 $0x0;
	s31 =	simm.s32 $0x200  }
.LBB2_2:
0x13: {  	p0 =	sne.s32 s31, $0xBE00;
	[tilespmem:s1+$0x5FF0] =	vst v0  }
0x14: {  	[tilespmem:s1+$0x5F80] =	vst v0  }
0x15: {  	[tilespmem:s1+$0x5F90] =	vst v0  }
.Ltmp0:
0x16: {  	[tilespmem:s1+$0x5FA0] =	vst v0;
	(pc) =	sbr.rel @p0 .LBB2_2-.Ltmp0, $4  }
0x17: {  	[tilespmem:s1+$0x5FB0] =	vst v0  }
0x18: {  	[tilespmem:s1+$0x5FC0] =	vst v0  }
0x19: {  	[tilespmem:s1+$0x5FD0] =	vst v0  }
0x1a: {  	[tilespmem:s1+$0x5FE0] =	vst v0;
	s1 =	sshra.s32 s31, $0x2;
	s31 =	sadd.s32 $0x200, s31  }
0x1b: {  	[tilespmem:s1+$0x5FF0] =	vst v0  }
0x1c: {  	[tilespmem:s1+$0x5F80] =	vst v0  }
0x1d: {  	[tilespmem:s1+$0x5F90] =	vst v0  }
0x1e: {  	[tilespmem:s1+$0x5FA0] =	vst v0  }
0x1f: {  	[tilespmem:s1+$0x5FB0] =	vst v0  }
0x20: {  	[tilespmem:s1+$0x5FC0] =	vst v0  }
0x21: {  	[tilespmem:s1+$0x5FD0] =	vst v0  }
0x22: {  	[tilespmem:s1+$0x5FE0] =	vst v0  }
0x23: {  	[spmem:s5] =	stream.linear.scatter [tilespmem:s17], [sflag:$0x5], $0x2800, $0x38;
	[tilespmem:$0x1FF80] =	vst v63  }
0x24: {  	_ =	swait.ge [sflag:s18], $0x2800  }
0x25: {  	[sflag:s18] =	ssyncset.done $0x0  }
0x26: {  	[sflag:s18] =	ssyncadd.s32 $0xFFFFD800  }
0x27: {  	[spmem:s6] =	stream.linear.scatter [tilespmem:s17], [sflag:$0x5], $0x2800, $0x38;
	[tilespmem:$0x1FF80] =	vst v63  }
0x28: {  	_ =	swait.ge [sflag:s18], $0x2800  }
0x29: {  	[sflag:s18] =	ssyncset.done $0x0  }
0x2a: {  	[sflag:s18] =	ssyncadd.s32 $0xFFFFD800  }
0x2b: {  	[spmem:s7] =	stream.linear.scatter [tilespmem:s17], [sflag:$0x5], $0x2800, $0x38;
	[tilespmem:$0x1FF80] =	vst v63  }
0x2c: {  	_ =	swait.ge [sflag:s18], $0x2800  }
0x2d: {  	[sflag:s18] =	ssyncset.done $0x0  }
0x2e: {  	[sflag:s18] =	ssyncadd.s32 $0xFFFFD800  }
0x2f: {  	[spmem:s8] =	stream.linear.scatter [tilespmem:s17], [sflag:$0x5], $0x2800, $0x38;
	[tilespmem:$0x1FF80] =	vst v63  }
0x30: {  	_ =	swait.ge [sflag:s18], $0x2800  }
0x31: {  	[sflag:s18] =	ssyncset.done $0x0  }
0x32: {  	[sflag:s18] =	ssyncadd.s32 $0xFFFFD800  }
0x33: {  	[spmem:s9] =	stream.linear.scatter [tilespmem:s17], [sflag:$0x5], $0x2800, $0x38;
	[tilespmem:$0x1FF80] =	vst v63  }
0x34: {  	_ =	swait.ge [sflag:s18], $0x2800  }
0x35: {  	[sflag:s18] =	ssyncset.done $0x0  }
0x36: {  	[sflag:s18] =	ssyncadd.s32 $0xFFFFD800  }
0x37: {  	[spmem:s10] =	stream.linear.scatter [tilespmem:s17], [sflag:$0x5], $0x2800, $0x38;
	[tilespmem:$0x1FF80] =	vst v63  }
0x38: {  	_ =	swait.ge [sflag:s18], $0x2800  }
0x39: {  	[sflag:s18] =	ssyncset.done $0x0  }
0x3a: {  	[sflag:s18] =	ssyncadd.s32 $0xFFFFD800  }
0x3b: {  	[spmem:s11] =	stream.linear.scatter [tilespmem:s17], [sflag:$0x5], $0x2800, $0x38;
	[tilespmem:$0x1FF80] =	vst v63  }
0x3c: {  	_ =	swait.ge [sflag:s18], $0x2800  }
0x3d: {  	[sflag:s18] =	ssyncset.done $0x0  }
0x3e: {  	[sflag:s18] =	ssyncadd.s32 $0xFFFFD800  }
0x3f: {  	[spmem:s12] =	stream.linear.scatter [tilespmem:s17], [sflag:$0x5], $0x2800, $0x38;
	[tilespmem:$0x1FF80] =	vst v63  }
0x40: {  	_ =	swait.ge [sflag:s18], $0x2800  }
0x41: {  	[sflag:s18] =	ssyncset.done $0x0  }
0x42: {  	[sflag:s18] =	ssyncadd.s32 $0xFFFFD800  }
0x43: {  	[tilespmem:s3], [sflag:$0x5] =	stream.linear.gather [hbm4b:s13+s3], $0x2760, $0x38;
	[tilespmem:$0x1FF80] =	vst v63  }
0x44: {  	_ =	swait.ge [sflag:s18], $0x2760  }
0x45: {  	[sflag:s18] =	ssyncset.done $0x0  }
0x46: {  	[sflag:s18] =	ssyncadd.s32 $0xFFFFD8A0  }
0x47: {  	[tilespmem:s19], [sflag:$0x5] =	stream.linear.gather [hbm4b:s14+s3], $0x3480, $0x38;
	[tilespmem:$0x1FF80] =	vst v63  }
0x48: {  	_ =	swait.ge [sflag:s18], $0x3480  }
0x49: {  	[sflag:s18] =	ssyncset.done $0x0  }
0x4a: {  	[sflag:s18] =	ssyncadd.s32 $0xFFFFCB80  }
0x4b: {  	[bflag:$0x0] =	sbarrier.arrive $0xFFFF  }
0x4c: {  	[tilespmem:s17], [sflag:$0x1] =	stream.indirect.gather [hbm4b:s4+s20], $0x80, s3, s20, $0xb8;
	[tilespmem:$0x1FF80] =	vst v63  }
0x4d: {  	_ =	swait.ge [sflag:s21], $0x3000  }
0x4e: {  	[sflag:s21] =	ssyncset.done $0x0  }
0x4f: {  	[sflag:s21] =	ssyncadd.s32 $0xFFFFD000  }
0x50: {  	[spmem:s2] =	stream.indirect.scatter.add.f32 [tilespmem:s17], [sflag:$0x3], $0x80, s19, s20, $0xb8;
	[tilespmem:$0x1FF80] =	vst v63  }
0x51: {  	_ = 	snop  }
0x52: {  	[tilespmem:s22], [sflag:$0x2] =	stream.indirect.gather [hbm4b:s4+s20], $0x80, s20, s20, $0xb8;
	[tilespmem:$0x1FF80] =	vst v63  }
0x53: {  	_ =	swait.ge [sflag:s23], $0x3000  }
0x54: {  	[sflag:s23] =	ssyncset.done $0x0  }
0x55: {  	s0 =	simm.s32 $0x2800;
	[sflag:s23] =	ssyncadd.s32 $0xFFFFD000  }
0x56: {  	[spmem:s2] =	stream.indirect.scatter.add.f32 [tilespmem:s22], [sflag:$0x4], $0x80, s0, s20, $0xb8;
	[tilespmem:$0x1FF80] =	vst v63  }
0x57: {  	_ =	swait.ge [sflag:s25], $0x3000  }
0x58: {  	[sflag:s25] =	ssyncset.done $0x0  }
0x59: {  	[sflag:s25] =	ssyncadd.s32 $0xFFFFD000  }
0x5a: {  	[tilespmem:s17], [sflag:$0x1] =	stream.indirect.gather [hbm4b:s4+s20], $0x80, s26, s20, $0xb8;
	[tilespmem:$0x1FF80] =	vst v63  }
0x5b: {  	_ =	swait.ge [sflag:s21], $0x3000  }
0x5c: {  	[sflag:s21] =	ssyncset.done $0x0  }
0x5d: {  	s24 =	simm.s32 $0x2880;
	[sflag:s21] =	ssyncadd.s32 $0xFFFFD000  }
0x5e: {  	[spmem:s2] =	stream.indirect.scatter.add.f32 [tilespmem:s17], [sflag:$0x3], $0x80, s24, s20, $0xb8;
	[tilespmem:$0x1FF80] =	vst v63  }
0x5f: {  	_ =	swait.ge [sflag:s28], $0x3000  }
0x60: {  	[sflag:s28] =	ssyncset.done $0x0  }
0x61: {  	s1 =	simm.s32 $0x120;
	[sflag:s28] =	ssyncadd.s32 $0xFFFFD000  }
0x62: {  	[tilespmem:s22], [sflag:$0x2] =	stream.indirect.gather [hbm4b:s4+s20], $0x80, s1, s20, $0xb8;
	[tilespmem:$0x1FF80] =	vst v63  }
0x63: {  	_ =	swait.ge [sflag:s23], $0x3000  }
0x64: {  	[sflag:s23] =	ssyncset.done $0x0  }
0x65: {  	s24 =	simm.s32 $0x2900;
	[sflag:s23] =	ssyncadd.s32 $0xFFFFD000  }
0x66: {  	[spmem:s2] =	stream.indirect.scatter.add.f32 [tilespmem:s22], [sflag:$0x4], $0x80, s24, s20, $0xb8;
	[tilespmem:$0x1FF80] =	vst v63  }
0x67: {  	_ =	swait.ge [sflag:s25], $0x3000  }
0x68: {  	s31 =	simm.s32 $0xFFFF6A00;
	[sflag:s25] =	ssyncset.done $0x0  }
0x69: {  	s0 =	simm.s32 $0x180;
	s1 =	simm.s32 $0x2980;
	[sflag:s25] =	ssyncadd.s32 $0xFFFFD000  }
.LBB2_4:
0x6a: {  	[tilespmem:s17], [sflag:$0x1] =	stream.indirect.gather [hbm4b:s4+s20], $0x80, s0, s20, $0xb8;
	[tilespmem:$0x1FF80] =	vst v63  }
0x6b: {  	s0 =	smov.u32 s31  }
0x6c: {  	p0 =	sne.s32 s31, $0xFFFFFD00;
	s31 =	sadd.s32 $0x300, s31;
	_ =	swait.ge [sflag:s21], $0x3000  }
0x6d: {  	[sflag:s21] =	ssyncset.done $0x0  }
0x6e: {  	[sflag:s21] =	ssyncadd.s32 $0xFFFFD000  }
0x6f: {  	[spmem:s2] =	stream.indirect.scatter.add.f32 [tilespmem:s17], [sflag:$0x3], $0x80, s1, s20, $0xb8;
	[tilespmem:$0x1FF80] =	vst v63  }
0x70: {  	_ =	swait.ge [sflag:s28], $0x3000  }
0x71: {  	s0 =	sshra.s32 s0, $0x2;
	[sflag:s28] =	ssyncset.done $0x0  }
0x72: {  	s24 =	sadd.s32 $0x2760, s0;
	[sflag:s28] =	ssyncadd.s32 $0xFFFFD000  }
0x73: {  	[tilespmem:s22], [sflag:$0x2] =	stream.indirect.gather [hbm4b:s4+s20], $0x80, s24, s20, $0xb8;
	[tilespmem:$0x1FF80] =	vst v63  }
0x74: {  	_ =	swait.ge [sflag:s23], $0x3000  }
0x75: {  	[sflag:s23] =	ssyncset.done $0x0  }
.Ltmp1:
0x76: {  	s24 =	sadd.s32 $0x80, s1;
	[sflag:s23] =	ssyncadd.s32 $0xFFFFD000;
	(pc) =	sbr.rel @p0 .LBB2_4-.Ltmp1, $4  }
0x77: {  	[spmem:s2] =	stream.indirect.scatter.add.f32 [tilespmem:s22], [sflag:$0x4], $0x80, s24, s20, $0xb8;
	[tilespmem:$0x1FF80] =	vst v63  }
0x78: {  	_ =	swait.ge [sflag:s25], $0x3000  }
0x79: {  	[sflag:s25] =	ssyncset.done $0x0  }
0x7a: {  	s0 =	sadd.s32 $0x27C0, s0;
	s1 =	sadd.s32 $0x100, s1;
	[sflag:s25] =	ssyncadd.s32 $0xFFFFD000  }
0x7b: {  	[tilespmem:s17], [sflag:$0x1] =	stream.indirect.gather [hbm4b:s4+s20], $0x80, s0, s20, $0xb8;
	[tilespmem:$0x1FF80] =	vst v63  }
0x7c: {  	_ =	swait.ge [sflag:s21], $0x3000  }
0x7d: {  	[sflag:s21] =	ssyncset.done $0x0  }
0x7e: {  	[sflag:s21] =	ssyncadd.s32 $0xFFFFD000  }
0x7f: {  	[spmem:s2] =	stream.indirect.scatter.add.f32 [tilespmem:s17], [sflag:$0x3], $0x80, s29, s20, $0xb8;
	[tilespmem:$0x1FF80] =	vst v63  }
0x80: {  	_ =	swait.ge [sflag:s28], $0x3000  }
0x81: {  	[sflag:s28] =	ssyncset.done $0x0  }
0x82: {  	[sflag:s28] =	ssyncadd.s32 $0xFFFFD000  }
0x83: {  	s31 =	stileid.u32;
	_ =	swait.ge [sflag:s25], $0x3000  }
0x84: {  	s1 =	sshrl.u32 s5, $0x3;
	s30 =	sadd.s32 $0x1, s30;
	[sflag:s25] =	ssyncset.done $0x0  }
0x85: {  	s0 =	sshll.u32 s31, $0x6;
	p0 =	sne.s32 s30, s16;
	[sflag:s25] =	ssyncadd.s32 $0xFFFFD000  }
.Ltmp2:
0x86: {  	s0 =	sor.u32 $0x1C05, s0;
	[bflag:$0x0] =	sbarrier.arrive $0xFFFF;
	(pc) =	sbr.rel @p0 .LBB2_1-.Ltmp2, $4  }
0x87: {  	[hbm:s15], [sflag:s0] =	dma.local [spmem:s1], $0x2800  }
0x88: {  	_ =	swait.ge [sflag:s18], $0x2800  }
0x89: {  	[sflag:s18] =	ssyncset.done $0x0  }
0x8a: {  	[sflag:s18] =	ssyncadd.s32 $0xFFFFD800  }
0x8b: {  	_ =	sfence.sel $0x180000  }
0x8c: {  	[bflag:$0x0] =	sbarrier.arrive $0xFFFF  }
0x8d: {  	_ =	strace $0x9000004A  }
0x8e: {  	s0 =	stileid.u32;
	[bflag:$0x2] =	sbarrier.arrive $0xFFFF  }
0x8f: {  	p0 =	sne.s32 s0, $0x0;
	s0 =	rddreg [dreg:$0x3]  }
0x90: {  	s0 =	sadd.s32 @!p0 $0x100000, s0  }
0x91: {  	[sflag:s0] =	ssyncadd.tile.s32 @!p0 $0x1;
	_ =	shalt  }
.Lfunc_end2:
_tile_overlayer_lowered:
.L_overlay_start_2:
0x92: {  	(tag) =	ssettag $0x2  }
0x93: {  	s0 =	rddreg [dreg:$0x0];
	s2 =	stileid.u32  }
0x94: {  	s1 =	rddreg [dreg:$0x1];
	p0 =	sne.s32 s2, $0x0  }
0x95: {  	s3 =	rddreg [dreg:$0x2];
	[bflag:$0x3] =	sbarrier.arrive $0xFFFF;
	s2 =	simm.s32 @!p0 $0x1C05  }
0x96: {  	[timem:s3], [sflag:s2] =	dma.local @!p0 [hbm:s0], s1  }
0x97: {  	s0 =	simm.s32 @!p0 $0x5  }
0x98: {  	_ =	swait.ge @!p0 [sflag:s0], s1  }
0x99: {  	s1 =	ssub.s32 @!p0 $0x0, s1;
	[sflag:s0] =	ssyncset.done @!p0 $0x0  }
0x9a: {  	[sflag:s0] =	ssyncadd.s32 @!p0 s1  }
0x9b: {  	[bflag:$0x3] =	sbarrier.arrive $0xFFFF  }
0x9c: {  	_ =	shalt  }

// kernel: kernel.15.cloned.1.call-start
scs
__scs_entry_jumppad:
0x0: {  	(pc) =	sbr.rel $0x88, $3  }
0x1: {  	(tag) =	ssettag $0x0;
	lr =	simm.s32 $0x1  }
0x2: {  	[smem:$0x3F97] =	sst lr;
	_ =	strace $0xD0000000  }
0x3: {  	_ = 	snop  }
0x4: {  	_ = 	snop  }
0x5: {  	_ = 	snop  }
0x6: {  	_ = 	snop  }
0x7: {  	_ = 	snop  }
__scs_overlays_trampoline_lowered:
0x8: {  	[smem:$0x3FA6] =	sst s0  }
0x9: {  	[smem:$0x3FA7] =	sst s1  }
0xa: {  	[smem:$0x3FA8] =	sst s2  }
0xb: {  	[smem:$0x3FA9] =	sst s3  }
0xc: {  	[smem:$0x3FAA] =	sst s4  }
0xd: {  	[smem:$0x3FAB] =	sst s5  }
0xe: {  	[smem:$0x3FAC] =	sst s6  }
0xf: {  	[smem:$0x3FAD] =	sst s7  }
0x10: {  	[smem:$0x3FAE] =	sst s8  }
0x11: {  	[smem:$0x3FAF] =	sst s9;
	s0 =	simm.s32 @!p0 $0x0  }
0x12: {  	s1 =	sld [smem:$0x3F95];
	s0 =	simm.s32 @p0 $0x1  }
0x13: {  	[smem:$0x3FB0] =	sst s0;
	s0 =	simm.s32 @!p1 $0x0  }
0x14: {  	s2 =	sld [smem:$0x3F94];
	s0 =	simm.s32 @p1 $0x1  }
0x15: {  	[smem:$0x3FB1] =	sst s0;
	s0 =	simm.s32 @!p2 $0x0  }
0x16: {  	s3 =	sld [smem:$0x3FDB];
	s0 =	simm.s32 @p2 $0x1  }
0x17: {  	s4 =	simm.s32 $0x1BF5;
	[smem:$0x3FB3] =	sst s0  }
0x18: {  	s0 =	sld [smem:$0x3F96];
	_ =	swait.ge [sflag:s4], $0x0  }
0x19: {  	s7 =	sld [smem:$0x3F97]  }
0x1a: {  	s8 =	sadd.s32 $0xFFFFE003, lr  }
0x1b: {  	s9 =	sadd.s32 $0xFFFFFEF7, lr;
	s5 =	simm.s32 $0xFFFFFFFF;
	p2 =	slt.u32 s8, $0xFFFFF086  }
0x1c: {  	p1 =	slt.u32 s9, $0xF7A;
	s5 =	simm.s32 @!p2 $0x0  }
0x1d: {  	s5 =	simm.s32 @p1 $0x1;
	p0 =	seq.s32 s7, s2  }
0x1e: {  	s7 =	smul.u32 @!p0 $0xF7A, s2;
	p2 =	seq.s32 @!p0 s5, $0x0  }
0x1f: {  	s9 =	smul.u32 $0xF7A, s1;
	s8 =	simm.s32 @!p0 $0x1BF5;
	p2 =	por !p2, p0  }
0x20: {  	[sflag:s8] =	ssyncset.s32 @!p0 $0xFFFFF086;
	s6 =	sadd.s32 @!p0 s3, s7;
	s7 =	simm.s32 @!p0 $0x108  }
0x21: {  	s3 =	sadd.s32 s3, s9;
	s6 =	sadd.s32 @!p0 $0x88, s6;
	s7 =	simm.s32 @p2 $0x1082  }
0x22: {  	[simem:s7], [sflag:s8] =	dma.local @!p0 [hbm:s6], $0xF7A  }
0x23: {  	s9 =	sor.u32 $0xD0000000, s2;
	s6 =	simm.s32 $0x108;
	_ =	swait.ge @!p0 [sflag:s8], $0x0  }
0x24: {  	s3 =	sadd.s32 $0x88, s3;
	s6 =	simm.s32 @!p1 $0x1082;
	[sflag:s4] =	ssyncset.s32 $0xFFFFF086  }
0x25: {  	[simem:s6], [sflag:s4] =	dma.local [hbm:s3], $0xF7A  }
0x26: {  	[smem:$0x3F97] =	sst s1;
	(tag) =	ssettag s2;
	_ =	strace s9  }
0x27: {  	s1 =	sld [smem:$0x3FA7]  }
0x28: {  	s2 =	sld [smem:$0x3FA8]  }
0x29: {  	s4 =	sld [smem:$0x3FAA]  }
0x2a: {  	p0 =	seq.s32 s5, $0x0;
	s5 =	sld [smem:$0x3FAB]  }
0x2b: {  	s6 =	sld [smem:$0x3FAC]  }
0x2c: {  	s7 =	sld [smem:$0x3FAD]  }
0x2d: {  	s3 =	simm.s32 $0x108;
	s8 =	sld [smem:$0x3FAE]  }
0x2e: {  	s3 =	simm.s32 @!p0 $0x1082;
	s9 =	sld [smem:$0x3FAF]  }
0x2f: {  	lr =	sadd.s32 s0, s3;
	s0 =	sld [smem:$0x3FA6]  }
0x30: {  	s3 =	sld [smem:$0x3FA9]  }
0x31: {  	[smem:$0x3FB2] =	sst s10  }
0x32: {  	s10 =	sld [smem:$0x3FB0];
	_ =	sdelay $0x3  }
0x33: {  	p0 =	seq.s32 s10, $0x1;
	s10 =	sld [smem:$0x3FB2];
	_ =	sdelay $0x3  }
0x34: {  	[smem:$0x3FB2] =	sst s10  }
0x35: {  	s10 =	sld [smem:$0x3FB1];
	_ =	sdelay $0x3  }
0x36: {  	p1 =	seq.s32 s10, $0x1;
	s10 =	sld [smem:$0x3FB2];
	_ =	sdelay $0x3  }
0x37: {  	[smem:$0x3FB2] =	sst s10  }
0x38: {  	s10 =	sld [smem:$0x3FB3]  }
0x39: {  	_ = 	snop;
	(pc) =	sbr.ind lr, $3  }
0x3a: {  	_ = 	snop  }
0x3b: {  	_ = 	snop  }
0x3c: {  	p2 =	seq.s32 s10, $0x1;
	s10 =	sld [smem:$0x3FB2]  }
0x3d: {  	_ =	shalt  }
0x3e: {  	_ =	shalt  }
0x3f: {  	_ =	shalt  }
0x40: {  	_ =	shalt  }
0x41: {  	_ =	shalt  }
0x42: {  	_ =	shalt  }
0x43: {  	_ =	shalt  }
0x44: {  	_ =	shalt  }
0x45: {  	_ =	shalt  }
0x46: {  	_ =	shalt  }
0x47: {  	_ =	shalt  }
0x48: {  	_ =	shalt  }
0x49: {  	_ =	shalt  }
0x4a: {  	_ =	shalt  }
0x4b: {  	_ =	shalt  }
0x4c: {  	_ =	shalt  }
0x4d: {  	_ =	shalt  }
0x4e: {  	_ =	shalt  }
0x4f: {  	_ =	shalt  }
0x50: {  	_ =	shalt  }
0x51: {  	_ =	shalt  }
0x52: {  	_ =	shalt  }
0x53: {  	_ =	shalt  }
0x54: {  	_ =	shalt  }
0x55: {  	_ =	shalt  }
0x56: {  	_ =	shalt  }
0x57: {  	_ =	shalt  }
0x58: {  	_ =	shalt  }
0x59: {  	_ =	shalt  }
0x5a: {  	_ =	shalt  }
0x5b: {  	_ =	shalt  }
0x5c: {  	_ =	shalt  }
0x5d: {  	_ =	shalt  }
0x5e: {  	_ =	shalt  }
0x5f: {  	_ =	shalt  }
0x60: {  	_ =	shalt  }
0x61: {  	_ =	shalt  }
0x62: {  	_ =	shalt  }
0x63: {  	_ =	shalt  }
0x64: {  	_ =	shalt  }
0x65: {  	_ =	shalt  }
0x66: {  	_ =	shalt  }
0x67: {  	_ =	shalt  }
0x68: {  	_ =	shalt  }
0x69: {  	_ =	shalt  }
0x6a: {  	_ =	shalt  }
0x6b: {  	_ =	shalt  }
0x6c: {  	_ =	shalt  }
0x6d: {  	_ =	shalt  }
0x6e: {  	_ =	shalt  }
0x6f: {  	_ =	shalt  }
0x70: {  	_ =	shalt  }
0x71: {  	_ =	shalt  }
0x72: {  	_ =	shalt  }
0x73: {  	_ =	shalt  }
0x74: {  	_ =	shalt  }
0x75: {  	_ =	shalt  }
0x76: {  	_ =	shalt  }
0x77: {  	_ =	shalt  }
0x78: {  	_ =	shalt  }
0x79: {  	_ =	shalt  }
0x7a: {  	_ =	shalt  }
0x7b: {  	_ =	shalt  }
0x7c: {  	_ =	shalt  }
0x7d: {  	_ =	shalt  }
0x7e: {  	_ =	shalt  }
0x7f: {  	_ =	shalt  }
0x80: {  	_ =	shalt  }
0x81: {  	_ =	shalt  }
0x82: {  	_ =	shalt  }
0x83: {  	_ =	shalt  }
0x84: {  	_ =	shalt  }
0x85: {  	_ =	shalt  }
0x86: {  	_ =	shalt  }
0x87: {  	_ =	shalt  }
.Lfunc_end0:
.L_simem_size_0:
called_computation.2_lowered:
.L_overlay_start_0:
0x88: {  	s2 =	sld [smem:$0x3FD9]  }
0x89: {  	s3 =	sld [smem:$0x3FFE];
	_ =	sdelay $0x1  }
0x8a: {  	s1 =	srdreg.scid  }
0x8b: {  	s0 =	sand.u32 $0x1, s1  }
0x8c: {  	s17 =	sshll.u32 s0, $0xA;
	s2 =	sadd.s32 s3, s2  }
0x8d: {  	s2 =	sadd.s32 s2, s17  }
0x8e: {  	[smem:$0x3FBE] =	sst s2  }
0x8f: {  	_ = 	snop  }
0x90: {  	s2 =	sld [smem:$0x3FD0];
	(tm) =	ssettm $0x1  }
0x91: {  	s18 =	sld [smem:$0x3FFB];
	_ =	sdelay $0x3  }
0x92: {  	_ =	strace s18  }
0x93: {  	s3 =	sld [smem:$0x3FFC];
	_ =	sdelay $0x3  }
0x94: {  	_ =	strace s3  }
0x95: {  	s3 =	sld [smem:$0x3FFD];
	_ =	sdelay $0x3  }
0x96: {  	_ =	strace s3  }
0x97: {  	_ =	strace $0x8FFFFFFF  }
0x98: {  	s19 =	sld [smem:$0x3FDB];
	_ =	sdelay $0x1  }
0x99: {  	s4 =	simm.s32 $_scs_section_size  }
0x9a: {  	s5 =	simm.s32 $_size__tile_overlayer_lowered;
	s6 =	simm.s32 $_tile_overlayer_lowered  }
0x9b: {  	s22 =	simm.s32 $0x1BFF;
	s21 =	sshll.u32 s6, $0x1;
	s3 =	sadd.s32 s4, s19  }
0x9c: {  	s7 =	simm.s32 $0x0;
	s20 =	sshll.u32 s5, $0x1;
	s5 =	sadd.s32 s21, s3  }
0x9d: {  	[timem:s7], [sflag:s22] =	dma.local [hbm:s5], s20  }
0x9e: {  	_ =	swait.ge [sflag:s22], s20  }
0x9f: {  	s4 =	ssub.s32 $0x0, s20;
	[sflag:s22] =	ssyncset.done $0x0  }
0xa0: {  	[sflag:s22] =	ssyncadd.s32 s4;
	_ =	sdelay $0x1  }
0xa1: {  	s23 =	simm.s32 $0x1B8B  }
0xa2: {  	_ =	swait.ge [sflag:s23], $0x1  }
0xa3: {  	[sflag:s23] =	ssyncset.done $0x0  }
0xa4: {  	s25 =	simm.s32 $0x1B8E;
	s24 =	sld [smem:$0x3FFE];
	[sflag:s23] =	ssyncadd.s32 $0xFFFFFFFF  }
0xa5: {  	s26 =	simm.s32 $execute0_lowered;
	[smem:$0x3FD2] =	sst s25  }
0xa6: {  	s5 =	sshll.u32 s26, $0x1;
	_ =	strace $0x8000004C;
	[dreg:$0x1] =	wrdreg $0xFFFFFFFF  }
0xa7: {  	s28 =	simm.s32 $_size_execute0_lowered;
	s3 =	sadd.s32 s3, s5;
	[dreg:$0x0] =	wrdreg $0x0  }
0xa8: {  	s5 =	sshll.u32 s28, $0x1;
	[dreg:$0x2] =	wrdreg s3  }
0xa9: {  	[dreg:$0x3] =	wrdreg s5  }
0xaa: {  	[dreg:$0x4] =	wrdreg $0xC0  }
0xab: {  	_ =	task [dreg:s7], $0x5FFFF  }
0xac: {  	[dreg:$0x1] =	wrdreg $0xFFFFFFFF  }
0xad: {  	[dreg:$0x0] =	wrdreg $0x60  }
0xae: {  	[dreg:$0x2] =	wrdreg s24  }
0xaf: {  	[dreg:$0x3] =	wrdreg s2  }
0xb0: {  	[dreg:$0x4] =	wrdreg $0xBF800  }
0xb1: {  	[dreg:$0x5] =	wrdreg $0x9  }
0xb2: {  	_ =	task.clear_ibuf [dreg:s7], $0x6FFFF;
	_ =	strace $0x9000004C  }
0xb3: {  	s29 =	simm.s32 $0x9;
	_ =	strace $0x8000004E  }
0xb4: {  	_ =	swait.ge [sflag:s29], $0x1  }
0xb5: {  	[sflag:s29] =	ssyncadd.s32 $0xFFFFFFFF  }
0xb6: {  	_ =	strace $0x9000004E  }
0xb7: {  	_ =	sfence  }
0xb8: {  	s30 =	sld [smem:$0x0];
	_ =	sdelay $0x2  }
0xb9: {  	s31 =	sshll.u32 s1, $0xD;
	s1 =	sshrl.u32 s1, $0x2  }
0xba: {  	s3 =	sand.u32 $0x4000, s31;
	s1 =	sadd.s32 s1, s30  }
0xbb: {  	s0 =	sor.u32 s3, s0;
	s1 =	sshll.u32 s1, $0x11  }
0xbc: {  	s0 =	sor.u32 s1, s0  }
0xbd: {  	s0 =	sadd.s32 $0x8F2B, s0  }
0xbe: {  	[sflag:s0] =	ssyncadd.remote.s32 $0x1  }
0xbf: {  	_ =	sfence.sel $0xFFFF  }
0xc0: {  	[dreg:$0x0] =	wrdreg $0xFFFFFFFF;
	(pc) =	sbr.abs _section_cstart, $3  }
0xc1: {  	[dreg:$0x1] =	wrdreg $0xFFFFFFFF  }
0xc2: {  	_ =	task.clear_ibuf [dreg:s7], $0x2FFFF;
	_ =	strace $0x9FFFFFFF  }
0xc3: {  	(tm) =	ssettm $0x7FFFFFFF  }
tec
execute0_lowered:
.L_overlay_start_1:
0x0: {  	(tag) =	ssettag $0x1  }
0x1: {  	s0 =	srdreg.scid;
	s6 =	rddreg [dreg:$0x0]  }
0x2: {  	s4 =	stileid.u32;
	s14 =	rddreg [dreg:$0x1]  }
0x3: {  	s2 =	rddreg [dreg:$0x2];
	s3 =	simm.s32 $0x0;
	s17 =	simm.s32 $0x5F80  }
0x4: {  	s18 =	simm.s32 $0x5;
	s19 =	simm.s32 $0x2780;
	s20 =	simm.s32 $0x60  }
0x5: {  	s21 =	simm.s32 $0x1;
	s22 =	simm.s32 $0x8F80;
	s23 =	simm.s32 $0x2  }
0x6: {  	s28 =	simm.s32 $0x4;
	s29 =	simm.s32 $0x5B80;
	s30 =	simm.s32 $0x0  }
0x7: {  	s0 =	sand.u32 $0x1, s0;
	s1 =	sshll.u32 s4, $0x1;
	s8 =	smul.u32 $0x14000, s4  }
0x8: {  	[smem:$0x7FF] =	sst s3;
	s9 =	smul.u32 $0x50000, s4;
	s4 =	sadd.s32 $0x3600, s6  }
0x9: {  	s1 =	sor.u32 s0, s1;
	s7 =	smul.u32 $0x140000, s0;
	_ =	strace $0x8000004D  }
0xa: {  	s0 =	ssub.s32 $0x2, s0;
	s5 =	smul.u32 $0x4EC, s1;
	s26 =	sshrl.u32 s9, $0x2  }
0xb: {  	s31 =	sshrl.u32 s0, $0x1;
	s1 =	smul.u32 $0x700, s1;
	s25 =	sadd.s32 s8, s7  }
0xc: {  	s0 =	ssub.s32 s0, s31;
	s13 =	sadd.s32 s5, s6;
	s8 =	sshrl.u32 s25, $0x3  }
0xd: {  	s5 =	sadd.s32 s26, s2;
	s14 =	sadd.s32 s14, s1;
	s16 =	smax.u32 s0, $0x1  }
0xe: {  	s25 =	simm.s32 $0x3;
	s26 =	simm.s32 $0xC0;
	s15 =	sadd.s32 s8, s6  }
0xf: {  	s6 =	sadd.s32 $0x2800, s5;
	s7 =	sadd.s32 $0x5000, s5;
	s8 =	sadd.s32 $0x7800, s5  }
0x10: {  	s9 =	sadd.s32 $0xA000, s5;
	s10 =	sadd.s32 $0xC800, s5;
	s11 =	sadd.s32 $0xF000, s5  }
0x11: {  	v0 =	vimm.f32 $0.0e+00;
	s12 =	sadd.s32 $0x11800, s5;
	s13 =	sadd.s32 $0x53600, s13;
	s15 =	sadd.s32 $0x5D400, s15  }
.LBB2_1:
0x12: {  	s1 =	simm.s32 $0x0;
	s31 =	simm.s32 $0x200  }
.LBB2_2:
0x13: {  	p0 =	sne.s32 s31, $0xBE00;
	[tilespmem:s1+$0x5FF0] =	vst v0  }
0x14: {  	[tilespmem:s1+$0x5F80] =	vst v0  }
0x15: {  	[tilespmem:s1+$0x5F90] =	vst v0  }
.Ltmp0:
0x16: {  	[tilespmem:s1+$0x5FA0] =	vst v0;
	(pc) =	sbr.rel @p0 .LBB2_2-.Ltmp0, $4  }
0x17: {  	[tilespmem:s1+$0x5FB0] =	vst v0  }
0x18: {  	[tilespmem:s1+$0x5FC0] =	vst v0  }
0x19: {  	[tilespmem:s1+$0x5FD0] =	vst v0  }
0x1a: {  	[tilespmem:s1+$0x5FE0] =	vst v0;
	s1 =	sshra.s32 s31, $0x2;
	s31 =	sadd.s32 $0x200, s31  }
0x1b: {  	[tilespmem:s1+$0x5FF0] =	vst v0  }
0x1c: {  	[tilespmem:s1+$0x5F80] =	vst v0  }
0x1d: {  	[tilespmem:s1+$0x5F90] =	vst v0  }
0x1e: {  	[tilespmem:s1+$0x5FA0] =	vst v0  }
0x1f: {  	[tilespmem:s1+$0x5FB0] =	vst v0  }
0x20: {  	[tilespmem:s1+$0x5FC0] =	vst v0  }
0x21: {  	[tilespmem:s1+$0x5FD0] =	vst v0  }
0x22: {  	[tilespmem:s1+$0x5FE0] =	vst v0  }
0x23: {  	[spmem:s5] =	stream.linear.scatter [tilespmem:s17], [sflag:$0x5], $0x2800, $0x38;
	[tilespmem:$0x1FF80] =	vst v63  }
0x24: {  	_ =	swait.ge [sflag:s18], $0x2800  }
0x25: {  	[sflag:s18] =	ssyncset.done $0x0  }
0x26: {  	[sflag:s18] =	ssyncadd.s32 $0xFFFFD800  }
0x27: {  	[spmem:s6] =	stream.linear.scatter [tilespmem:s17], [sflag:$0x5], $0x2800, $0x38;
	[tilespmem:$0x1FF80] =	vst v63  }
0x28: {  	_ =	swait.ge [sflag:s18], $0x2800  }
0x29: {  	[sflag:s18] =	ssyncset.done $0x0  }
0x2a: {  	[sflag:s18] =	ssyncadd.s32 $0xFFFFD800  }
0x2b: {  	[spmem:s7] =	stream.linear.scatter [tilespmem:s17], [sflag:$0x5], $0x2800, $0x38;
	[tilespmem:$0x1FF80] =	vst v63  }
0x2c: {  	_ =	swait.ge [sflag:s18], $0x2800  }
0x2d: {  	[sflag:s18] =	ssyncset.done $0x0  }
0x2e: {  	[sflag:s18] =	ssyncadd.s32 $0xFFFFD800  }
0x2f: {  	[spmem:s8] =	stream.linear.scatter [tilespmem:s17], [sflag:$0x5], $0x2800, $0x38;
	[tilespmem:$0x1FF80] =	vst v63  }
0x30: {  	_ =	swait.ge [sflag:s18], $0x2800  }
0x31: {  	[sflag:s18] =	ssyncset.done $0x0  }
0x32: {  	[sflag:s18] =	ssyncadd.s32 $0xFFFFD800  }
0x33: {  	[spmem:s9] =	stream.linear.scatter [tilespmem:s17], [sflag:$0x5], $0x2800, $0x38;
	[tilespmem:$0x1FF80] =	vst v63  }
0x34: {  	_ =	swait.ge [sflag:s18], $0x2800  }
0x35: {  	[sflag:s18] =	ssyncset.done $0x0  }
0x36: {  	[sflag:s18] =	ssyncadd.s32 $0xFFFFD800  }
0x37: {  	[spmem:s10] =	stream.linear.scatter [tilespmem:s17], [sflag:$0x5], $0x2800, $0x38;
	[tilespmem:$0x1FF80] =	vst v63  }
0x38: {  	_ =	swait.ge [sflag:s18], $0x2800  }
0x39: {  	[sflag:s18] =	ssyncset.done $0x0  }
0x3a: {  	[sflag:s18] =	ssyncadd.s32 $0xFFFFD800  }
0x3b: {  	[spmem:s11] =	stream.linear.scatter [tilespmem:s17], [sflag:$0x5], $0x2800, $0x38;
	[tilespmem:$0x1FF80] =	vst v63  }
0x3c: {  	_ =	swait.ge [sflag:s18], $0x2800  }
0x3d: {  	[sflag:s18] =	ssyncset.done $0x0  }
0x3e: {  	[sflag:s18] =	ssyncadd.s32 $0xFFFFD800  }
0x3f: {  	[spmem:s12] =	stream.linear.scatter [tilespmem:s17], [sflag:$0x5], $0x2800, $0x38;
	[tilespmem:$0x1FF80] =	vst v63  }
0x40: {  	_ =	swait.ge [sflag:s18], $0x2800  }
0x41: {  	[sflag:s18] =	ssyncset.done $0x0  }
0x42: {  	[sflag:s18] =	ssyncadd.s32 $0xFFFFD800  }
0x43: {  	[tilespmem:s3], [sflag:$0x5] =	stream.linear.gather [hbm4b:s13+s3], $0x2760, $0x38;
	[tilespmem:$0x1FF80] =	vst v63  }
0x44: {  	_ =	swait.ge [sflag:s18], $0x2760  }
0x45: {  	[sflag:s18] =	ssyncset.done $0x0  }
0x46: {  	[sflag:s18] =	ssyncadd.s32 $0xFFFFD8A0  }
0x47: {  	[tilespmem:s19], [sflag:$0x5] =	stream.linear.gather [hbm4b:s14+s3], $0x3480, $0x38;
	[tilespmem:$0x1FF80] =	vst v63  }
0x48: {  	_ =	swait.ge [sflag:s18], $0x3480  }
0x49: {  	[sflag:s18] =	ssyncset.done $0x0  }
0x4a: {  	[sflag:s18] =	ssyncadd.s32 $0xFFFFCB80  }
0x4b: {  	[bflag:$0x0] =	sbarrier.arrive $0xFFFF  }
0x4c: {  	[tilespmem:s17], [sflag:$0x1] =	stream.indirect.gather [hbm4b:s4+s20], $0x80, s3, s20, $0xb8;
	[tilespmem:$0x1FF80] =	vst v63  }
0x4d: {  	_ =	swait.ge [sflag:s21], $0x3000  }
0x4e: {  	[sflag:s21] =	ssyncset.done $0x0  }
0x4f: {  	[sflag:s21] =	ssyncadd.s32 $0xFFFFD000  }
0x50: {  	[spmem:s2] =	stream.indirect.scatter.add.f32 [tilespmem:s17], [sflag:$0x3], $0x80, s19, s20, $0xb8;
	[tilespmem:$0x1FF80] =	vst v63  }
0x51: {  	_ = 	snop  }
0x52: {  	[tilespmem:s22], [sflag:$0x2] =	stream.indirect.gather [hbm4b:s4+s20], $0x80, s20, s20, $0xb8;
	[tilespmem:$0x1FF80] =	vst v63  }
0x53: {  	_ =	swait.ge [sflag:s23], $0x3000  }
0x54: {  	[sflag:s23] =	ssyncset.done $0x0  }
0x55: {  	s0 =	simm.s32 $0x2800;
	[sflag:s23] =	ssyncadd.s32 $0xFFFFD000  }
0x56: {  	[spmem:s2] =	stream.indirect.scatter.add.f32 [tilespmem:s22], [sflag:$0x4], $0x80, s0, s20, $0xb8;
	[tilespmem:$0x1FF80] =	vst v63  }
0x57: {  	_ =	swait.ge [sflag:s25], $0x3000  }
0x58: {  	[sflag:s25] =	ssyncset.done $0x0  }
0x59: {  	[sflag:s25] =	ssyncadd.s32 $0xFFFFD000  }
0x5a: {  	[tilespmem:s17], [sflag:$0x1] =	stream.indirect.gather [hbm4b:s4+s20], $0x80, s26, s20, $0xb8;
	[tilespmem:$0x1FF80] =	vst v63  }
0x5b: {  	_ =	swait.ge [sflag:s21], $0x3000  }
0x5c: {  	[sflag:s21] =	ssyncset.done $0x0  }
0x5d: {  	s24 =	simm.s32 $0x2880;
	[sflag:s21] =	ssyncadd.s32 $0xFFFFD000  }
0x5e: {  	[spmem:s2] =	stream.indirect.scatter.add.f32 [tilespmem:s17], [sflag:$0x3], $0x80, s24, s20, $0xb8;
	[tilespmem:$0x1FF80] =	vst v63  }
0x5f: {  	_ =	swait.ge [sflag:s28], $0x3000  }
0x60: {  	[sflag:s28] =	ssyncset.done $0x0  }
0x61: {  	s1 =	simm.s32 $0x120;
	[sflag:s28] =	ssyncadd.s32 $0xFFFFD000  }
0x62: {  	[tilespmem:s22], [sflag:$0x2] =	stream.indirect.gather [hbm4b:s4+s20], $0x80, s1, s20, $0xb8;
	[tilespmem:$0x1FF80] =	vst v63  }
0x63: {  	_ =	swait.ge [sflag:s23], $0x3000  }
0x64: {  	[sflag:s23] =	ssyncset.done $0x0  }
0x65: {  	s24 =	simm.s32 $0x2900;
	[sflag:s23] =	ssyncadd.s32 $0xFFFFD000  }
0x66: {  	[spmem:s2] =	stream.indirect.scatter.add.f32 [tilespmem:s22], [sflag:$0x4], $0x80, s24, s20, $0xb8;
	[tilespmem:$0x1FF80] =	vst v63  }
0x67: {  	_ =	swait.ge [sflag:s25], $0x3000  }
0x68: {  	s31 =	simm.s32 $0xFFFF6A00;
	[sflag:s25] =	ssyncset.done $0x0  }
0x69: {  	s0 =	simm.s32 $0x180;
	s1 =	simm.s32 $0x2980;
	[sflag:s25] =	ssyncadd.s32 $0xFFFFD000  }
.LBB2_4:
0x6a: {  	[tilespmem:s17], [sflag:$0x1] =	stream.indirect.gather [hbm4b:s4+s20], $0x80, s0, s20, $0xb8;
	[tilespmem:$0x1FF80] =	vst v63  }
0x6b: {  	s0 =	smov.u32 s31  }
0x6c: {  	p0 =	sne.s32 s31, $0xFFFFFD00;
	s31 =	sadd.s32 $0x300, s31;
	_ =	swait.ge [sflag:s21], $0x3000  }
0x6d: {  	[sflag:s21] =	ssyncset.done $0x0  }
0x6e: {  	[sflag:s21] =	ssyncadd.s32 $0xFFFFD000  }
0x6f: {  	[spmem:s2] =	stream.indirect.scatter.add.f32 [tilespmem:s17], [sflag:$0x3], $0x80, s1, s20, $0xb8;
	[tilespmem:$0x1FF80] =	vst v63  }
0x70: {  	_ =	swait.ge [sflag:s28], $0x3000  }
0x71: {  	s0 =	sshra.s32 s0, $0x2;
	[sflag:s28] =	ssyncset.done $0x0  }
0x72: {  	s24 =	sadd.s32 $0x2760, s0;
	[sflag:s28] =	ssyncadd.s32 $0xFFFFD000  }
0x73: {  	[tilespmem:s22], [sflag:$0x2] =	stream.indirect.gather [hbm4b:s4+s20], $0x80, s24, s20, $0xb8;
	[tilespmem:$0x1FF80] =	vst v63  }
0x74: {  	_ =	swait.ge [sflag:s23], $0x3000  }
0x75: {  	[sflag:s23] =	ssyncset.done $0x0  }
.Ltmp1:
0x76: {  	s24 =	sadd.s32 $0x80, s1;
	[sflag:s23] =	ssyncadd.s32 $0xFFFFD000;
	(pc) =	sbr.rel @p0 .LBB2_4-.Ltmp1, $4  }
0x77: {  	[spmem:s2] =	stream.indirect.scatter.add.f32 [tilespmem:s22], [sflag:$0x4], $0x80, s24, s20, $0xb8;
	[tilespmem:$0x1FF80] =	vst v63  }
0x78: {  	_ =	swait.ge [sflag:s25], $0x3000  }
0x79: {  	[sflag:s25] =	ssyncset.done $0x0  }
0x7a: {  	s0 =	sadd.s32 $0x27C0, s0;
	s1 =	sadd.s32 $0x100, s1;
	[sflag:s25] =	ssyncadd.s32 $0xFFFFD000  }
0x7b: {  	[tilespmem:s17], [sflag:$0x1] =	stream.indirect.gather [hbm4b:s4+s20], $0x80, s0, s20, $0xb8;
	[tilespmem:$0x1FF80] =	vst v63  }
0x7c: {  	_ =	swait.ge [sflag:s21], $0x3000  }
0x7d: {  	[sflag:s21] =	ssyncset.done $0x0  }
0x7e: {  	[sflag:s21] =	ssyncadd.s32 $0xFFFFD000  }
0x7f: {  	[spmem:s2] =	stream.indirect.scatter.add.f32 [tilespmem:s17], [sflag:$0x3], $0x80, s29, s20, $0xb8;
	[tilespmem:$0x1FF80] =	vst v63  }
0x80: {  	_ =	swait.ge [sflag:s28], $0x3000  }
0x81: {  	[sflag:s28] =	ssyncset.done $0x0  }
0x82: {  	[sflag:s28] =	ssyncadd.s32 $0xFFFFD000  }
0x83: {  	s31 =	stileid.u32;
	_ =	swait.ge [sflag:s25], $0x3000  }
0x84: {  	s1 =	sshrl.u32 s5, $0x3;
	s30 =	sadd.s32 $0x1, s30;
	[sflag:s25] =	ssyncset.done $0x0  }
0x85: {  	s0 =	sshll.u32 s31, $0x6;
	p0 =	sne.s32 s30, s16;
	[sflag:s25] =	ssyncadd.s32 $0xFFFFD000  }
.Ltmp2:
0x86: {  	s0 =	sor.u32 $0x1C05, s0;
	[bflag:$0x0] =	sbarrier.arrive $0xFFFF;
	(pc) =	sbr.rel @p0 .LBB2_1-.Ltmp2, $4  }
0x87: {  	[hbm:s15], [sflag:s0] =	dma.local [spmem:s1], $0x2800  }
0x88: {  	_ =	swait.ge [sflag:s18], $0x2800  }
0x89: {  	[sflag:s18] =	ssyncset.done $0x0  }
0x8a: {  	[sflag:s18] =	ssyncadd.s32 $0xFFFFD800  }
0x8b: {  	_ =	sfence.sel $0x180000  }
0x8c: {  	[bflag:$0x0] =	sbarrier.arrive $0xFFFF  }
0x8d: {  	_ =	strace $0x9000004D  }
0x8e: {  	s0 =	stileid.u32;
	[bflag:$0x2] =	sbarrier.arrive $0xFFFF  }
0x8f: {  	p0 =	sne.s32 s0, $0x0;
	s0 =	rddreg [dreg:$0x3]  }
0x90: {  	s0 =	sadd.s32 @!p0 $0x100000, s0  }
0x91: {  	[sflag:s0] =	ssyncadd.tile.s32 @!p0 $0x1;
	_ =	shalt  }
.Lfunc_end2:
_tile_overlayer_lowered:
.L_overlay_start_2:
0x92: {  	(tag) =	ssettag $0x2  }
0x93: {  	s0 =	rddreg [dreg:$0x0];
	s2 =	stileid.u32  }
0x94: {  	s1 =	rddreg [dreg:$0x1];
	p0 =	sne.s32 s2, $0x0  }
0x95: {  	s3 =	rddreg [dreg:$0x2];
	[bflag:$0x3] =	sbarrier.arrive $0xFFFF;
	s2 =	simm.s32 @!p0 $0x1C05  }
0x96: {  	[timem:s3], [sflag:s2] =	dma.local @!p0 [hbm:s0], s1  }
0x97: {  	s0 =	simm.s32 @!p0 $0x5  }
0x98: {  	_ =	swait.ge @!p0 [sflag:s0], s1  }
0x99: {  	s1 =	ssub.s32 @!p0 $0x0, s1;
	[sflag:s0] =	ssyncset.done @!p0 $0x0  }
0x9a: {  	[sflag:s0] =	ssyncadd.s32 @!p0 s1  }
0x9b: {  	[bflag:$0x3] =	sbarrier.arrive $0xFFFF  }
0x9c: {  	_ =	shalt  }

// kernel: kernel.9.cloned.1.call-start
scs
__scs_entry_jumppad:
0x0: {  	(pc) =	sbr.rel $0x88, $3  }
0x1: {  	(tag) =	ssettag $0x0;
	lr =	simm.s32 $0x1  }
0x2: {  	[smem:$0x3F97] =	sst lr;
	_ =	strace $0xD0000000  }
0x3: {  	_ = 	snop  }
0x4: {  	_ = 	snop  }
0x5: {  	_ = 	snop  }
0x6: {  	_ = 	snop  }
0x7: {  	_ = 	snop  }
__scs_overlays_trampoline_lowered:
0x8: {  	[smem:$0x3FA6] =	sst s0  }
0x9: {  	[smem:$0x3FA7] =	sst s1  }
0xa: {  	[smem:$0x3FA8] =	sst s2  }
0xb: {  	[smem:$0x3FA9] =	sst s3  }
0xc: {  	[smem:$0x3FAA] =	sst s4  }
0xd: {  	[smem:$0x3FAB] =	sst s5  }
0xe: {  	[smem:$0x3FAC] =	sst s6  }
0xf: {  	[smem:$0x3FAD] =	sst s7  }
0x10: {  	[smem:$0x3FAE] =	sst s8  }
0x11: {  	[smem:$0x3FAF] =	sst s9;
	s0 =	simm.s32 @!p0 $0x0  }
0x12: {  	s1 =	sld [smem:$0x3F95];
	s0 =	simm.s32 @p0 $0x1  }
0x13: {  	[smem:$0x3FB0] =	sst s0;
	s0 =	simm.s32 @!p1 $0x0  }
0x14: {  	s2 =	sld [smem:$0x3F94];
	s0 =	simm.s32 @p1 $0x1  }
0x15: {  	[smem:$0x3FB1] =	sst s0;
	s0 =	simm.s32 @!p2 $0x0  }
0x16: {  	s3 =	sld [smem:$0x3FDB];
	s0 =	simm.s32 @p2 $0x1  }
0x17: {  	s4 =	simm.s32 $0x1BF5;
	[smem:$0x3FB3] =	sst s0  }
0x18: {  	s0 =	sld [smem:$0x3F96];
	_ =	swait.ge [sflag:s4], $0x0  }
0x19: {  	s7 =	sld [smem:$0x3F97]  }
0x1a: {  	s8 =	sadd.s32 $0xFFFFE003, lr  }
0x1b: {  	s9 =	sadd.s32 $0xFFFFFEF7, lr;
	s5 =	simm.s32 $0xFFFFFFFF;
	p2 =	slt.u32 s8, $0xFFFFF086  }
0x1c: {  	p1 =	slt.u32 s9, $0xF7A;
	s5 =	simm.s32 @!p2 $0x0  }
0x1d: {  	s5 =	simm.s32 @p1 $0x1;
	p0 =	seq.s32 s7, s2  }
0x1e: {  	s7 =	smul.u32 @!p0 $0xF7A, s2;
	p2 =	seq.s32 @!p0 s5, $0x0  }
0x1f: {  	s9 =	smul.u32 $0xF7A, s1;
	s8 =	simm.s32 @!p0 $0x1BF5;
	p2 =	por !p2, p0  }
0x20: {  	[sflag:s8] =	ssyncset.s32 @!p0 $0xFFFFF086;
	s6 =	sadd.s32 @!p0 s3, s7;
	s7 =	simm.s32 @!p0 $0x108  }
0x21: {  	s3 =	sadd.s32 s3, s9;
	s6 =	sadd.s32 @!p0 $0x88, s6;
	s7 =	simm.s32 @p2 $0x1082  }
0x22: {  	[simem:s7], [sflag:s8] =	dma.local @!p0 [hbm:s6], $0xF7A  }
0x23: {  	s9 =	sor.u32 $0xD0000000, s2;
	s6 =	simm.s32 $0x108;
	_ =	swait.ge @!p0 [sflag:s8], $0x0  }
0x24: {  	s3 =	sadd.s32 $0x88, s3;
	s6 =	simm.s32 @!p1 $0x1082;
	[sflag:s4] =	ssyncset.s32 $0xFFFFF086  }
0x25: {  	[simem:s6], [sflag:s4] =	dma.local [hbm:s3], $0xF7A  }
0x26: {  	[smem:$0x3F97] =	sst s1;
	(tag) =	ssettag s2;
	_ =	strace s9  }
0x27: {  	s1 =	sld [smem:$0x3FA7]  }
0x28: {  	s2 =	sld [smem:$0x3FA8]  }
0x29: {  	s4 =	sld [smem:$0x3FAA]  }
0x2a: {  	p0 =	seq.s32 s5, $0x0;
	s5 =	sld [smem:$0x3FAB]  }
0x2b: {  	s6 =	sld [smem:$0x3FAC]  }
0x2c: {  	s7 =	sld [smem:$0x3FAD]  }
0x2d: {  	s3 =	simm.s32 $0x108;
	s8 =	sld [smem:$0x3FAE]  }
0x2e: {  	s3 =	simm.s32 @!p0 $0x1082;
	s9 =	sld [smem:$0x3FAF]  }
0x2f: {  	lr =	sadd.s32 s0, s3;
	s0 =	sld [smem:$0x3FA6]  }
0x30: {  	s3 =	sld [smem:$0x3FA9]  }
0x31: {  	[smem:$0x3FB2] =	sst s10  }
0x32: {  	s10 =	sld [smem:$0x3FB0];
	_ =	sdelay $0x3  }
0x33: {  	p0 =	seq.s32 s10, $0x1;
	s10 =	sld [smem:$0x3FB2];
	_ =	sdelay $0x3  }
0x34: {  	[smem:$0x3FB2] =	sst s10  }
0x35: {  	s10 =	sld [smem:$0x3FB1];
	_ =	sdelay $0x3  }
0x36: {  	p1 =	seq.s32 s10, $0x1;
	s10 =	sld [smem:$0x3FB2];
	_ =	sdelay $0x3  }
0x37: {  	[smem:$0x3FB2] =	sst s10  }
0x38: {  	s10 =	sld [smem:$0x3FB3]  }
0x39: {  	_ = 	snop;
	(pc) =	sbr.ind lr, $3  }
0x3a: {  	_ = 	snop  }
0x3b: {  	_ = 	snop  }
0x3c: {  	p2 =	seq.s32 s10, $0x1;
	s10 =	sld [smem:$0x3FB2]  }
0x3d: {  	_ =	shalt  }
0x3e: {  	_ =	shalt  }
0x3f: {  	_ =	shalt  }
0x40: {  	_ =	shalt  }
0x41: {  	_ =	shalt  }
0x42: {  	_ =	shalt  }
0x43: {  	_ =	shalt  }
0x44: {  	_ =	shalt  }
0x45: {  	_ =	shalt  }
0x46: {  	_ =	shalt  }
0x47: {  	_ =	shalt  }
0x48: {  	_ =	shalt  }
0x49: {  	_ =	shalt  }
0x4a: {  	_ =	shalt  }
0x4b: {  	_ =	shalt  }
0x4c: {  	_ =	shalt  }
0x4d: {  	_ =	shalt  }
0x4e: {  	_ =	shalt  }
0x4f: {  	_ =	shalt  }
0x50: {  	_ =	shalt  }
0x51: {  	_ =	shalt  }
0x52: {  	_ =	shalt  }
0x53: {  	_ =	shalt  }
0x54: {  	_ =	shalt  }
0x55: {  	_ =	shalt  }
0x56: {  	_ =	shalt  }
0x57: {  	_ =	shalt  }
0x58: {  	_ =	shalt  }
0x59: {  	_ =	shalt  }
0x5a: {  	_ =	shalt  }
0x5b: {  	_ =	shalt  }
0x5c: {  	_ =	shalt  }
0x5d: {  	_ =	shalt  }
0x5e: {  	_ =	shalt  }
0x5f: {  	_ =	shalt  }
0x60: {  	_ =	shalt  }
0x61: {  	_ =	shalt  }
0x62: {  	_ =	shalt  }
0x63: {  	_ =	shalt  }
0x64: {  	_ =	shalt  }
0x65: {  	_ =	shalt  }
0x66: {  	_ =	shalt  }
0x67: {  	_ =	shalt  }
0x68: {  	_ =	shalt  }
0x69: {  	_ =	shalt  }
0x6a: {  	_ =	shalt  }
0x6b: {  	_ =	shalt  }
0x6c: {  	_ =	shalt  }
0x6d: {  	_ =	shalt  }
0x6e: {  	_ =	shalt  }
0x6f: {  	_ =	shalt  }
0x70: {  	_ =	shalt  }
0x71: {  	_ =	shalt  }
0x72: {  	_ =	shalt  }
0x73: {  	_ =	shalt  }
0x74: {  	_ =	shalt  }
0x75: {  	_ =	shalt  }
0x76: {  	_ =	shalt  }
0x77: {  	_ =	shalt  }
0x78: {  	_ =	shalt  }
0x79: {  	_ =	shalt  }
0x7a: {  	_ =	shalt  }
0x7b: {  	_ =	shalt  }
0x7c: {  	_ =	shalt  }
0x7d: {  	_ =	shalt  }
0x7e: {  	_ =	shalt  }
0x7f: {  	_ =	shalt  }
0x80: {  	_ =	shalt  }
0x81: {  	_ =	shalt  }
0x82: {  	_ =	shalt  }
0x83: {  	_ =	shalt  }
0x84: {  	_ =	shalt  }
0x85: {  	_ =	shalt  }
0x86: {  	_ =	shalt  }
0x87: {  	_ =	shalt  }
.Lfunc_end0:
.L_simem_size_0:
called_computation_lowered:
.L_overlay_start_0:
0x88: {  	s2 =	sld [smem:$0x3FD9]  }
0x89: {  	s3 =	sld [smem:$0x3FFE];
	_ =	sdelay $0x1  }
0x8a: {  	s1 =	srdreg.scid  }
0x8b: {  	s0 =	sand.u32 $0x1, s1  }
0x8c: {  	s17 =	sshll.u32 s0, $0xA;
	s2 =	sadd.s32 s3, s2  }
0x8d: {  	s2 =	sadd.s32 s2, s17  }
0x8e: {  	[smem:$0x3FBE] =	sst s2  }
0x8f: {  	_ = 	snop  }
0x90: {  	s2 =	sld [smem:$0x3FD0];
	(tm) =	ssettm $0x1  }
0x91: {  	s18 =	sld [smem:$0x3FFB];
	_ =	sdelay $0x3  }
0x92: {  	_ =	strace s18  }
0x93: {  	s3 =	sld [smem:$0x3FFC];
	_ =	sdelay $0x3  }
0x94: {  	_ =	strace s3  }
0x95: {  	s3 =	sld [smem:$0x3FFD];
	_ =	sdelay $0x3  }
0x96: {  	_ =	strace s3  }
0x97: {  	_ =	strace $0x8FFFFFFF  }
0x98: {  	s19 =	sld [smem:$0x3FDB];
	_ =	sdelay $0x1  }
0x99: {  	s4 =	simm.s32 $_scs_section_size  }
0x9a: {  	s5 =	simm.s32 $_size__tile_overlayer_lowered;
	s6 =	simm.s32 $_tile_overlayer_lowered  }
0x9b: {  	s22 =	simm.s32 $0x1BFF;
	s21 =	sshll.u32 s6, $0x1;
	s3 =	sadd.s32 s4, s19  }
0x9c: {  	s7 =	simm.s32 $0x0;
	s20 =	sshll.u32 s5, $0x1;
	s5 =	sadd.s32 s21, s3  }
0x9d: {  	[timem:s7], [sflag:s22] =	dma.local [hbm:s5], s20  }
0x9e: {  	_ =	swait.ge [sflag:s22], s20  }
0x9f: {  	s4 =	ssub.s32 $0x0, s20;
	[sflag:s22] =	ssyncset.done $0x0  }
0xa0: {  	[sflag:s22] =	ssyncadd.s32 s4;
	_ =	sdelay $0x1  }
0xa1: {  	s23 =	simm.s32 $0x1B8B  }
0xa2: {  	_ =	swait.ge [sflag:s23], $0x1  }
0xa3: {  	[sflag:s23] =	ssyncset.done $0x0  }
0xa4: {  	s25 =	simm.s32 $0x1B8E;
	s24 =	sld [smem:$0x3FFE];
	[sflag:s23] =	ssyncadd.s32 $0xFFFFFFFF  }
0xa5: {  	s26 =	simm.s32 $execute0_lowered;
	[smem:$0x3FD2] =	sst s25  }
0xa6: {  	s5 =	sshll.u32 s26, $0x1;
	_ =	strace $0x80000046;
	[dreg:$0x1] =	wrdreg $0xFFFFFFFF  }
0xa7: {  	s28 =	simm.s32 $_size_execute0_lowered;
	s3 =	sadd.s32 s3, s5;
	[dreg:$0x0] =	wrdreg $0x0  }
0xa8: {  	s5 =	sshll.u32 s28, $0x1;
	[dreg:$0x2] =	wrdreg s3  }
0xa9: {  	[dreg:$0x3] =	wrdreg s5  }
0xaa: {  	[dreg:$0x4] =	wrdreg $0xC0  }
0xab: {  	_ =	task [dreg:s7], $0x5FFFF  }
0xac: {  	[dreg:$0x1] =	wrdreg $0xFFFFFFFF  }
0xad: {  	[dreg:$0x0] =	wrdreg $0x60  }
0xae: {  	[dreg:$0x2] =	wrdreg s2  }
0xaf: {  	[dreg:$0x3] =	wrdreg s24  }
0xb0: {  	[dreg:$0x4] =	wrdreg $0x68000  }
0xb1: {  	[dreg:$0x5] =	wrdreg $0x9  }
0xb2: {  	_ =	task.clear_ibuf [dreg:s7], $0x6FFFF;
	_ =	strace $0x90000046  }
0xb3: {  	s29 =	simm.s32 $0x9;
	_ =	strace $0x80000048  }
0xb4: {  	_ =	swait.ge [sflag:s29], $0x1  }
0xb5: {  	[sflag:s29] =	ssyncadd.s32 $0xFFFFFFFF  }
0xb6: {  	_ =	strace $0x90000048  }
0xb7: {  	_ =	sfence  }
0xb8: {  	s30 =	sld [smem:$0x0];
	_ =	sdelay $0x2  }
0xb9: {  	s31 =	sshll.u32 s1, $0xD;
	s1 =	sshrl.u32 s1, $0x2  }
0xba: {  	s3 =	sand.u32 $0x4000, s31;
	s1 =	sadd.s32 s1, s30  }
0xbb: {  	s0 =	sor.u32 s3, s0;
	s1 =	sshll.u32 s1, $0x11  }
0xbc: {  	s0 =	sor.u32 s1, s0  }
0xbd: {  	s0 =	sadd.s32 $0x8F2B, s0  }
0xbe: {  	[sflag:s0] =	ssyncadd.remote.s32 $0x1  }
0xbf: {  	_ =	sfence.sel $0xFFFF  }
0xc0: {  	[dreg:$0x0] =	wrdreg $0xFFFFFFFF;
	(pc) =	sbr.abs _section_cstart, $3  }
0xc1: {  	[dreg:$0x1] =	wrdreg $0xFFFFFFFF  }
0xc2: {  	_ =	task.clear_ibuf [dreg:s7], $0x2FFFF;
	_ =	strace $0x9FFFFFFF  }
0xc3: {  	(tm) =	ssettm $0x7FFFFFFF  }
tec
execute0_lowered:
.L_overlay_start_1:
0x0: {  	(tag) =	ssettag $0x1  }
0x1: {  	s12 =	rddreg [dreg:$0x0]  }
0x2: {  	s6 =	rddreg [dreg:$0x1]  }
0x3: {  	s2 =	rddreg [dreg:$0x2]  }
0x4: {  	s0 =	srdreg.scid;
	s1 =	rddreg [dreg:$0x3]  }
0x5: {  	s3 =	simm.s32 $0x0;
	s16 =	simm.s32 $0x6;
	s17 =	simm.s32 $0x60  }
0x6: {  	s18 =	simm.s32 $0x1;
	s19 =	simm.s32 $0x2;
	s4 =	sand.u32 $0x1, s0  }
0x7: {  	s20 =	simm.s32 $0x3;
	s0 =	stileid.u32;
	s5 =	smul.u32 $0x140000, s4  }
0x8: {  	s21 =	simm.s32 $0x4;
	[smem:$0x7FF] =	sst s3;
	s7 =	smul.u32 $0x14000, s0  }
0x9: {  	s22 =	simm.s32 $0x5;
	s29 =	smul.u32 $0x50000, s0;
	_ =	strace $0x80000047  }
0xa: {  	s30 =	ssub.s32 $0x2, s4;
	s8 =	sshll.u32 s0, $0x1;
	s23 =	sshll.u32 s0, $0x6  }
0xb: {  	s31 =	sshrl.u32 s30, $0x1;
	s8 =	sor.u32 s4, s8;
	s23 =	sor.u32 $0x1C06, s23  }
0xc: {  	s5 =	sadd.s32 s7, s5;
	s7 =	sshrl.u32 s29, $0x2;
	s14 =	ssub.s32 s30, s31  }
0xd: {  	s15 =	smul.u32 $0x700, s8;
	s5 =	sshrl.u32 s5, $0x3;
	s4 =	sadd.s32 s7, s2  }
0xe: {  	s14 =	smax.u32 s14, $0x1;
	s13 =	sadd.s32 s5, s6;
	s5 =	sadd.s32 $0x2800, s4  }
0xf: {  	s6 =	sadd.s32 $0x5000, s4;
	s7 =	sadd.s32 $0x7800, s4;
	s8 =	sadd.s32 $0xA000, s4  }
0x10: {  	s9 =	sadd.s32 $0xC800, s4;
	s10 =	sadd.s32 $0xF000, s4;
	s11 =	sadd.s32 $0x11800, s4  }
0x11: {  	v0 =	vimm.f32 $0.0e+00;
	v1 =	vimm.f32 $1.000000000e+00;
	s12 =	sadd.s32 s12, s15;
	s15 =	simm.s32 $0x3800;
	s13 =	sadd.s32 $0x3600, s13  }
.LBB2_1:
0x12: {  	s24 =	simm.s32 $0x0;
	s25 =	simm.s32 $0x200  }
.LBB2_2:
0x13: {  	p0 =	sne.s32 s25, $0xBE00;
	[tilespmem:s24+$0x3870] =	vst v0  }
0x14: {  	[tilespmem:s24+$0x3800] =	vst v0  }
0x15: {  	[tilespmem:s24+$0x3810] =	vst v0  }
.Ltmp0:
0x16: {  	[tilespmem:s24+$0x3820] =	vst v0;
	(pc) =	sbr.rel @p0 .LBB2_2-.Ltmp0, $4  }
0x17: {  	[tilespmem:s24+$0x3830] =	vst v0  }
0x18: {  	[tilespmem:s24+$0x3840] =	vst v0  }
0x19: {  	[tilespmem:s24+$0x3850] =	vst v0  }
0x1a: {  	[tilespmem:s24+$0x3860] =	vst v0;
	s24 =	sshra.s32 s25, $0x2;
	s25 =	sadd.s32 $0x200, s25  }
0x1b: {  	[tilespmem:s24+$0x3870] =	vst v0  }
0x1c: {  	[tilespmem:s24+$0x3800] =	vst v0  }
0x1d: {  	[tilespmem:s24+$0x3810] =	vst v0  }
0x1e: {  	[tilespmem:s24+$0x3820] =	vst v0  }
0x1f: {  	[tilespmem:s24+$0x3830] =	vst v0  }
0x20: {  	[tilespmem:s24+$0x3840] =	vst v0  }
0x21: {  	[tilespmem:s24+$0x3850] =	vst v0  }
0x22: {  	[tilespmem:s24+$0x3860] =	vst v0  }
0x23: {  	[spmem:s4] =	stream.linear.scatter [tilespmem:s15], [sflag:$0x6], $0x2800, $0x38;
	[tilespmem:$0x1A800] =	vst v63  }
0x24: {  	_ =	swait.ge [sflag:s16], $0x2800  }
0x25: {  	[sflag:s16] =	ssyncset.done $0x0  }
0x26: {  	[sflag:s16] =	ssyncadd.s32 $0xFFFFD800  }
0x27: {  	[spmem:s5] =	stream.linear.scatter [tilespmem:s15], [sflag:$0x6], $0x2800, $0x38;
	[tilespmem:$0x1A800] =	vst v63  }
0x28: {  	_ =	swait.ge [sflag:s16], $0x2800  }
0x29: {  	[sflag:s16] =	ssyncset.done $0x0  }
0x2a: {  	[sflag:s16] =	ssyncadd.s32 $0xFFFFD800  }
0x2b: {  	[spmem:s6] =	stream.linear.scatter [tilespmem:s15], [sflag:$0x6], $0x2800, $0x38;
	[tilespmem:$0x1A800] =	vst v63  }
0x2c: {  	_ =	swait.ge [sflag:s16], $0x2800  }
0x2d: {  	[sflag:s16] =	ssyncset.done $0x0  }
0x2e: {  	[sflag:s16] =	ssyncadd.s32 $0xFFFFD800  }
0x2f: {  	[spmem:s7] =	stream.linear.scatter [tilespmem:s15], [sflag:$0x6], $0x2800, $0x38;
	[tilespmem:$0x1A800] =	vst v63  }
0x30: {  	_ =	swait.ge [sflag:s16], $0x2800  }
0x31: {  	[sflag:s16] =	ssyncset.done $0x0  }
0x32: {  	[sflag:s16] =	ssyncadd.s32 $0xFFFFD800  }
0x33: {  	[spmem:s8] =	stream.linear.scatter [tilespmem:s15], [sflag:$0x6], $0x2800, $0x38;
	[tilespmem:$0x1A800] =	vst v63  }
0x34: {  	_ =	swait.ge [sflag:s16], $0x2800  }
0x35: {  	[sflag:s16] =	ssyncset.done $0x0  }
0x36: {  	[sflag:s16] =	ssyncadd.s32 $0xFFFFD800  }
0x37: {  	[spmem:s9] =	stream.linear.scatter [tilespmem:s15], [sflag:$0x6], $0x2800, $0x38;
	[tilespmem:$0x1A800] =	vst v63  }
0x38: {  	_ =	swait.ge [sflag:s16], $0x2800  }
0x39: {  	[sflag:s16] =	ssyncset.done $0x0  }
0x3a: {  	[sflag:s16] =	ssyncadd.s32 $0xFFFFD800  }
0x3b: {  	[spmem:s10] =	stream.linear.scatter [tilespmem:s15], [sflag:$0x6], $0x2800, $0x38;
	[tilespmem:$0x1A800] =	vst v63  }
0x3c: {  	_ =	swait.ge [sflag:s16], $0x2800  }
0x3d: {  	[sflag:s16] =	ssyncset.done $0x0  }
0x3e: {  	[sflag:s16] =	ssyncadd.s32 $0xFFFFD800  }
0x3f: {  	[spmem:s11] =	stream.linear.scatter [tilespmem:s15], [sflag:$0x6], $0x2800, $0x38;
	[tilespmem:$0x1A800] =	vst v63  }
0x40: {  	_ =	swait.ge [sflag:s16], $0x2800  }
0x41: {  	[sflag:s16] =	ssyncset.done $0x0  }
0x42: {  	s24 =	simm.s32 $0x0;
	s25 =	simm.s32 $0x200;
	[sflag:s16] =	ssyncadd.s32 $0xFFFFD800  }
.LBB2_4:
0x43: {  	p0 =	sne.s32 s25, $0xBE00;
	[tilespmem:s24+$0x3870] =	vst v1  }
0x44: {  	[tilespmem:s24+$0x3800] =	vst v1  }
0x45: {  	[tilespmem:s24+$0x3810] =	vst v1  }
.Ltmp1:
0x46: {  	[tilespmem:s24+$0x3820] =	vst v1;
	(pc) =	sbr.rel @p0 .LBB2_4-.Ltmp1, $4  }
0x47: {  	[tilespmem:s24+$0x3830] =	vst v1  }
0x48: {  	[tilespmem:s24+$0x3840] =	vst v1  }
0x49: {  	[tilespmem:s24+$0x3850] =	vst v1  }
0x4a: {  	[tilespmem:s24+$0x3860] =	vst v1;
	s24 =	sshra.s32 s25, $0x2;
	s25 =	sadd.s32 $0x200, s25  }
0x4b: {  	[tilespmem:s24+$0x3870] =	vst v1  }
0x4c: {  	[tilespmem:s24+$0x3800] =	vst v1  }
0x4d: {  	[tilespmem:s24+$0x3810] =	vst v1  }
0x4e: {  	[tilespmem:s24+$0x3820] =	vst v1  }
0x4f: {  	[tilespmem:s24+$0x3830] =	vst v1  }
0x50: {  	[tilespmem:s24+$0x3840] =	vst v1  }
0x51: {  	[tilespmem:s24+$0x3850] =	vst v1  }
0x52: {  	[tilespmem:s24+$0x3860] =	vst v1;
	s25 =	simm.s32 $0x0  }
0x53: {  	[tilespmem:s25], [sflag:$0x6] =	stream.linear.gather [hbm4b:s12+s25], $0x3480, $0x38;
	[tilespmem:$0x1A800] =	vst v63  }
0x54: {  	_ =	swait.ge [sflag:s16], $0x3480  }
0x55: {  	[sflag:s16] =	ssyncset.done $0x0  }
0x56: {  	[sflag:s16] =	ssyncadd.s32 $0xFFFFCB80  }
0x57: {  	s26 =	simm.s32 $0x0;
	[bflag:$0x0] =	sbarrier.arrive $0xFFFF  }
0x58: {  	[spmem:s2] =	stream.indirect.scatter.add.f32 [tilespmem:s15], [sflag:$0x1], $0x80, s26, s17, $0xb8;
	[tilespmem:$0x1A800] =	vst v63  }
0x59: {  	s28 =	simm.s32 $0x80  }
0x5a: {  	[spmem:s2] =	stream.indirect.scatter.add.f32 [tilespmem:s15], [sflag:$0x2], $0x80, s28, s17, $0xb8;
	[tilespmem:$0x1A800] =	vst v63  }
0x5b: {  	s29 =	simm.s32 $0x100  }
0x5c: {  	[spmem:s2] =	stream.indirect.scatter.add.f32 [tilespmem:s15], [sflag:$0x3], $0x80, s29, s17, $0xb8;
	[tilespmem:$0x1A800] =	vst v63  }
0x5d: {  	s30 =	simm.s32 $0x180  }
0x5e: {  	[spmem:s2] =	stream.indirect.scatter.add.f32 [tilespmem:s15], [sflag:$0x4], $0x80, s30, s17, $0xb8;
	[tilespmem:$0x1A800] =	vst v63  }
0x5f: {  	s31 =	simm.s32 $0x200  }
0x60: {  	[spmem:s2] =	stream.indirect.scatter.add.f32 [tilespmem:s15], [sflag:$0x5], $0x80, s31, s17, $0xb8;
	[tilespmem:$0x1A800] =	vst v63  }
0x61: {  	_ =	swait.ge [sflag:s18], $0x3000  }
0x62: {  	[sflag:s18] =	ssyncset.done $0x0  }
0x63: {  	[sflag:s18] =	ssyncadd.s32 $0xFFFFD000  }
0x64: {  	_ =	swait.ge [sflag:s19], $0x3000  }
0x65: {  	[sflag:s19] =	ssyncset.done $0x0  }
0x66: {  	[sflag:s19] =	ssyncadd.s32 $0xFFFFD000  }
0x67: {  	_ =	swait.ge [sflag:s20], $0x3000  }
0x68: {  	[sflag:s20] =	ssyncset.done $0x0  }
0x69: {  	[sflag:s20] =	ssyncadd.s32 $0xFFFFD000  }
0x6a: {  	_ =	swait.ge [sflag:s21], $0x3000  }
0x6b: {  	[sflag:s21] =	ssyncset.done $0x0  }
0x6c: {  	[sflag:s21] =	ssyncadd.s32 $0xFFFFD000  }
0x6d: {  	_ =	swait.ge [sflag:s22], $0x3000  }
0x6e: {  	s24 =	simm.s32 $0xA00;
	s25 =	simm.s32 $0x1400;
	[sflag:s22] =	ssyncset.done $0x0  }
.LBB2_6:
0x6f: {  	s26 =	sshra.s32 s24, $0x2  }
0x70: {  	[sflag:s22] =	ssyncadd.s32 $0xFFFFD000;
	s24 =	smov.u32 s25;
	s28 =	sadd.s32 $0xA00, s25  }
0x71: {  	[spmem:s2] =	stream.indirect.scatter.add.f32 [tilespmem:s15], [sflag:$0x1], $0x80, s26, s17, $0xb8;
	[tilespmem:$0x1A800] =	vst v63  }
0x72: {  	p0 =	sne.s32 s25, $0xC800;
	s25 =	sadd.s32 $0x80, s26  }
0x73: {  	[spmem:s2] =	stream.indirect.scatter.add.f32 [tilespmem:s15], [sflag:$0x2], $0x80, s25, s17, $0xb8;
	[tilespmem:$0x1A800] =	vst v63  }
0x74: {  	s25 =	sadd.s32 $0x100, s26  }
0x75: {  	[spmem:s2] =	stream.indirect.scatter.add.f32 [tilespmem:s15], [sflag:$0x3], $0x80, s25, s17, $0xb8;
	[tilespmem:$0x1A800] =	vst v63  }
0x76: {  	s25 =	sadd.s32 $0x180, s26  }
0x77: {  	[spmem:s2] =	stream.indirect.scatter.add.f32 [tilespmem:s15], [sflag:$0x4], $0x80, s25, s17, $0xb8;
	[tilespmem:$0x1A800] =	vst v63  }
0x78: {  	s25 =	sadd.s32 $0x200, s26  }
0x79: {  	[spmem:s2] =	stream.indirect.scatter.add.f32 [tilespmem:s15], [sflag:$0x5], $0x80, s25, s17, $0xb8;
	[tilespmem:$0x1A800] =	vst v63  }
0x7a: {  	_ =	swait.ge [sflag:s18], $0x3000  }
0x7b: {  	[sflag:s18] =	ssyncset.done $0x0  }
0x7c: {  	[sflag:s18] =	ssyncadd.s32 $0xFFFFD000  }
0x7d: {  	_ =	swait.ge [sflag:s19], $0x3000  }
0x7e: {  	[sflag:s19] =	ssyncset.done $0x0  }
0x7f: {  	[sflag:s19] =	ssyncadd.s32 $0xFFFFD000  }
0x80: {  	_ =	swait.ge [sflag:s20], $0x3000  }
0x81: {  	[sflag:s20] =	ssyncset.done $0x0  }
0x82: {  	[sflag:s20] =	ssyncadd.s32 $0xFFFFD000  }
.Ltmp2:
0x83: {  	_ =	swait.ge [sflag:s21], $0x3000;
	(pc) =	sbr.rel @p0 .LBB2_6-.Ltmp2, $4  }
0x84: {  	[sflag:s21] =	ssyncset.done $0x0  }
0x85: {  	[sflag:s21] =	ssyncadd.s32 $0xFFFFD000  }
0x86: {  	_ =	swait.ge [sflag:s22], $0x3000  }
0x87: {  	s25 =	smov.u32 s28;
	[sflag:s22] =	ssyncset.done $0x0  }
0x88: {  	s24 =	sshra.s32 s24, $0x2;
	[sflag:s22] =	ssyncadd.s32 $0xFFFFD000  }
0x89: {  	[spmem:s2] =	stream.indirect.scatter.add.f32 [tilespmem:s15], [sflag:$0x1], $0x80, s24, s17, $0xb8;
	[tilespmem:$0x1A800] =	vst v63  }
0x8a: {  	s25 =	sadd.s32 $0x80, s24  }
0x8b: {  	[spmem:s2] =	stream.indirect.scatter.add.f32 [tilespmem:s15], [sflag:$0x2], $0x80, s25, s17, $0xb8;
	[tilespmem:$0x1A800] =	vst v63  }
0x8c: {  	s29 =	sadd.s32 $0x100, s24  }
0x8d: {  	[spmem:s2] =	stream.indirect.scatter.add.f32 [tilespmem:s15], [sflag:$0x3], $0x80, s29, s17, $0xb8;
	[tilespmem:$0x1A800] =	vst v63  }
0x8e: {  	s30 =	sadd.s32 $0x180, s24  }
0x8f: {  	[spmem:s2] =	stream.indirect.scatter.add.f32 [tilespmem:s15], [sflag:$0x4], $0x80, s30, s17, $0xb8;
	[tilespmem:$0x1A800] =	vst v63  }
0x90: {  	s24 =	sadd.s32 $0x200, s24  }
0x91: {  	[spmem:s2] =	stream.indirect.scatter.add.f32 [tilespmem:s15], [sflag:$0x5], $0x80, s24, s17, $0xb8;
	[tilespmem:$0x1A800] =	vst v63  }
0x92: {  	_ =	swait.ge [sflag:s18], $0x3000  }
0x93: {  	[sflag:s18] =	ssyncset.done $0x0  }
0x94: {  	[sflag:s18] =	ssyncadd.s32 $0xFFFFD000  }
0x95: {  	_ =	swait.ge [sflag:s19], $0x3000  }
0x96: {  	[sflag:s19] =	ssyncset.done $0x0  }
0x97: {  	[sflag:s19] =	ssyncadd.s32 $0xFFFFD000  }
0x98: {  	_ =	swait.ge [sflag:s20], $0x3000  }
0x99: {  	[sflag:s20] =	ssyncset.done $0x0  }
0x9a: {  	[sflag:s20] =	ssyncadd.s32 $0xFFFFD000  }
0x9b: {  	_ =	swait.ge [sflag:s21], $0x3000  }
0x9c: {  	[sflag:s21] =	ssyncset.done $0x0  }
0x9d: {  	[sflag:s21] =	ssyncadd.s32 $0xFFFFD000  }
0x9e: {  	_ =	swait.ge [sflag:s22], $0x3000  }
0x9f: {  	s3 =	sadd.s32 $0x1, s3;
	[sflag:s22] =	ssyncset.done $0x0  }
0xa0: {  	p0 =	sne.s32 s3, s14;
	[sflag:s22] =	ssyncadd.s32 $0xFFFFD000  }
.Ltmp3:
0xa1: {  	s31 =	sshrl.u32 s4, $0x3;
	[bflag:$0x0] =	sbarrier.arrive $0xFFFF;
	(pc) =	sbr.rel @p0 .LBB2_1-.Ltmp3, $4  }
0xa2: {  	[hbm:s13], [sflag:s23] =	dma.local [spmem:s31], $0x2800  }
0xa3: {  	_ =	swait.ge [sflag:s16], $0x2800  }
0xa4: {  	[sflag:s16] =	ssyncset.done $0x0  }
0xa5: {  	[sflag:s16] =	ssyncadd.s32 $0xFFFFD800  }
0xa6: {  	_ =	sfence.sel $0x180000  }
0xa7: {  	[bflag:$0x0] =	sbarrier.arrive $0xFFFF  }
0xa8: {  	p0 =	sne.s32 s0, $0x0;
	_ =	strace $0x90000047  }
0xa9: {  	s0 =	sadd.s32 @!p0 $0x100000, s1;
	[bflag:$0x2] =	sbarrier.arrive $0xFFFF  }
0xaa: {  	[sflag:s0] =	ssyncadd.tile.s32 @!p0 $0x1;
	_ =	shalt  }
.Lfunc_end2:
_tile_overlayer_lowered:
.L_overlay_start_2:
0xab: {  	(tag) =	ssettag $0x2  }
0xac: {  	s0 =	rddreg [dreg:$0x0];
	s2 =	stileid.u32  }
0xad: {  	s1 =	rddreg [dreg:$0x1];
	p0 =	sne.s32 s2, $0x0  }
0xae: {  	s3 =	rddreg [dreg:$0x2];
	[bflag:$0x3] =	sbarrier.arrive $0xFFFF;
	s2 =	simm.s32 @!p0 $0x1C06  }
0xaf: {  	[timem:s3], [sflag:s2] =	dma.local @!p0 [hbm:s0], s1  }
0xb0: {  	s0 =	simm.s32 @!p0 $0x6  }
0xb1: {  	_ =	swait.ge @!p0 [sflag:s0], s1  }
0xb2: {  	s1 =	ssub.s32 @!p0 $0x0, s1;
	[sflag:s0] =	ssyncset.done @!p0 $0x0  }
0xb3: {  	[sflag:s0] =	ssyncadd.s32 @!p0 s1  }
0xb4: {  	[bflag:$0x3] =	sbarrier.arrive $0xFFFF  }
0xb5: {  	_ =	shalt  }

</sc_bundles>
